<compile_context>
chip_gen: v7x
topology: tpu7x:2x2x1
jax: 0.10.2.dev20260603
libtpu: 0.0.44.dev20260713+nightly
codegen_flags: <defaults>
</compile_context>

<pallas_src>
import dataclasses
import functools

import jax
import jax.numpy as jnp
from jax import lax
from jax.experimental import pallas as pl
from jax.experimental.pallas import tpu as pltpu
from jax.experimental.pallas import tpu_sc as plsc

N = 10000
H = 128
E = 320000
EPS = 1e-5
NC = 2
NS = 16
NW = NC * NS
CH = 128
NSTEP0 = 120
NSTEP1 = 38
NCHUNK = NS * (NSTEP0 + NSTEP1)
C0TOT = NS * NSTEP0
EPAD2 = NCHUNK * CH
NSTEPD = NCHUNK // NW
NP = 10112
SLC = NP // NS
NPY = N + 16
NR = 80

_MESH = plsc.VectorSubcoreMesh(
    core_axis_name="c", subcore_axis_name="s", num_cores=NC, num_subcores=NS
)

_CP = pltpu.CompilerParams()
if "needs_layout_passes" in pltpu.CompilerParams.__dataclass_fields__:
    _CP = dataclasses.replace(_CP, needs_layout_passes=False)


def _sc_gather_scatter(y_pad, sd_idx, zeros_blk):

    @functools.partial(
        pl.kernel,
        out_type=jax.ShapeDtypeStruct((NC, NP, H), jnp.float32),
        mesh=_MESH,
        scratch_types=[
            pltpu.VMEM((2, CH), jnp.int32),
            pltpu.VMEM((2, CH), jnp.int32),
            pltpu.VMEM((CH, H), jnp.float32),
            pltpu.VMEM((CH, H), jnp.float32),
            pltpu.VMEM_SHARED((NP, H), jnp.float32),
            pltpu.SemaphoreType.DMA,
            pltpu.SemaphoreType.DMA,
            pltpu.SemaphoreType.DMA,
            pltpu.SemaphoreType.DMA,
            pltpu.SemaphoreType.DMA,
            pltpu.SemaphoreType.DMA,
        ],
    )
    def k(y_hbm, sd_hbm, z_hbm, acc_hbm, iA, iB, b0, b1, acc_sh,
          ia, ib, g0, g1, s0, s1):
        c = lax.axis_index("c")
        s = lax.axis_index("s")
        base = jnp.where(c == 0, s * NSTEP0, C0TOT + s * NSTEP1)
        pltpu.sync_copy(z_hbm, acc_sh.at[pl.ds(s * SLC, SLC)])

        def idx_load(i, buf, sem):
            pltpu.async_copy(sd_hbm.at[base + i], buf, sem)

        def wait_idx(buf, sem):
            pltpu.make_async_copy(sd_hbm.at[0], buf, sem).wait()

        def gather(buf_i, buf, sem):
            pltpu.async_copy(y_hbm.at[buf_i.at[0]], buf, sem)

        def wait_gather(buf, sem):
            pltpu.make_async_copy(y_hbm.at[pl.ds(0, CH)], buf, sem).wait()

        def scatter(buf_i, buf, sem):
            pltpu.async_copy(buf, acc_sh.at[buf_i.at[1]], sem, add=True)

        def wait_scatter(buf, sem):
            pltpu.make_async_copy(buf, acc_sh.at[pl.ds(0, CH)], sem).wait()

        nstep = jnp.where(c == 0, NSTEP0, NSTEP1)
        idx_load(0, iA, ia)
        idx_load(1, iB, ib)
        plsc.subcore_barrier()
        wait_idx(iA, ia)
        gather(iA, b0, g0)
        wait_idx(iB, ib)
        gather(iB, b1, g1)

        @pl.loop(0, NSTEP0, step=2)
        def _(i):
            @pl.when(i < nstep)
            def _():
                wait_gather(b0, g0)
                scatter(iA, b0, s0)
                wait_gather(b1, g1)
                scatter(iB, b1, s1)

                @pl.when(i + 2 < nstep)
                def _():
                    wait_scatter(b0, s0)
                    idx_load(i + 2, iA, ia)
                    wait_scatter(b1, s1)
                    idx_load(i + 3, iB, ib)
                    wait_idx(iA, ia)
                    gather(iA, b0, g0)
                    wait_idx(iB, ib)
                    gather(iB, b1, g1)

        wait_scatter(b0, s0)
        wait_scatter(b1, s1)
        plsc.subcore_barrier()
        pltpu.sync_copy(
            acc_sh.at[pl.ds(s * SLC, SLC)], acc_hbm.at[c, pl.ds(s * SLC, SLC)]
        )

    return k(y_pad, sd_idx, zeros_blk)


def _sc_degree(sd_idx, id_rows, zeros_blk):

    @functools.partial(
        pl.kernel,
        out_type=jax.ShapeDtypeStruct((NC, NR, H), jnp.float32),
        mesh=_MESH,
        compiler_params=_CP,
        scratch_types=[
            pltpu.VMEM((NSTEPD, 2, CH), jnp.int32),
            pltpu.VMEM((NR, H), jnp.float32),
            pltpu.VMEM((1, NR), jnp.int32),
            pltpu.VMEM_SHARED((NR, H), jnp.float32),
        ],
    )
    def k(sd_hbm, id_hbm, z_hbm, out_hbm, idx_all, hist, id_v, acc_sh):
        c = lax.axis_index("c")
        s = lax.axis_index("s")
        base = (c * NS + s) * NSTEPD
        pltpu.sync_copy(sd_hbm.at[pl.ds(base, NSTEPD)], idx_all)
        pltpu.sync_copy(id_hbm, id_v)

        @pl.when(s == 0)
        def _():
            pltpu.sync_copy(z_hbm.at[pl.ds(0, NR)], acc_sh)


        @pl.loop(0, NR)
        def _(r):
            for g in range(8):
                hist[r, pl.ds(16 * g, 16)] = jnp.zeros((16,), jnp.float32)

        ones16 = jnp.ones((16,), jnp.float32)

        @pl.loop(0, NSTEPD)
        def _(i):
            for g in range(8):
                d = idx_all[i, 1, pl.ds(16 * g, 16)]
                plsc.addupdate_scatter(hist, [d >> 7, d & 127], ones16)

        plsc.subcore_barrier()
        pltpu.sync_copy(hist, acc_sh.at[id_v.at[0]], add=True)
        plsc.subcore_barrier()

        @pl.when(s == 0)
        def _():
            pltpu.sync_copy(acc_sh, out_hbm.at[c])

    return k(sd_idx, id_rows, zeros_blk)


def _tc_first(x, degM, w1t):

    def body(x_ref, deg_ref, w_ref, dinv_ref, y_ref):
        deg = deg_ref[0, :N, :] + deg_ref[1, :N, :] + 1.0
        dinv = lax.rsqrt(deg) * jnp.ones((1, H), jnp.float32)
        dinv_ref[...] = dinv
        xw = jnp.dot(x_ref[...], w_ref[...], preferred_element_type=jnp.float32)
        y_ref[:N, :] = xw * dinv
        y_ref[N:, :] = jnp.zeros((NPY - N, H), jnp.float32)

    return pl.pallas_call(
        body,
        out_shape=(
            jax.ShapeDtypeStruct((N, H), jnp.float32),
            jax.ShapeDtypeStruct((NPY, H), jnp.float32),
        ),
    )(x, degM, w1t)


def _bn_relu(z, g_ref, be_ref):
    m = jnp.mean(z, axis=0, keepdims=True)
    zc = z - m
    v = jnp.mean(zc * zc, axis=0, keepdims=True)
    return zc * lax.rsqrt(v + EPS) * g_ref[...] + be_ref[...]


def _tc_mid(acc, y, dinvM, g, be, wnt):

    def body(acc_ref, y_ref, dinv_ref, g_ref, be_ref, w_ref, h_ref, yn_ref):
        z = (acc_ref[0, :N, :] + acc_ref[1, :N, :] + y_ref[:N, :]) * dinv_ref[...]
        h = jnp.maximum(_bn_relu(z, g_ref, be_ref), 0.0)
        h_ref[...] = h
        hw = jnp.dot(h, w_ref[...], preferred_element_type=jnp.float32)
        yn_ref[:N, :] = hw * dinv_ref[...]
        yn_ref[N:, :] = jnp.zeros((NPY - N, H), jnp.float32)

    return pl.pallas_call(
        body,
        out_shape=(
            jax.ShapeDtypeStruct((N, H), jnp.float32),
            jax.ShapeDtypeStruct((NPY, H), jnp.float32),
        ),
    )(acc, y, dinvM, g, be, wnt)


def _tc_res(acc, y, dinvM, g, be, res, wrest, bres, w4t):

    def body(acc_ref, y_ref, dinv_ref, g_ref, be_ref, res_ref, wr_ref, br_ref,
             w_ref, yn_ref):
        z = (acc_ref[0, :N, :] + acc_ref[1, :N, :] + y_ref[:N, :]) * dinv_ref[...]
        bn = _bn_relu(z, g_ref, be_ref)
        rw = jnp.dot(res_ref[...], wr_ref[...], preferred_element_type=jnp.float32)
        h = jnp.maximum(bn + rw + br_ref[...], 0.0)
        hw = jnp.dot(h, w_ref[...], preferred_element_type=jnp.float32)
        yn_ref[:N, :] = hw * dinv_ref[...]
        yn_ref[N:, :] = jnp.zeros((NPY - N, H), jnp.float32)

    return pl.pallas_call(
        body,
        out_shape=jax.ShapeDtypeStruct((NPY, H), jnp.float32),
    )(acc, y, dinvM, g, be, res, wrest, bres, w4t)


def _tc_head(acc, y, dinvM, g, be, wvt, bv, wot, bo, woutt, bout):

    def body(acc_ref, y_ref, dinv_ref, g_ref, be_ref, wv_ref, bv_ref, wo_ref,
             bo_ref, wout_ref, bout_ref, out_ref):
        z = (acc_ref[0, :N, :] + acc_ref[1, :N, :] + y_ref[:N, :]) * dinv_ref[...]
        h = jnp.maximum(_bn_relu(z, g_ref, be_ref), 0.0)
        v = jnp.dot(h, wv_ref[...], preferred_element_type=jnp.float32) + bv_ref[...]
        o = jnp.dot(v, wo_ref[...], preferred_element_type=jnp.float32) + bo_ref[...]
        out_ref[...] = (
            jnp.dot(o, wout_ref[...], preferred_element_type=jnp.float32)
            + bout_ref[...]
        )

    return pl.pallas_call(
        body,
        out_shape=jax.ShapeDtypeStruct((N, H), jnp.float32),
    )(acc, y, dinvM, g, be, wvt, bv, wot, bo, woutt, bout)


def kernel(x, edge_index, params):
    p = params
    pad = jnp.full((EPAD2 - E,), N, jnp.int32)
    srcf = jnp.concatenate([edge_index[0], pad]).reshape(NCHUNK, CH)
    dstf = jnp.concatenate([edge_index[1], pad]).reshape(NCHUNK, CH)
    sd = jnp.stack([srcf, dstf], axis=1)
    zeros_blk = jnp.zeros((SLC, H), jnp.float32)
    id_rows = jnp.arange(NR, dtype=jnp.int32).reshape(1, NR)

    def row(b):
        return b.reshape(1, H)

    degM = _sc_degree(sd, id_rows, zeros_blk).reshape(NC, NR * H, 1)
    dinvM, y1 = _tc_first(x, degM, p["W1"].T)
    acc1 = _sc_gather_scatter(y1, sd, zeros_blk)
    h1, y2 = _tc_mid(acc1, y1, dinvM, row(p["g1"]), row(p["be1"]), p["W2"].T)
    acc2 = _sc_gather_scatter(y2, sd, zeros_blk)
    _, y3 = _tc_mid(acc2, y2, dinvM, row(p["g2"]), row(p["be2"]), p["W3"].T)
    acc3 = _sc_gather_scatter(y3, sd, zeros_blk)
    y4 = _tc_res(acc3, y3, dinvM, row(p["g3"]), row(p["be3"]), h1,
                 p["Wres"].T, row(p["bres"]), p["W4"].T)
    acc4 = _sc_gather_scatter(y4, sd, zeros_blk)
    out = _tc_head(acc4, y4, dinvM, row(p["g4"]), row(p["be4"]),
                   p["Wv"].T, row(p["bv"]), p["Wo"].T, row(p["bo"]),
                   p["Wout"].T, row(p["bout"]))
    return out[None]

# --- scband reference (transcript-rebuilt; emitter-appended) ---
"""Pipeline reference for scband-gcn-11098195493584 (READ-ONLY COPY).

The authoritative reference and input builder live on the scoring server;
editing this copy changes nothing except your own understanding.
"""

import jax, jax.numpy as jnp
import numpy as np

N = 10000
E_EDGES = 320000
D_IN = 128
H = 128
D_OUT = 128
HEADS = 4
EPS = 1e-5


def _lin(k, o, i):
    return (jax.random.normal(k, (o, i), dtype=jnp.float32) * (1.0 / np.sqrt(i))).astype(jnp.float32)


def setup_inputs(seed: int = 0):
    key = jax.random.key(seed)
    ks = jax.random.split(key, 16)
    x = jax.random.normal(ks[0], (N, D_IN), dtype=jnp.float32)
    edge_index = jax.random.randint(ks[1], (2, E_EDGES), 0, N, dtype=jnp.int32)
    p = {}
    p['W1'] = _lin(ks[2], H, D_IN)
    p['b1'] = jnp.zeros((H,), jnp.float32)
    p['g1'] = jnp.ones((H,), jnp.float32)
    p['be1'] = jnp.zeros((H,), jnp.float32)
    p['W2'] = _lin(ks[3], H, H)
    p['b2'] = jnp.zeros((H,), jnp.float32)
    p['g2'] = jnp.ones((H,), jnp.float32)
    p['be2'] = jnp.zeros((H,), jnp.float32)
    p['W3'] = _lin(ks[4], H, H)
    p['b3'] = jnp.zeros((H,), jnp.float32)
    p['g3'] = jnp.ones((H,), jnp.float32)
    p['be3'] = jnp.zeros((H,), jnp.float32)
    p['W4'] = _lin(ks[5], H, H)
    p['b4'] = jnp.zeros((H,), jnp.float32)
    p['g4'] = jnp.ones((H,), jnp.float32)
    p['be4'] = jnp.zeros((H,), jnp.float32)
    p['Wres'] = _lin(ks[6], H, H)
    p['bres'] = jnp.zeros((H,), jnp.float32)
    p['Wq'] = _lin(ks[7], H, H)
    p['bq'] = jnp.zeros((H,), jnp.float32)
    p['Wk'] = _lin(ks[8], H, H)
    p['bk'] = jnp.zeros((H,), jnp.float32)
    p['Wv'] = _lin(ks[9], H, H)
    p['bv'] = jnp.zeros((H,), jnp.float32)
    p['Wo'] = _lin(ks[10], H, H)
    p['bo'] = jnp.zeros((H,), jnp.float32)
    p['Wout'] = _lin(ks[11], D_OUT, H)
    p['bout'] = jnp.zeros((D_OUT,), jnp.float32)
    return {'x': x, 'edge_index': edge_index, 'params': p}


def _gcn(x, src, dst, W, b):
    deg = jnp.zeros((N,), jnp.float32).at[dst].add(1.0)
    dinv = jnp.where(deg > 0, jax.lax.rsqrt(jnp.maximum(deg, 1e-12)), 0.0)
    norm = dinv[src] * dinv[dst]
    xw = x @ W.T
    out = jnp.zeros((N, W.shape[0]), jnp.float32).at[dst].add(xw[src] * norm[:, None])
    return out + b


def _bn(x, g, b):
    m = jnp.mean(x, axis=0)
    v = jnp.var(x, axis=0)
    return (x - m) * jax.lax.rsqrt(v + EPS) * g + b


def _forward(x, edge_index, p):
    loop = jnp.arange(N, dtype=edge_index.dtype)
    src = jnp.concatenate([edge_index[0], loop])
    dst = jnp.concatenate([edge_index[1], loop])
    h = jax.nn.relu(_bn(_gcn(x, src, dst, p['W1'], p['b1']), p['g1'], p['be1']))
    res = h
    h = jax.nn.relu(_bn(_gcn(h, src, dst, p['W2'], p['b2']), p['g2'], p['be2']))
    h = jax.nn.relu(_bn(_gcn(h, src, dst, p['W3'], p['b3']), p['g3'], p['be3']) + res @ p['Wres'].T + p['bres'])
    h = jax.nn.relu(_bn(_gcn(h, src, dst, p['W4'], p['b4']), p['g4'], p['be4']))
    # nn.MultiheadAttention with x.unsqueeze(0): seq_len=1, batch=N (batch_first=False)
    q = h @ p['Wq'].T + p['bq']
    k = h @ p['Wk'].T + p['bk']
    v = h @ p['Wv'].T + p['bv']
    hd = H // HEADS
    qh = q.reshape(N, HEADS, hd)
    kh = k.reshape(N, HEADS, hd)
    vh = v.reshape(N, HEADS, hd)
    scores = jnp.sum(qh * kh, axis=-1, keepdims=True) / np.sqrt(hd)
    attn = jax.nn.softmax(scores, axis=-1)  # length-1 key axis -> all ones
    o = (attn * vh).reshape(N, H) @ p['Wo'].T + p['bo']
    out = o @ p['Wout'].T + p['bout']
    return out[None]  # (1, N, D_OUT), matching torch output


def reference(x, edge_index, params):
    return _forward(x, edge_index, params)

if __name__ == "__main__":
    import jax
    _d = setup_inputs()
    print(jax.jit(kernel)(*tuple(_d.values())))

</pallas_src>

<mosaic_0001>
#map = affine_map<(d0, d1) -> (0, 0)>
#map1 = affine_map<(d0, d1) -> (0, 0, 0)>
module attributes {stable_mosaic.version = 14 : i64} {
  func.func @k(%arg0: i32, %arg1: i32, %arg2: memref<10016x128xf32, #tpu.memory_space<hbm>>, %arg3: memref<2528x2x128xi32, #tpu.memory_space<hbm>>, %arg4: memref<632x128xf32, #tpu.memory_space<hbm>>, %arg5: memref<2x10112x128xf32, #tpu.memory_space<hbm>>, %arg6: memref<2x128xi32, #tpu.memory_space<vmem>>, %arg7: memref<2x128xi32, #tpu.memory_space<vmem>>, %arg8: memref<128x128xf32, #tpu.memory_space<vmem>>, %arg9: memref<128x128xf32, #tpu.memory_space<vmem>>, %arg10: memref<10112x128xf32, #tpu.memory_space<vmem_shared>>, %arg11: memref<!tpu.dma_semaphore, #tpu.memory_space<semaphore_mem>>, %arg12: memref<!tpu.dma_semaphore, #tpu.memory_space<semaphore_mem>>, %arg13: memref<!tpu.dma_semaphore, #tpu.memory_space<semaphore_mem>>, %arg14: memref<!tpu.dma_semaphore, #tpu.memory_space<semaphore_mem>>, %arg15: memref<!tpu.dma_semaphore, #tpu.memory_space<semaphore_mem>>, %arg16: memref<!tpu.dma_semaphore, #tpu.memory_space<semaphore_mem>>) attributes {dimension_semantics = [#tpu.dimension_semantics<core_parallel>, #tpu.dimension_semantics<subcore_parallel>], iteration_bounds = array<i64: 2, 16>, scalar_prefetch = 0 : i64, scratch_operands = 11 : i64, tpu.core_type = #tpu.core_type<sc_vector_subcore>, window_params = [{transform_indices = #map}, {transform_indices = #map1}, {transform_indices = #map}, {transform_indices = #map1}]} {
    %eq3A = arith.constant 0 : i32
    %eq3A_0 = arith.cmpi eq, %arg0, %eq3A : i32
    %mul3A = arith.constant 120 : i32
    %mul3A_1 = arith.muli %arg1, %mul3A : i32
    %mul3A_2 = arith.constant 38 : i32
    %mul3A_3 = arith.muli %arg1, %mul3A_2 : i32
    %add3A = arith.constant 1920 : i32
    %add3A_4 = arith.addi %add3A, %mul3A_3 : i32
    %select_n3A = arith.select %eq3A_0, %mul3A_1, %add3A_4 : i32
    %mul3A_5 = arith.constant 632 : i32
    %mul3A_6 = arith.muli %arg1, %mul3A_5 : i32
    "tpu.region"() ({
      %run_scoped3A = tpu.sem_alloc : memref<!tpu.dma_semaphore, #tpu.memory_space<semaphore_mem>>
      %dma_start3A_82 = arith.constant 0 : i32
      %dma_start3A_83 = tpu.memref_slice %arg10[%mul3A_6, %dma_start3A_82] : memref<10112x128xf32, #tpu.memory_space<vmem_shared>> -> memref<632x128xf32, #tpu.memory_space<vmem_shared>>
      tpu.enqueue_dma source(%arg4 : memref<632x128xf32, #tpu.memory_space<hbm>>) target(%dma_start3A_83 : memref<632x128xf32, #tpu.memory_space<vmem_shared>>) target_semaphore(%run_scoped3A : memref<!tpu.dma_semaphore, #tpu.memory_space<semaphore_mem>>)
      %dma_wait3A_84 = arith.constant 0 : i32
      %dma_wait3A_85 = tpu.memref_slice %arg10[%mul3A_6, %dma_wait3A_84] : memref<10112x128xf32, #tpu.memory_space<vmem_shared>> -> memref<632x128xf32, #tpu.memory_space<vmem_shared>>
      tpu.wait_dma2 semaphore(%run_scoped3A : memref<!tpu.dma_semaphore, #tpu.memory_space<semaphore_mem>>) src(%arg4 : memref<632x128xf32, #tpu.memory_space<hbm>>) dst(%dma_wait3A_85 : memref<632x128xf32, #tpu.memory_space<vmem_shared>>)
      tpu.yield
    }) : () -> ()
    %eq3A_7 = arith.constant 0 : i32
    %eq3A_8 = arith.cmpi eq, %arg0, %eq3A_7 : i32
    %jit3A = arith.constant 120 : i32
    %jit3A_9 = arith.constant 38 : i32
    %select_n3A_10 = arith.select %eq3A_8, %jit3A, %jit3A_9 : i32
    %add3A_11 = arith.constant 0 : i32
    %add3A_12 = arith.addi %select_n3A, %add3A_11 : i32
    %dma_start3A = arith.constant 0 : i32
    %dma_start3A_13 = arith.constant 0 : i32
    %dma_start3A_14 = tpu.memref_slice %arg3[%add3A_12, %dma_start3A, %dma_start3A_13] : memref<2528x2x128xi32, #tpu.memory_space<hbm>> -> memref<1x2x128xi32, #tpu.memory_space<hbm>>
    %dma_start3A_15 = tpu.memref_squeeze %dma_start3A_14 : memref<1x2x128xi32, #tpu.memory_space<hbm>> -> memref<2x128xi32, #tpu.memory_space<hbm>>
    %dma_start3A_16 = arith.constant 0 : i32
    %dma_start3A_17 = arith.constant 0 : i32
    %dma_start3A_18 = tpu.memref_slice %arg3[%add3A_12, %dma_start3A_16, %dma_start3A_17] : memref<2528x2x128xi32, #tpu.memory_space<hbm>> -> memref<1x2x128xi32, #tpu.memory_space<hbm>>
    %dma_start3A_19 = tpu.memref_squeeze %dma_start3A_18 : memref<1x2x128xi32, #tpu.memory_space<hbm>> -> memref<2x128xi32, #tpu.memory_space<hbm>>
    tpu.enqueue_dma source(%dma_start3A_19 : memref<2x128xi32, #tpu.memory_space<hbm>>) target(%arg6 : memref<2x128xi32, #tpu.memory_space<vmem>>) target_semaphore(%arg11 : memref<!tpu.dma_semaphore, #tpu.memory_space<semaphore_mem>>)
    %add3A_20 = arith.constant 1 : i32
    %add3A_21 = arith.addi %select_n3A, %add3A_20 : i32
    %dma_start3A_22 = arith.constant 0 : i32
    %dma_start3A_23 = arith.constant 0 : i32
    %dma_start3A_24 = tpu.memref_slice %arg3[%add3A_21, %dma_start3A_22, %dma_start3A_23] : memref<2528x2x128xi32, #tpu.memory_space<hbm>> -> memref<1x2x128xi32, #tpu.memory_space<hbm>>
    %dma_start3A_25 = tpu.memref_squeeze %dma_start3A_24 : memref<1x2x128xi32, #tpu.memory_space<hbm>> -> memref<2x128xi32, #tpu.memory_space<hbm>>
    %dma_start3A_26 = arith.constant 0 : i32
    %dma_start3A_27 = arith.constant 0 : i32
    %dma_start3A_28 = tpu.memref_slice %arg3[%add3A_21, %dma_start3A_26, %dma_start3A_27] : memref<2528x2x128xi32, #tpu.memory_space<hbm>> -> memref<1x2x128xi32, #tpu.memory_space<hbm>>
    %dma_start3A_29 = tpu.memref_squeeze %dma_start3A_28 : memref<1x2x128xi32, #tpu.memory_space<hbm>> -> memref<2x128xi32, #tpu.memory_space<hbm>>
    tpu.enqueue_dma source(%dma_start3A_29 : memref<2x128xi32, #tpu.memory_space<hbm>>) target(%arg7 : memref<2x128xi32, #tpu.memory_space<vmem>>) target_semaphore(%arg12 : memref<!tpu.dma_semaphore, #tpu.memory_space<semaphore_mem>>)
    %barrier3A = arith.constant 0 : index
    tpu.barrier barrier_id(%barrier3A)
    %dma_wait3A = arith.constant 0 : i32
    %dma_wait3A_30 = arith.constant 0 : i32
    %dma_wait3A_31 = arith.constant 0 : i32
    %dma_wait3A_32 = tpu.memref_slice %arg3[%dma_wait3A, %dma_wait3A_30, %dma_wait3A_31] : memref<2528x2x128xi32, #tpu.memory_space<hbm>> -> memref<1x2x128xi32, #tpu.memory_space<hbm>>
    %dma_wait3A_33 = tpu.memref_squeeze %dma_wait3A_32 : memref<1x2x128xi32, #tpu.memory_space<hbm>> -> memref<2x128xi32, #tpu.memory_space<hbm>>
    %dma_wait3A_34 = arith.constant 0 : i32
    %dma_wait3A_35 = arith.constant 0 : i32
    %dma_wait3A_36 = tpu.memref_slice %arg3[%dma_wait3A, %dma_wait3A_34, %dma_wait3A_35] : memref<2528x2x128xi32, #tpu.memory_space<hbm>> -> memref<1x2x128xi32, #tpu.memory_space<hbm>>
    %dma_wait3A_37 = tpu.memref_squeeze %dma_wait3A_36 : memref<1x2x128xi32, #tpu.memory_space<hbm>> -> memref<2x128xi32, #tpu.memory_space<hbm>>
    tpu.wait_dma2 semaphore(%arg11 : memref<!tpu.dma_semaphore, #tpu.memory_space<semaphore_mem>>) src(%dma_wait3A_37 : memref<2x128xi32, #tpu.memory_space<hbm>>) dst(%arg6 : memref<2x128xi32, #tpu.memory_space<vmem>>)
    %dma_start3A_38 = arith.constant 0 : i32
    %dma_start3A_39 = arith.constant 0 : i32
    %dma_start3A_40 = tpu.memref_slice %arg6[%dma_start3A_38, %dma_start3A_39] : memref<2x128xi32, #tpu.memory_space<vmem>> -> memref<1x128xi32, #tpu.memory_space<vmem>>
    %dma_start3A_41 = tpu.memref_squeeze %dma_start3A_40 : memref<1x128xi32, #tpu.memory_space<vmem>> -> memref<128xi32, #tpu.memory_space<vmem>>
    %dma_start3A_42 = arith.constant 0 : i32
    %dma_start3A_43 = arith.constant 0 : i32
    %dma_start3A_44 = tpu.memref_slice %arg2[%dma_start3A_42, %dma_start3A_43] : memref<10016x128xf32, #tpu.memory_space<hbm>> -> memref<10016x128xf32, #tpu.memory_space<hbm>>
    tpu.enqueue_indirect_dma source(%dma_start3A_44 : memref<10016x128xf32, #tpu.memory_space<hbm>>) target(%arg8 : memref<128x128xf32, #tpu.memory_space<vmem>>) offsets(%dma_start3A_41 : memref<128xi32, #tpu.memory_space<vmem>>) semaphore(%arg13 : memref<!tpu.dma_semaphore, #tpu.memory_space<semaphore_mem>>)
    %dma_wait3A_45 = arith.constant 0 : i32
    %dma_wait3A_46 = arith.constant 0 : i32
    %dma_wait3A_47 = arith.constant 0 : i32
    %dma_wait3A_48 = tpu.memref_slice %arg3[%dma_wait3A_45, %dma_wait3A_46, %dma_wait3A_47] : memref<2528x2x128xi32, #tpu.memory_space<hbm>> -> memref<1x2x128xi32, #tpu.memory_space<hbm>>
    %dma_wait3A_49 = tpu.memref_squeeze %dma_wait3A_48 : memref<1x2x128xi32, #tpu.memory_space<hbm>> -> memref<2x128xi32, #tpu.memory_space<hbm>>
    %dma_wait3A_50 = arith.constant 0 : i32
    %dma_wait3A_51 = arith.constant 0 : i32
    %dma_wait3A_52 = tpu.memref_slice %arg3[%dma_wait3A_45, %dma_wait3A_50, %dma_wait3A_51] : memref<2528x2x128xi32, #tpu.memory_space<hbm>> -> memref<1x2x128xi32, #tpu.memory_space<hbm>>
    %dma_wait3A_53 = tpu.memref_squeeze %dma_wait3A_52 : memref<1x2x128xi32, #tpu.memory_space<hbm>> -> memref<2x128xi32, #tpu.memory_space<hbm>>
    tpu.wait_dma2 semaphore(%arg12 : memref<!tpu.dma_semaphore, #tpu.memory_space<semaphore_mem>>) src(%dma_wait3A_53 : memref<2x128xi32, #tpu.memory_space<hbm>>) dst(%arg7 : memref<2x128xi32, #tpu.memory_space<vmem>>)
    %dma_start3A_54 = arith.constant 0 : i32
    %dma_start3A_55 = arith.constant 0 : i32
    %dma_start3A_56 = tpu.memref_slice %arg7[%dma_start3A_54, %dma_start3A_55] : memref<2x128xi32, #tpu.memory_space<vmem>> -> memref<1x128xi32, #tpu.memory_space<vmem>>
    %dma_start3A_57 = tpu.memref_squeeze %dma_start3A_56 : memref<1x128xi32, #tpu.memory_space<vmem>> -> memref<128xi32, #tpu.memory_space<vmem>>
    %dma_start3A_58 = arith.constant 0 : i32
    %dma_start3A_59 = arith.constant 0 : i32
    %dma_start3A_60 = tpu.memref_slice %arg2[%dma_start3A_58, %dma_start3A_59] : memref<10016x128xf32, #tpu.memory_space<hbm>> -> memref<10016x128xf32, #tpu.memory_space<hbm>>
    tpu.enqueue_indirect_dma source(%dma_start3A_60 : memref<10016x128xf32, #tpu.memory_space<hbm>>) target(%arg9 : memref<128x128xf32, #tpu.memory_space<vmem>>) offsets(%dma_start3A_57 : memref<128xi32, #tpu.memory_space<vmem>>) semaphore(%arg14 : memref<!tpu.dma_semaphore, #tpu.memory_space<semaphore_mem>>)
    %scan3A = arith.constant 0 : i32
    %scan3A_61 = arith.constant 60 : i32
    %scan3A_62 = arith.addi %scan3A, %scan3A_61 : i32
    %scan3A_63 = arith.constant 1 : i32
    scf.for %scan3A_82 = %scan3A to %scan3A_62 step %scan3A_63  : i32 {
      %mul3A_83 = arith.constant 2 : i32
      %mul3A_84 = arith.muli %scan3A_82, %mul3A_83 : i32
      %add3A_85 = arith.constant 0 : i32
      %add3A_86 = arith.addi %add3A_85, %mul3A_84 : i32
      %lt3A = arith.cmpi slt, %add3A_86, %select_n3A_10 : i32
      %convert_element_type3A = arith.extui %lt3A : i1 to i32
      %cond3A = arith.constant 0 : i32
      %cond3A_87 = arith.cmpi ne, %convert_element_type3A, %cond3A : i32
      scf.if %cond3A_87 {
        %dma_wait3A_88 = arith.constant 0 : i32
        %dma_wait3A_89 = arith.constant 0 : i32
        %dma_wait3A_90 = tpu.memref_slice %arg2[%dma_wait3A_88, %dma_wait3A_89] : memref<10016x128xf32, #tpu.memory_space<hbm>> -> memref<128x128xf32, #tpu.memory_space<hbm>>
        %dma_wait3A_91 = arith.constant 0 : i32
        %dma_wait3A_92 = arith.constant 0 : i32
        %dma_wait3A_93 = tpu.memref_slice %arg2[%dma_wait3A_91, %dma_wait3A_92] : memref<10016x128xf32, #tpu.memory_space<hbm>> -> memref<128x128xf32, #tpu.memory_space<hbm>>
        tpu.wait_dma2 semaphore(%arg13 : memref<!tpu.dma_semaphore, #tpu.memory_space<semaphore_mem>>) src(%dma_wait3A_93 : memref<128x128xf32, #tpu.memory_space<hbm>>) dst(%arg8 : memref<128x128xf32, #tpu.memory_space<vmem>>)
        %dma_start3A_94 = arith.constant 1 : i32
        %dma_start3A_95 = arith.constant 0 : i32
        %dma_start3A_96 = tpu.memref_slice %arg6[%dma_start3A_94, %dma_start3A_95] : memref<2x128xi32, #tpu.memory_space<vmem>> -> memref<1x128xi32, #tpu.memory_space<vmem>>
        %dma_start3A_97 = tpu.memref_squeeze %dma_start3A_96 : memref<1x128xi32, #tpu.memory_space<vmem>> -> memref<128xi32, #tpu.memory_space<vmem>>
        %dma_start3A_98 = arith.constant 0 : i32
        %dma_start3A_99 = arith.constant 0 : i32
        %dma_start3A_100 = tpu.memref_slice %arg10[%dma_start3A_98, %dma_start3A_99] : memref<10112x128xf32, #tpu.memory_space<vmem_shared>> -> memref<10112x128xf32, #tpu.memory_space<vmem_shared>>
        tpu.enqueue_indirect_dma source(%arg8 : memref<128x128xf32, #tpu.memory_space<vmem>>) target(%dma_start3A_100 : memref<10112x128xf32, #tpu.memory_space<vmem_shared>>) offsets(%dma_start3A_97 : memref<128xi32, #tpu.memory_space<vmem>>) semaphore(%arg15 : memref<!tpu.dma_semaphore, #tpu.memory_space<semaphore_mem>>) {add = true}
        %dma_wait3A_101 = arith.constant 0 : i32
        %dma_wait3A_102 = arith.constant 0 : i32
        %dma_wait3A_103 = tpu.memref_slice %arg2[%dma_wait3A_101, %dma_wait3A_102] : memref<10016x128xf32, #tpu.memory_space<hbm>> -> memref<128x128xf32, #tpu.memory_space<hbm>>
        %dma_wait3A_104 = arith.constant 0 : i32
        %dma_wait3A_105 = arith.constant 0 : i32
        %dma_wait3A_106 = tpu.memref_slice %arg2[%dma_wait3A_104, %dma_wait3A_105] : memref<10016x128xf32, #tpu.memory_space<hbm>> -> memref<128x128xf32, #tpu.memory_space<hbm>>
        tpu.wait_dma2 semaphore(%arg14 : memref<!tpu.dma_semaphore, #tpu.memory_space<semaphore_mem>>) src(%dma_wait3A_106 : memref<128x128xf32, #tpu.memory_space<hbm>>) dst(%arg9 : memref<128x128xf32, #tpu.memory_space<vmem>>)
        %dma_start3A_107 = arith.constant 1 : i32
        %dma_start3A_108 = arith.constant 0 : i32
        %dma_start3A_109 = tpu.memref_slice %arg7[%dma_start3A_107, %dma_start3A_108] : memref<2x128xi32, #tpu.memory_space<vmem>> -> memref<1x128xi32, #tpu.memory_space<vmem>>
        %dma_start3A_110 = tpu.memref_squeeze %dma_start3A_109 : memref<1x128xi32, #tpu.memory_space<vmem>> -> memref<128xi32, #tpu.memory_space<vmem>>
        %dma_start3A_111 = arith.constant 0 : i32
        %dma_start3A_112 = arith.constant 0 : i32
        %dma_start3A_113 = tpu.memref_slice %arg10[%dma_start3A_111, %dma_start3A_112] : memref<10112x128xf32, #tpu.memory_space<vmem_shared>> -> memref<10112x128xf32, #tpu.memory_space<vmem_shared>>
        tpu.enqueue_indirect_dma source(%arg9 : memref<128x128xf32, #tpu.memory_space<vmem>>) target(%dma_start3A_113 : memref<10112x128xf32, #tpu.memory_space<vmem_shared>>) offsets(%dma_start3A_110 : memref<128xi32, #tpu.memory_space<vmem>>) semaphore(%arg16 : memref<!tpu.dma_semaphore, #tpu.memory_space<semaphore_mem>>) {add = true}
        %add3A_114 = arith.constant 2 : i32
        %add3A_115 = arith.addi %add3A_86, %add3A_114 : i32
        %lt3A_116 = arith.cmpi slt, %add3A_115, %select_n3A_10 : i32
        %convert_element_type3A_117 = arith.extui %lt3A_116 : i1 to i32
        %cond3A_118 = arith.constant 0 : i32
        %cond3A_119 = arith.cmpi ne, %convert_element_type3A_117, %cond3A_118 : i32
        scf.if %cond3A_119 {
          %dma_wait3A_120 = arith.constant 0 : i32
          %dma_wait3A_121 = arith.constant 0 : i32
          %dma_wait3A_122 = tpu.memref_slice %arg10[%dma_wait3A_120, %dma_wait3A_121] : memref<10112x128xf32, #tpu.memory_space<vmem_shared>> -> memref<128x128xf32, #tpu.memory_space<vmem_shared>>
          %dma_wait3A_123 = arith.constant 0 : i32
          %dma_wait3A_124 = arith.constant 0 : i32
          %dma_wait3A_125 = tpu.memref_slice %arg10[%dma_wait3A_123, %dma_wait3A_124] : memref<10112x128xf32, #tpu.memory_space<vmem_shared>> -> memref<128x128xf32, #tpu.memory_space<vmem_shared>>
          tpu.wait_dma2 semaphore(%arg15 : memref<!tpu.dma_semaphore, #tpu.memory_space<semaphore_mem>>) src(%arg8 : memref<128x128xf32, #tpu.memory_space<vmem>>) dst(%dma_wait3A_125 : memref<128x128xf32, #tpu.memory_space<vmem_shared>>)
          %add3A_126 = arith.constant 2 : i32
          %add3A_127 = arith.addi %add3A_86, %add3A_126 : i32
          %add3A_128 = arith.addi %select_n3A, %add3A_127 : i32
          %dma_start3A_129 = arith.constant 0 : i32
          %dma_start3A_130 = arith.constant 0 : i32
          %dma_start3A_131 = tpu.memref_slice %arg3[%add3A_128, %dma_start3A_129, %dma_start3A_130] : memref<2528x2x128xi32, #tpu.memory_space<hbm>> -> memref<1x2x128xi32, #tpu.memory_space<hbm>>
          %dma_start3A_132 = tpu.memref_squeeze %dma_start3A_131 : memref<1x2x128xi32, #tpu.memory_space<hbm>> -> memref<2x128xi32, #tpu.memory_space<hbm>>
          %dma_start3A_133 = arith.constant 0 : i32
          %dma_start3A_134 = arith.constant 0 : i32
          %dma_start3A_135 = tpu.memref_slice %arg3[%add3A_128, %dma_start3A_133, %dma_start3A_134] : memref<2528x2x128xi32, #tpu.memory_space<hbm>> -> memref<1x2x128xi32, #tpu.memory_space<hbm>>
          %dma_start3A_136 = tpu.memref_squeeze %dma_start3A_135 : memref<1x2x128xi32, #tpu.memory_space<hbm>> -> memref<2x128xi32, #tpu.memory_space<hbm>>
          tpu.enqueue_dma source(%dma_start3A_136 : memref<2x128xi32, #tpu.memory_space<hbm>>) target(%arg6 : memref<2x128xi32, #tpu.memory_space<vmem>>) target_semaphore(%arg11 : memref<!tpu.dma_semaphore, #tpu.memory_space<semaphore_mem>>)
          %dma_wait3A_137 = arith.constant 0 : i32
          %dma_wait3A_138 = arith.constant 0 : i32
          %dma_wait3A_139 = tpu.memref_slice %arg10[%dma_wait3A_137, %dma_wait3A_138] : memref<10112x128xf32, #tpu.memory_space<vmem_shared>> -> memref<128x128xf32, #tpu.memory_space<vmem_shared>>
          %dma_wait3A_140 = arith.constant 0 : i32
          %dma_wait3A_141 = arith.constant 0 : i32
          %dma_wait3A_142 = tpu.memref_slice %arg10[%dma_wait3A_140, %dma_wait3A_141] : memref<10112x128xf32, #tpu.memory_space<vmem_shared>> -> memref<128x128xf32, #tpu.memory_space<vmem_shared>>
          tpu.wait_dma2 semaphore(%arg16 : memref<!tpu.dma_semaphore, #tpu.memory_space<semaphore_mem>>) src(%arg9 : memref<128x128xf32, #tpu.memory_space<vmem>>) dst(%dma_wait3A_142 : memref<128x128xf32, #tpu.memory_space<vmem_shared>>)
          %add3A_143 = arith.constant 3 : i32
          %add3A_144 = arith.addi %add3A_86, %add3A_143 : i32
          %add3A_145 = arith.addi %select_n3A, %add3A_144 : i32
          %dma_start3A_146 = arith.constant 0 : i32
          %dma_start3A_147 = arith.constant 0 : i32
          %dma_start3A_148 = tpu.memref_slice %arg3[%add3A_145, %dma_start3A_146, %dma_start3A_147] : memref<2528x2x128xi32, #tpu.memory_space<hbm>> -> memref<1x2x128xi32, #tpu.memory_space<hbm>>
          %dma_start3A_149 = tpu.memref_squeeze %dma_start3A_148 : memref<1x2x128xi32, #tpu.memory_space<hbm>> -> memref<2x128xi32, #tpu.memory_space<hbm>>
          %dma_start3A_150 = arith.constant 0 : i32
          %dma_start3A_151 = arith.constant 0 : i32
          %dma_start3A_152 = tpu.memref_slice %arg3[%add3A_145, %dma_start3A_150, %dma_start3A_151] : memref<2528x2x128xi32, #tpu.memory_space<hbm>> -> memref<1x2x128xi32, #tpu.memory_space<hbm>>
          %dma_start3A_153 = tpu.memref_squeeze %dma_start3A_152 : memref<1x2x128xi32, #tpu.memory_space<hbm>> -> memref<2x128xi32, #tpu.memory_space<hbm>>
          tpu.enqueue_dma source(%dma_start3A_153 : memref<2x128xi32, #tpu.memory_space<hbm>>) target(%arg7 : memref<2x128xi32, #tpu.memory_space<vmem>>) target_semaphore(%arg12 : memref<!tpu.dma_semaphore, #tpu.memory_space<semaphore_mem>>)
          %dma_wait3A_154 = arith.constant 0 : i32
          %dma_wait3A_155 = arith.constant 0 : i32
          %dma_wait3A_156 = arith.constant 0 : i32
          %dma_wait3A_157 = tpu.memref_slice %arg3[%dma_wait3A_154, %dma_wait3A_155, %dma_wait3A_156] : memref<2528x2x128xi32, #tpu.memory_space<hbm>> -> memref<1x2x128xi32, #tpu.memory_space<hbm>>
          %dma_wait3A_158 = tpu.memref_squeeze %dma_wait3A_157 : memref<1x2x128xi32, #tpu.memory_space<hbm>> -> memref<2x128xi32, #tpu.memory_space<hbm>>
          %dma_wait3A_159 = arith.constant 0 : i32
          %dma_wait3A_160 = arith.constant 0 : i32
          %dma_wait3A_161 = tpu.memref_slice %arg3[%dma_wait3A_154, %dma_wait3A_159, %dma_wait3A_160] : memref<2528x2x128xi32, #tpu.memory_space<hbm>> -> memref<1x2x128xi32, #tpu.memory_space<hbm>>
          %dma_wait3A_162 = tpu.memref_squeeze %dma_wait3A_161 : memref<1x2x128xi32, #tpu.memory_space<hbm>> -> memref<2x128xi32, #tpu.memory_space<hbm>>
          tpu.wait_dma2 semaphore(%arg11 : memref<!tpu.dma_semaphore, #tpu.memory_space<semaphore_mem>>) src(%dma_wait3A_162 : memref<2x128xi32, #tpu.memory_space<hbm>>) dst(%arg6 : memref<2x128xi32, #tpu.memory_space<vmem>>)
          %dma_start3A_163 = arith.constant 0 : i32
          %dma_start3A_164 = arith.constant 0 : i32
          %dma_start3A_165 = tpu.memref_slice %arg6[%dma_start3A_163, %dma_start3A_164] : memref<2x128xi32, #tpu.memory_space<vmem>> -> memref<1x128xi32, #tpu.memory_space<vmem>>
          %dma_start3A_166 = tpu.memref_squeeze %dma_start3A_165 : memref<1x128xi32, #tpu.memory_space<vmem>> -> memref<128xi32, #tpu.memory_space<vmem>>
          %dma_start3A_167 = arith.constant 0 : i32
          %dma_start3A_168 = arith.constant 0 : i32
          %dma_start3A_169 = tpu.memref_slice %arg2[%dma_start3A_167, %dma_start3A_168] : memref<10016x128xf32, #tpu.memory_space<hbm>> -> memref<10016x128xf32, #tpu.memory_space<hbm>>
          tpu.enqueue_indirect_dma source(%dma_start3A_169 : memref<10016x128xf32, #tpu.memory_space<hbm>>) target(%arg8 : memref<128x128xf32, #tpu.memory_space<vmem>>) offsets(%dma_start3A_166 : memref<128xi32, #tpu.memory_space<vmem>>) semaphore(%arg13 : memref<!tpu.dma_semaphore, #tpu.memory_space<semaphore_mem>>)
          %dma_wait3A_170 = arith.constant 0 : i32
          %dma_wait3A_171 = arith.constant 0 : i32
          %dma_wait3A_172 = arith.constant 0 : i32
          %dma_wait3A_173 = tpu.memref_slice %arg3[%dma_wait3A_170, %dma_wait3A_171, %dma_wait3A_172] : memref<2528x2x128xi32, #tpu.memory_space<hbm>> -> memref<1x2x128xi32, #tpu.memory_space<hbm>>
          %dma_wait3A_174 = tpu.memref_squeeze %dma_wait3A_173 : memref<1x2x128xi32, #tpu.memory_space<hbm>> -> memref<2x128xi32, #tpu.memory_space<hbm>>
          %dma_wait3A_175 = arith.constant 0 : i32
          %dma_wait3A_176 = arith.constant 0 : i32
          %dma_wait3A_177 = tpu.memref_slice %arg3[%dma_wait3A_170, %dma_wait3A_175, %dma_wait3A_176] : memref<2528x2x128xi32, #tpu.memory_space<hbm>> -> memref<1x2x128xi32, #tpu.memory_space<hbm>>
          %dma_wait3A_178 = tpu.memref_squeeze %dma_wait3A_177 : memref<1x2x128xi32, #tpu.memory_space<hbm>> -> memref<2x128xi32, #tpu.memory_space<hbm>>
          tpu.wait_dma2 semaphore(%arg12 : memref<!tpu.dma_semaphore, #tpu.memory_space<semaphore_mem>>) src(%dma_wait3A_178 : memref<2x128xi32, #tpu.memory_space<hbm>>) dst(%arg7 : memref<2x128xi32, #tpu.memory_space<vmem>>)
          %dma_start3A_179 = arith.constant 0 : i32
          %dma_start3A_180 = arith.constant 0 : i32
          %dma_start3A_181 = tpu.memref_slice %arg7[%dma_start3A_179, %dma_start3A_180] : memref<2x128xi32, #tpu.memory_space<vmem>> -> memref<1x128xi32, #tpu.memory_space<vmem>>
          %dma_start3A_182 = tpu.memref_squeeze %dma_start3A_181 : memref<1x128xi32, #tpu.memory_space<vmem>> -> memref<128xi32, #tpu.memory_space<vmem>>
          %dma_start3A_183 = arith.constant 0 : i32
          %dma_start3A_184 = arith.constant 0 : i32
          %dma_start3A_185 = tpu.memref_slice %arg2[%dma_start3A_183, %dma_start3A_184] : memref<10016x128xf32, #tpu.memory_space<hbm>> -> memref<10016x128xf32, #tpu.memory_space<hbm>>
          tpu.enqueue_indirect_dma source(%dma_start3A_185 : memref<10016x128xf32, #tpu.memory_space<hbm>>) target(%arg9 : memref<128x128xf32, #tpu.memory_space<vmem>>) offsets(%dma_start3A_182 : memref<128xi32, #tpu.memory_space<vmem>>) semaphore(%arg14 : memref<!tpu.dma_semaphore, #tpu.memory_space<semaphore_mem>>)
        } else {
        }
      } else {
      }
    }
    %scan3A_64 = arith.constant 60 : i32
    %dma_wait3A_65 = arith.constant 0 : i32
    %dma_wait3A_66 = arith.constant 0 : i32
    %dma_wait3A_67 = tpu.memref_slice %arg10[%dma_wait3A_65, %dma_wait3A_66] : memref<10112x128xf32, #tpu.memory_space<vmem_shared>> -> memref<128x128xf32, #tpu.memory_space<vmem_shared>>
    %dma_wait3A_68 = arith.constant 0 : i32
    %dma_wait3A_69 = arith.constant 0 : i32
    %dma_wait3A_70 = tpu.memref_slice %arg10[%dma_wait3A_68, %dma_wait3A_69] : memref<10112x128xf32, #tpu.memory_space<vmem_shared>> -> memref<128x128xf32, #tpu.memory_space<vmem_shared>>
    tpu.wait_dma2 semaphore(%arg15 : memref<!tpu.dma_semaphore, #tpu.memory_space<semaphore_mem>>) src(%arg8 : memref<128x128xf32, #tpu.memory_space<vmem>>) dst(%dma_wait3A_70 : memref<128x128xf32, #tpu.memory_space<vmem_shared>>)
    %dma_wait3A_71 = arith.constant 0 : i32
    %dma_wait3A_72 = arith.constant 0 : i32
    %dma_wait3A_73 = tpu.memref_slice %arg10[%dma_wait3A_71, %dma_wait3A_72] : memref<10112x128xf32, #tpu.memory_space<vmem_shared>> -> memref<128x128xf32, #tpu.memory_space<vmem_shared>>
    %dma_wait3A_74 = arith.constant 0 : i32
    %dma_wait3A_75 = arith.constant 0 : i32
    %dma_wait3A_76 = tpu.memref_slice %arg10[%dma_wait3A_74, %dma_wait3A_75] : memref<10112x128xf32, #tpu.memory_space<vmem_shared>> -> memref<128x128xf32, #tpu.memory_space<vmem_shared>>
    tpu.wait_dma2 semaphore(%arg16 : memref<!tpu.dma_semaphore, #tpu.memory_space<semaphore_mem>>) src(%arg9 : memref<128x128xf32, #tpu.memory_space<vmem>>) dst(%dma_wait3A_76 : memref<128x128xf32, #tpu.memory_space<vmem_shared>>)
    %barrier3A_77 = arith.constant 0 : index
    tpu.barrier barrier_id(%barrier3A_77)
    %mul3A_78 = arith.constant 632 : i32
    %mul3A_79 = arith.muli %arg1, %mul3A_78 : i32
    %mul3A_80 = arith.constant 632 : i32
    %mul3A_81 = arith.muli %arg1, %mul3A_80 : i32
    "tpu.region"() ({
      %run_scoped3A = tpu.sem_alloc : memref<!tpu.dma_semaphore, #tpu.memory_space<semaphore_mem>>
      %dma_start3A_82 = arith.constant 0 : i32
      %dma_start3A_83 = tpu.memref_slice %arg5[%arg0, %mul3A_81, %dma_start3A_82] : memref<2x10112x128xf32, #tpu.memory_space<hbm>> -> memref<1x632x128xf32, #tpu.memory_space<hbm>>
      %dma_start3A_84 = tpu.memref_squeeze %dma_start3A_83 : memref<1x632x128xf32, #tpu.memory_space<hbm>> -> memref<632x128xf32, #tpu.memory_space<hbm>>
      %dma_start3A_85 = arith.constant 0 : i32
      %dma_start3A_86 = tpu.memref_slice %arg10[%mul3A_79, %dma_start3A_85] : memref<10112x128xf32, #tpu.memory_space<vmem_shared>> -> memref<632x128xf32, #tpu.memory_space<vmem_shared>>
      tpu.enqueue_dma source(%dma_start3A_86 : memref<632x128xf32, #tpu.memory_space<vmem_shared>>) target(%dma_start3A_84 : memref<632x128xf32, #tpu.memory_space<hbm>>) target_semaphore(%run_scoped3A : memref<!tpu.dma_semaphore, #tpu.memory_space<semaphore_mem>>)
      %dma_wait3A_87 = arith.constant 0 : i32
      %dma_wait3A_88 = tpu.memref_slice %arg5[%arg0, %mul3A_81, %dma_wait3A_87] : memref<2x10112x128xf32, #tpu.memory_space<hbm>> -> memref<1x632x128xf32, #tpu.memory_space<hbm>>
      %dma_wait3A_89 = tpu.memref_squeeze %dma_wait3A_88 : memref<1x632x128xf32, #tpu.memory_space<hbm>> -> memref<632x128xf32, #tpu.memory_space<hbm>>
      %dma_wait3A_90 = arith.constant 0 : i32
      %dma_wait3A_91 = tpu.memref_slice %arg10[%mul3A_79, %dma_wait3A_90] : memref<10112x128xf32, #tpu.memory_space<vmem_shared>> -> memref<632x128xf32, #tpu.memory_space<vmem_shared>>
      tpu.wait_dma2 semaphore(%run_scoped3A : memref<!tpu.dma_semaphore, #tpu.memory_space<semaphore_mem>>) src(%dma_wait3A_91 : memref<632x128xf32, #tpu.memory_space<vmem_shared>>) dst(%dma_wait3A_89 : memref<632x128xf32, #tpu.memory_space<hbm>>)
      tpu.yield
    }) : () -> ()
    return
  }
}

#map = affine_map<(d0, d1) -> (0, 0, 0)>
#map1 = affine_map<(d0, d1) -> (0, 0)>
module attributes {stable_mosaic.version = 14 : i64} {
  func.func @k(%arg0: i32, %arg1: i32, %arg2: memref<2528x2x128xi32, #tpu.memory_space<hbm>>, %arg3: memref<1x80xi32, #tpu.memory_space<hbm>>, %arg4: memref<632x128xf32, #tpu.memory_space<hbm>>, %arg5: memref<2x80x128xf32, #tpu.memory_space<hbm>>, %arg6: memref<79x2x128xi32, #tpu.memory_space<vmem>>, %arg7: memref<80x128xf32, #tpu.memory_space<vmem>>, %arg8: memref<1x80xi32, #tpu.memory_space<vmem>>, %arg9: memref<80x128xf32, #tpu.memory_space<vmem_shared>>) attributes {dimension_semantics = [#tpu.dimension_semantics<core_parallel>, #tpu.dimension_semantics<subcore_parallel>], iteration_bounds = array<i64: 2, 16>, scalar_prefetch = 0 : i64, scratch_operands = 4 : i64, tpu.core_type = #tpu.core_type<sc_vector_subcore>, window_params = [{transform_indices = #map}, {transform_indices = #map1}, {transform_indices = #map1}, {transform_indices = #map}]} {
    %mul3A = arith.constant 16 : i32
    %mul3A_0 = arith.muli %arg0, %mul3A : i32
    %add3A = arith.addi %mul3A_0, %arg1 : i32
    %mul3A_1 = arith.constant 79 : i32
    %mul3A_2 = arith.muli %add3A, %mul3A_1 : i32
    "tpu.region"() ({
      %run_scoped3A_21 = tpu.sem_alloc : memref<!tpu.dma_semaphore, #tpu.memory_space<semaphore_mem>>
      %dma_start3A = arith.constant 0 : i32
      %dma_start3A_22 = arith.constant 0 : i32
      %dma_start3A_23 = tpu.memref_slice %arg2[%mul3A_2, %dma_start3A, %dma_start3A_22] : memref<2528x2x128xi32, #tpu.memory_space<hbm>> -> memref<79x2x128xi32, #tpu.memory_space<hbm>>
      %dma_start3A_24 = arith.constant 0 : i32
      %dma_start3A_25 = arith.constant 0 : i32
      %dma_start3A_26 = tpu.memref_slice %arg2[%mul3A_2, %dma_start3A_24, %dma_start3A_25] : memref<2528x2x128xi32, #tpu.memory_space<hbm>> -> memref<79x2x128xi32, #tpu.memory_space<hbm>>
      tpu.enqueue_dma source(%dma_start3A_26 : memref<79x2x128xi32, #tpu.memory_space<hbm>>) target(%arg6 : memref<79x2x128xi32, #tpu.memory_space<vmem>>) target_semaphore(%run_scoped3A_21 : memref<!tpu.dma_semaphore, #tpu.memory_space<semaphore_mem>>)
      %dma_wait3A = arith.constant 0 : i32
      %dma_wait3A_27 = arith.constant 0 : i32
      %dma_wait3A_28 = tpu.memref_slice %arg2[%mul3A_2, %dma_wait3A, %dma_wait3A_27] : memref<2528x2x128xi32, #tpu.memory_space<hbm>> -> memref<79x2x128xi32, #tpu.memory_space<hbm>>
      %dma_wait3A_29 = arith.constant 0 : i32
      %dma_wait3A_30 = arith.constant 0 : i32
      %dma_wait3A_31 = tpu.memref_slice %arg2[%mul3A_2, %dma_wait3A_29, %dma_wait3A_30] : memref<2528x2x128xi32, #tpu.memory_space<hbm>> -> memref<79x2x128xi32, #tpu.memory_space<hbm>>
      tpu.wait_dma2 semaphore(%run_scoped3A_21 : memref<!tpu.dma_semaphore, #tpu.memory_space<semaphore_mem>>) src(%dma_wait3A_31 : memref<79x2x128xi32, #tpu.memory_space<hbm>>) dst(%arg6 : memref<79x2x128xi32, #tpu.memory_space<vmem>>)
      tpu.yield
    }) : () -> ()
    "tpu.region"() ({
      %run_scoped3A_21 = tpu.sem_alloc : memref<!tpu.dma_semaphore, #tpu.memory_space<semaphore_mem>>
      tpu.enqueue_dma source(%arg3 : memref<1x80xi32, #tpu.memory_space<hbm>>) target(%arg8 : memref<1x80xi32, #tpu.memory_space<vmem>>) target_semaphore(%run_scoped3A_21 : memref<!tpu.dma_semaphore, #tpu.memory_space<semaphore_mem>>)
      tpu.wait_dma2 semaphore(%run_scoped3A_21 : memref<!tpu.dma_semaphore, #tpu.memory_space<semaphore_mem>>) src(%arg3 : memref<1x80xi32, #tpu.memory_space<hbm>>) dst(%arg8 : memref<1x80xi32, #tpu.memory_space<vmem>>)
      tpu.yield
    }) : () -> ()
    %eq3A = arith.constant 0 : i32
    %eq3A_3 = arith.cmpi eq, %arg1, %eq3A : i32
    %convert_element_type3A = arith.extui %eq3A_3 : i1 to i32
    %cond3A = arith.constant 0 : i32
    %cond3A_4 = arith.cmpi ne, %convert_element_type3A, %cond3A : i32
    scf.if %cond3A_4 {
      "tpu.region"() ({
        %run_scoped3A_21 = tpu.sem_alloc : memref<!tpu.dma_semaphore, #tpu.memory_space<semaphore_mem>>
        %dma_start3A = arith.constant 0 : i32
        %dma_start3A_22 = arith.constant 0 : i32
        %dma_start3A_23 = tpu.memref_slice %arg4[%dma_start3A, %dma_start3A_22] : memref<632x128xf32, #tpu.memory_space<hbm>> -> memref<80x128xf32, #tpu.memory_space<hbm>>
        tpu.enqueue_dma source(%dma_start3A_23 : memref<80x128xf32, #tpu.memory_space<hbm>>) target(%arg9 : memref<80x128xf32, #tpu.memory_space<vmem_shared>>) target_semaphore(%run_scoped3A_21 : memref<!tpu.dma_semaphore, #tpu.memory_space<semaphore_mem>>)
        %dma_wait3A = arith.constant 0 : i32
        %dma_wait3A_24 = arith.constant 0 : i32
        %dma_wait3A_25 = tpu.memref_slice %arg4[%dma_wait3A, %dma_wait3A_24] : memref<632x128xf32, #tpu.memory_space<hbm>> -> memref<80x128xf32, #tpu.memory_space<hbm>>
        tpu.wait_dma2 semaphore(%run_scoped3A_21 : memref<!tpu.dma_semaphore, #tpu.memory_space<semaphore_mem>>) src(%dma_wait3A_25 : memref<80x128xf32, #tpu.memory_space<hbm>>) dst(%arg9 : memref<80x128xf32, #tpu.memory_space<vmem_shared>>)
        tpu.yield
      }) : () -> ()
    } else {
    }
    %scan3A = arith.constant 0 : i32
    %scan3A_5 = arith.constant 80 : i32
    %scan3A_6 = arith.addi %scan3A, %scan3A_5 : i32
    %scan3A_7 = arith.constant 1 : i32
    scf.for %scan3A_21 = %scan3A to %scan3A_6 step %scan3A_7  : i32 {
      %mul3A_22 = arith.constant 1 : i32
      %mul3A_23 = arith.muli %scan3A_21, %mul3A_22 : i32
      %add3A_24 = arith.constant 0 : i32
      %add3A_25 = arith.addi %add3A_24, %mul3A_23 : i32
      %broadcast_in_dim3A_26 = arith.constant 0.000000e+00 : f32
      %broadcast_in_dim3A_27 = vector.broadcast %broadcast_in_dim3A_26 : f32 to vector<16xf32>
      %swap3A = arith.index_cast %add3A_25 : i32 to index
      %swap3A_28 = arith.constant 0 : index
      %swap3A_29 = tpu.vector_load %arg7[%swap3A, %swap3A_28] {strides = array<i32>} : memref<80x128xf32, #tpu.memory_space<vmem>>, vector<16xf32>,
      tpu.vector_store %arg7[%swap3A, %swap3A_28], %broadcast_in_dim3A_27 {strides = array<i32>} : memref<80x128xf32, #tpu.memory_space<vmem>>, vector<16xf32>,
      %broadcast_in_dim3A_30 = arith.constant 0.000000e+00 : f32
      %broadcast_in_dim3A_31 = vector.broadcast %broadcast_in_dim3A_30 : f32 to vector<16xf32>
      %swap3A_32 = arith.index_cast %add3A_25 : i32 to index
      %swap3A_33 = arith.constant 16 : index
      %swap3A_34 = tpu.vector_load %arg7[%swap3A_32, %swap3A_33] {strides = array<i32>} : memref<80x128xf32, #tpu.memory_space<vmem>>, vector<16xf32>,
      tpu.vector_store %arg7[%swap3A_32, %swap3A_33], %broadcast_in_dim3A_31 {strides = array<i32>} : memref<80x128xf32, #tpu.memory_space<vmem>>, vector<16xf32>,
      %broadcast_in_dim3A_35 = arith.constant 0.000000e+00 : f32
      %broadcast_in_dim3A_36 = vector.broadcast %broadcast_in_dim3A_35 : f32 to vector<16xf32>
      %swap3A_37 = arith.index_cast %add3A_25 : i32 to index
      %swap3A_38 = arith.constant 32 : index
      %swap3A_39 = tpu.vector_load %arg7[%swap3A_37, %swap3A_38] {strides = array<i32>} : memref<80x128xf32, #tpu.memory_space<vmem>>, vector<16xf32>,
      tpu.vector_store %arg7[%swap3A_37, %swap3A_38], %broadcast_in_dim3A_36 {strides = array<i32>} : memref<80x128xf32, #tpu.memory_space<vmem>>, vector<16xf32>,
      %broadcast_in_dim3A_40 = arith.constant 0.000000e+00 : f32
      %broadcast_in_dim3A_41 = vector.broadcast %broadcast_in_dim3A_40 : f32 to vector<16xf32>
      %swap3A_42 = arith.index_cast %add3A_25 : i32 to index
      %swap3A_43 = arith.constant 48 : index
      %swap3A_44 = tpu.vector_load %arg7[%swap3A_42, %swap3A_43] {strides = array<i32>} : memref<80x128xf32, #tpu.memory_space<vmem>>, vector<16xf32>,
      tpu.vector_store %arg7[%swap3A_42, %swap3A_43], %broadcast_in_dim3A_41 {strides = array<i32>} : memref<80x128xf32, #tpu.memory_space<vmem>>, vector<16xf32>,
      %broadcast_in_dim3A_45 = arith.constant 0.000000e+00 : f32
      %broadcast_in_dim3A_46 = vector.broadcast %broadcast_in_dim3A_45 : f32 to vector<16xf32>
      %swap3A_47 = arith.index_cast %add3A_25 : i32 to index
      %swap3A_48 = arith.constant 64 : index
      %swap3A_49 = tpu.vector_load %arg7[%swap3A_47, %swap3A_48] {strides = array<i32>} : memref<80x128xf32, #tpu.memory_space<vmem>>, vector<16xf32>,
      tpu.vector_store %arg7[%swap3A_47, %swap3A_48], %broadcast_in_dim3A_46 {strides = array<i32>} : memref<80x128xf32, #tpu.memory_space<vmem>>, vector<16xf32>,
      %broadcast_in_dim3A_50 = arith.constant 0.000000e+00 : f32
      %broadcast_in_dim3A_51 = vector.broadcast %broadcast_in_dim3A_50 : f32 to vector<16xf32>
      %swap3A_52 = arith.index_cast %add3A_25 : i32 to index
      %swap3A_53 = arith.constant 80 : index
      %swap3A_54 = tpu.vector_load %arg7[%swap3A_52, %swap3A_53] {strides = array<i32>} : memref<80x128xf32, #tpu.memory_space<vmem>>, vector<16xf32>,
      tpu.vector_store %arg7[%swap3A_52, %swap3A_53], %broadcast_in_dim3A_51 {strides = array<i32>} : memref<80x128xf32, #tpu.memory_space<vmem>>, vector<16xf32>,
      %broadcast_in_dim3A_55 = arith.constant 0.000000e+00 : f32
      %broadcast_in_dim3A_56 = vector.broadcast %broadcast_in_dim3A_55 : f32 to vector<16xf32>
      %swap3A_57 = arith.index_cast %add3A_25 : i32 to index
      %swap3A_58 = arith.constant 96 : index
      %swap3A_59 = tpu.vector_load %arg7[%swap3A_57, %swap3A_58] {strides = array<i32>} : memref<80x128xf32, #tpu.memory_space<vmem>>, vector<16xf32>,
      tpu.vector_store %arg7[%swap3A_57, %swap3A_58], %broadcast_in_dim3A_56 {strides = array<i32>} : memref<80x128xf32, #tpu.memory_space<vmem>>, vector<16xf32>,
      %broadcast_in_dim3A_60 = arith.constant 0.000000e+00 : f32
      %broadcast_in_dim3A_61 = vector.broadcast %broadcast_in_dim3A_60 : f32 to vector<16xf32>
      %swap3A_62 = arith.index_cast %add3A_25 : i32 to index
      %swap3A_63 = arith.constant 112 : index
      %swap3A_64 = tpu.vector_load %arg7[%swap3A_62, %swap3A_63] {strides = array<i32>} : memref<80x128xf32, #tpu.memory_space<vmem>>, vector<16xf32>,
      tpu.vector_store %arg7[%swap3A_62, %swap3A_63], %broadcast_in_dim3A_61 {strides = array<i32>} : memref<80x128xf32, #tpu.memory_space<vmem>>, vector<16xf32>,
    }
    %scan3A_8 = arith.constant 80 : i32
    %broadcast_in_dim3A = arith.constant 1.000000e+00 : f32
    %broadcast_in_dim3A_9 = vector.broadcast %broadcast_in_dim3A : f32 to vector<16xf32>
    %scan3A_10 = arith.constant 0 : i32
    %scan3A_11 = arith.constant 79 : i32
    %scan3A_12 = arith.addi %scan3A_10, %scan3A_11 : i32
    %scan3A_13 = arith.constant 1 : i32
    scf.for %scan3A_21 = %scan3A_10 to %scan3A_12 step %scan3A_13  : i32 {
      %mul3A_22 = arith.constant 1 : i32
      %mul3A_23 = arith.muli %scan3A_21, %mul3A_22 : i32
      %add3A_24 = arith.constant 0 : i32
      %add3A_25 = arith.addi %add3A_24, %mul3A_23 : i32
      %get3A = arith.constant 1 : i32
      %get3A_26 = arith.index_cast %add3A_25 : i32 to index
      %get3A_27 = arith.index_cast %get3A : i32 to index
      %get3A_28 = arith.constant 0 : index
      %get3A_29 = tpu.vector_load %arg6[%get3A_26, %get3A_27, %get3A_28] {strides = array<i32>} : memref<79x2x128xi32, #tpu.memory_space<vmem>>, vector<16xi32>,
      %shift_right_arithmetic3A = arith.constant 7 : i32
      %shift_right_arithmetic3A_30 = vector.broadcast %shift_right_arithmetic3A : i32 to vector<16xi32>
      %shift_right_arithmetic3A_31 = arith.shrsi %get3A_29, %shift_right_arithmetic3A_30 : vector<16xi32>
      %and3A = arith.constant 127 : i32
      %and3A_32 = vector.broadcast %and3A : i32 to vector<16xi32>
      %and3A_33 = arith.andi %get3A_29, %and3A_32 : vector<16xi32>
      tpu.vector_store_idx %arg7[%shift_right_arithmetic3A_31, %and3A_33], %broadcast_in_dim3A_9 {add = true} : memref<80x128xf32, #tpu.memory_space<vmem>>[vector<16xi32>, vector<16xi32>], vector<16xf32>,
      %get3A_34 = arith.constant 1 : i32
      %get3A_35 = arith.index_cast %add3A_25 : i32 to index
      %get3A_36 = arith.index_cast %get3A_34 : i32 to index
      %get3A_37 = arith.constant 16 : index
      %get3A_38 = tpu.vector_load %arg6[%get3A_35, %get3A_36, %get3A_37] {strides = array<i32>} : memref<79x2x128xi32, #tpu.memory_space<vmem>>, vector<16xi32>,
      %shift_right_arithmetic3A_39 = arith.constant 7 : i32
      %shift_right_arithmetic3A_40 = vector.broadcast %shift_right_arithmetic3A_39 : i32 to vector<16xi32>
      %shift_right_arithmetic3A_41 = arith.shrsi %get3A_38, %shift_right_arithmetic3A_40 : vector<16xi32>
      %and3A_42 = arith.constant 127 : i32
      %and3A_43 = vector.broadcast %and3A_42 : i32 to vector<16xi32>
      %and3A_44 = arith.andi %get3A_38, %and3A_43 : vector<16xi32>
      tpu.vector_store_idx %arg7[%shift_right_arithmetic3A_41, %and3A_44], %broadcast_in_dim3A_9 {add = true} : memref<80x128xf32, #tpu.memory_space<vmem>>[vector<16xi32>, vector<16xi32>], vector<16xf32>,
      %get3A_45 = arith.constant 1 : i32
      %get3A_46 = arith.index_cast %add3A_25 : i32 to index
      %get3A_47 = arith.index_cast %get3A_45 : i32 to index
      %get3A_48 = arith.constant 32 : index
      %get3A_49 = tpu.vector_load %arg6[%get3A_46, %get3A_47, %get3A_48] {strides = array<i32>} : memref<79x2x128xi32, #tpu.memory_space<vmem>>, vector<16xi32>,
      %shift_right_arithmetic3A_50 = arith.constant 7 : i32
      %shift_right_arithmetic3A_51 = vector.broadcast %shift_right_arithmetic3A_50 : i32 to vector<16xi32>
      %shift_right_arithmetic3A_52 = arith.shrsi %get3A_49, %shift_right_arithmetic3A_51 : vector<16xi32>
      %and3A_53 = arith.constant 127 : i32
      %and3A_54 = vector.broadcast %and3A_53 : i32 to vector<16xi32>
      %and3A_55 = arith.andi %get3A_49, %and3A_54 : vector<16xi32>
      tpu.vector_store_idx %arg7[%shift_right_arithmetic3A_52, %and3A_55], %broadcast_in_dim3A_9 {add = true} : memref<80x128xf32, #tpu.memory_space<vmem>>[vector<16xi32>, vector<16xi32>], vector<16xf32>,
      %get3A_56 = arith.constant 1 : i32
      %get3A_57 = arith.index_cast %add3A_25 : i32 to index
      %get3A_58 = arith.index_cast %get3A_56 : i32 to index
      %get3A_59 = arith.constant 48 : index
      %get3A_60 = tpu.vector_load %arg6[%get3A_57, %get3A_58, %get3A_59] {strides = array<i32>} : memref<79x2x128xi32, #tpu.memory_space<vmem>>, vector<16xi32>,
      %shift_right_arithmetic3A_61 = arith.constant 7 : i32
      %shift_right_arithmetic3A_62 = vector.broadcast %shift_right_arithmetic3A_61 : i32 to vector<16xi32>
      %shift_right_arithmetic3A_63 = arith.shrsi %get3A_60, %shift_right_arithmetic3A_62 : vector<16xi32>
      %and3A_64 = arith.constant 127 : i32
      %and3A_65 = vector.broadcast %and3A_64 : i32 to vector<16xi32>
      %and3A_66 = arith.andi %get3A_60, %and3A_65 : vector<16xi32>
      tpu.vector_store_idx %arg7[%shift_right_arithmetic3A_63, %and3A_66], %broadcast_in_dim3A_9 {add = true} : memref<80x128xf32, #tpu.memory_space<vmem>>[vector<16xi32>, vector<16xi32>], vector<16xf32>,
      %get3A_67 = arith.constant 1 : i32
      %get3A_68 = arith.index_cast %add3A_25 : i32 to index
      %get3A_69 = arith.index_cast %get3A_67 : i32 to index
      %get3A_70 = arith.constant 64 : index
      %get3A_71 = tpu.vector_load %arg6[%get3A_68, %get3A_69, %get3A_70] {strides = array<i32>} : memref<79x2x128xi32, #tpu.memory_space<vmem>>, vector<16xi32>,
      %shift_right_arithmetic3A_72 = arith.constant 7 : i32
      %shift_right_arithmetic3A_73 = vector.broadcast %shift_right_arithmetic3A_72 : i32 to vector<16xi32>
      %shift_right_arithmetic3A_74 = arith.shrsi %get3A_71, %shift_right_arithmetic3A_73 : vector<16xi32>
      %and3A_75 = arith.constant 127 : i32
      %and3A_76 = vector.broadcast %and3A_75 : i32 to vector<16xi32>
      %and3A_77 = arith.andi %get3A_71, %and3A_76 : vector<16xi32>
      tpu.vector_store_idx %arg7[%shift_right_arithmetic3A_74, %and3A_77], %broadcast_in_dim3A_9 {add = true} : memref<80x128xf32, #tpu.memory_space<vmem>>[vector<16xi32>, vector<16xi32>], vector<16xf32>,
      %get3A_78 = arith.constant 1 : i32
      %get3A_79 = arith.index_cast %add3A_25 : i32 to index
      %get3A_80 = arith.index_cast %get3A_78 : i32 to index
      %get3A_81 = arith.constant 80 : index
      %get3A_82 = tpu.vector_load %arg6[%get3A_79, %get3A_80, %get3A_81] {strides = array<i32>} : memref<79x2x128xi32, #tpu.memory_space<vmem>>, vector<16xi32>,
      %shift_right_arithmetic3A_83 = arith.constant 7 : i32
      %shift_right_arithmetic3A_84 = vector.broadcast %shift_right_arithmetic3A_83 : i32 to vector<16xi32>
      %shift_right_arithmetic3A_85 = arith.shrsi %get3A_82, %shift_right_arithmetic3A_84 : vector<16xi32>
      %and3A_86 = arith.constant 127 : i32
      %and3A_87 = vector.broadcast %and3A_86 : i32 to vector<16xi32>
      %and3A_88 = arith.andi %get3A_82, %and3A_87 : vector<16xi32>
      tpu.vector_store_idx %arg7[%shift_right_arithmetic3A_85, %and3A_88], %broadcast_in_dim3A_9 {add = true} : memref<80x128xf32, #tpu.memory_space<vmem>>[vector<16xi32>, vector<16xi32>], vector<16xf32>,
      %get3A_89 = arith.constant 1 : i32
      %get3A_90 = arith.index_cast %add3A_25 : i32 to index
      %get3A_91 = arith.index_cast %get3A_89 : i32 to index
      %get3A_92 = arith.constant 96 : index
      %get3A_93 = tpu.vector_load %arg6[%get3A_90, %get3A_91, %get3A_92] {strides = array<i32>} : memref<79x2x128xi32, #tpu.memory_space<vmem>>, vector<16xi32>,
      %shift_right_arithmetic3A_94 = arith.constant 7 : i32
      %shift_right_arithmetic3A_95 = vector.broadcast %shift_right_arithmetic3A_94 : i32 to vector<16xi32>
      %shift_right_arithmetic3A_96 = arith.shrsi %get3A_93, %shift_right_arithmetic3A_95 : vector<16xi32>
      %and3A_97 = arith.constant 127 : i32
      %and3A_98 = vector.broadcast %and3A_97 : i32 to vector<16xi32>
      %and3A_99 = arith.andi %get3A_93, %and3A_98 : vector<16xi32>
      tpu.vector_store_idx %arg7[%shift_right_arithmetic3A_96, %and3A_99], %broadcast_in_dim3A_9 {add = true} : memref<80x128xf32, #tpu.memory_space<vmem>>[vector<16xi32>, vector<16xi32>], vector<16xf32>,
      %get3A_100 = arith.constant 1 : i32
      %get3A_101 = arith.index_cast %add3A_25 : i32 to index
      %get3A_102 = arith.index_cast %get3A_100 : i32 to index
      %get3A_103 = arith.constant 112 : index
      %get3A_104 = tpu.vector_load %arg6[%get3A_101, %get3A_102, %get3A_103] {strides = array<i32>} : memref<79x2x128xi32, #tpu.memory_space<vmem>>, vector<16xi32>,
      %shift_right_arithmetic3A_105 = arith.constant 7 : i32
      %shift_right_arithmetic3A_106 = vector.broadcast %shift_right_arithmetic3A_105 : i32 to vector<16xi32>
      %shift_right_arithmetic3A_107 = arith.shrsi %get3A_104, %shift_right_arithmetic3A_106 : vector<16xi32>
      %and3A_108 = arith.constant 127 : i32
      %and3A_109 = vector.broadcast %and3A_108 : i32 to vector<16xi32>
      %and3A_110 = arith.andi %get3A_104, %and3A_109 : vector<16xi32>
      tpu.vector_store_idx %arg7[%shift_right_arithmetic3A_107, %and3A_110], %broadcast_in_dim3A_9 {add = true} : memref<80x128xf32, #tpu.memory_space<vmem>>[vector<16xi32>, vector<16xi32>], vector<16xf32>,
    }
    %scan3A_14 = arith.constant 79 : i32
    %barrier3A = arith.constant 0 : index
    tpu.barrier barrier_id(%barrier3A)
    %run_scoped3A = arith.constant 0 : i32
    "tpu.region"() ({
      %run_scoped3A_21 = tpu.sem_alloc : memref<!tpu.dma_semaphore, #tpu.memory_space<semaphore_mem>>
      %dma_start3A = arith.constant 0 : i32
      %dma_start3A_22 = tpu.memref_slice %arg8[%run_scoped3A, %dma_start3A] : memref<1x80xi32, #tpu.memory_space<vmem>> -> memref<1x80xi32, #tpu.memory_space<vmem>>
      %dma_start3A_23 = tpu.memref_squeeze %dma_start3A_22 : memref<1x80xi32, #tpu.memory_space<vmem>> -> memref<80xi32, #tpu.memory_space<vmem>>
      %dma_start3A_24 = arith.constant 0 : i32
      %dma_start3A_25 = arith.constant 0 : i32
      %dma_start3A_26 = tpu.memref_slice %arg9[%dma_start3A_24, %dma_start3A_25] : memref<80x128xf32, #tpu.memory_space<vmem_shared>> -> memref<80x128xf32, #tpu.memory_space<vmem_shared>>
      tpu.enqueue_indirect_dma source(%arg7 : memref<80x128xf32, #tpu.memory_space<vmem>>) target(%dma_start3A_26 : memref<80x128xf32, #tpu.memory_space<vmem_shared>>) offsets(%dma_start3A_23 : memref<80xi32, #tpu.memory_space<vmem>>) semaphore(%run_scoped3A_21 : memref<!tpu.dma_semaphore, #tpu.memory_space<semaphore_mem>>) {add = true}
      %dma_wait3A = arith.constant 0 : i32
      %dma_wait3A_27 = tpu.memref_slice %arg8[%run_scoped3A, %dma_wait3A] : memref<1x80xi32, #tpu.memory_space<vmem>> -> memref<1x80xi32, #tpu.memory_space<vmem>>
      %dma_wait3A_28 = tpu.memref_squeeze %dma_wait3A_27 : memref<1x80xi32, #tpu.memory_space<vmem>> -> memref<80xi32, #tpu.memory_space<vmem>>
      %dma_wait3A_29 = arith.constant 0 : i32
      %dma_wait3A_30 = arith.constant 0 : i32
      %dma_wait3A_31 = tpu.memref_slice %arg9[%dma_wait3A_29, %dma_wait3A_30] : memref<80x128xf32, #tpu.memory_space<vmem_shared>> -> memref<80x128xf32, #tpu.memory_space<vmem_shared>>
      tpu.wait_indirect_dma semaphore(%run_scoped3A_21 : memref<!tpu.dma_semaphore, #tpu.memory_space<semaphore_mem>>) src(%arg7 : memref<80x128xf32, #tpu.memory_space<vmem>>) dst(%dma_wait3A_31 : memref<80x128xf32, #tpu.memory_space<vmem_shared>>)
      tpu.yield
    }) : () -> ()
    %barrier3A_15 = arith.constant 0 : index
    tpu.barrier barrier_id(%barrier3A_15)
    %eq3A_16 = arith.constant 0 : i32
    %eq3A_17 = arith.cmpi eq, %arg1, %eq3A_16 : i32
    %convert_element_type3A_18 = arith.extui %eq3A_17 : i1 to i32
    %cond3A_19 = arith.constant 0 : i32
    %cond3A_20 = arith.cmpi ne, %convert_element_type3A_18, %cond3A_19 : i32
    scf.if %cond3A_20 {
      "tpu.region"() ({
        %run_scoped3A_21 = tpu.sem_alloc : memref<!tpu.dma_semaphore, #tpu.memory_space<semaphore_mem>>
        %dma_start3A = arith.constant 0 : i32
        %dma_start3A_22 = arith.constant 0 : i32
        %dma_start3A_23 = tpu.memref_slice %arg5[%arg0, %dma_start3A, %dma_start3A_22] : memref<2x80x128xf32, #tpu.memory_space<hbm>> -> memref<1x80x128xf32, #tpu.memory_space<hbm>>
        %dma_start3A_24 = tpu.memref_squeeze %dma_start3A_23 : memref<1x80x128xf32, #tpu.memory_space<hbm>> -> memref<80x128xf32, #tpu.memory_space<hbm>>
        tpu.enqueue_dma source(%arg9 : memref<80x128xf32, #tpu.memory_space<vmem_shared>>) target(%dma_start3A_24 : memref<80x128xf32, #tpu.memory_space<hbm>>) target_semaphore(%run_scoped3A_21 : memref<!tpu.dma_semaphore, #tpu.memory_space<semaphore_mem>>)
        %dma_wait3A = arith.constant 0 : i32
        %dma_wait3A_25 = arith.constant 0 : i32
        %dma_wait3A_26 = tpu.memref_slice %arg5[%arg0, %dma_wait3A, %dma_wait3A_25] : memref<2x80x128xf32, #tpu.memory_space<hbm>> -> memref<1x80x128xf32, #tpu.memory_space<hbm>>
        %dma_wait3A_27 = tpu.memref_squeeze %dma_wait3A_26 : memref<1x80x128xf32, #tpu.memory_space<hbm>> -> memref<80x128xf32, #tpu.memory_space<hbm>>
        tpu.wait_dma2 semaphore(%run_scoped3A_21 : memref<!tpu.dma_semaphore, #tpu.memory_space<semaphore_mem>>) src(%arg9 : memref<80x128xf32, #tpu.memory_space<vmem_shared>>) dst(%dma_wait3A_27 : memref<80x128xf32, #tpu.memory_space<hbm>>)
        tpu.yield
      }) : () -> ()
    } else {
    }
    return
  }
}

#map = affine_map<(d0, d1) -> (0, 0)>
#map1 = affine_map<(d0, d1) -> (0, 0, 0)>
module attributes {stable_mosaic.version = 14 : i64} {
  func.func @k(%arg0: i32, %arg1: i32, %arg2: memref<10016x128xf32, #tpu.memory_space<hbm>>, %arg3: memref<2528x2x128xi32, #tpu.memory_space<hbm>>, %arg4: memref<632x128xf32, #tpu.memory_space<hbm>>, %arg5: memref<2x10112x128xf32, #tpu.memory_space<hbm>>, %arg6: memref<2x128xi32, #tpu.memory_space<vmem>>, %arg7: memref<2x128xi32, #tpu.memory_space<vmem>>, %arg8: memref<128x128xf32, #tpu.memory_space<vmem>>, %arg9: memref<128x128xf32, #tpu.memory_space<vmem>>, %arg10: memref<10112x128xf32, #tpu.memory_space<vmem_shared>>, %arg11: memref<!tpu.dma_semaphore, #tpu.memory_space<semaphore_mem>>, %arg12: memref<!tpu.dma_semaphore, #tpu.memory_space<semaphore_mem>>, %arg13: memref<!tpu.dma_semaphore, #tpu.memory_space<semaphore_mem>>, %arg14: memref<!tpu.dma_semaphore, #tpu.memory_space<semaphore_mem>>, %arg15: memref<!tpu.dma_semaphore, #tpu.memory_space<semaphore_mem>>, %arg16: memref<!tpu.dma_semaphore, #tpu.memory_space<semaphore_mem>>) attributes {dimension_semantics = [#tpu.dimension_semantics<core_parallel>, #tpu.dimension_semantics<subcore_parallel>], iteration_bounds = array<i64: 2, 16>, scalar_prefetch = 0 : i64, scratch_operands = 11 : i64, tpu.core_type = #tpu.core_type<sc_vector_subcore>, window_params = [{transform_indices = #map}, {transform_indices = #map1}, {transform_indices = #map}, {transform_indices = #map1}]} {
    %eq3A = arith.constant 0 : i32
    %eq3A_0 = arith.cmpi eq, %arg0, %eq3A : i32
    %mul3A = arith.constant 120 : i32
    %mul3A_1 = arith.muli %arg1, %mul3A : i32
    %mul3A_2 = arith.constant 38 : i32
    %mul3A_3 = arith.muli %arg1, %mul3A_2 : i32
    %add3A = arith.constant 1920 : i32
    %add3A_4 = arith.addi %add3A, %mul3A_3 : i32
    %select_n3A = arith.select %eq3A_0, %mul3A_1, %add3A_4 : i32
    %mul3A_5 = arith.constant 632 : i32
    %mul3A_6 = arith.muli %arg1, %mul3A_5 : i32
    "tpu.region"() ({
      %run_scoped3A = tpu.sem_alloc : memref<!tpu.dma_semaphore, #tpu.memory_space<semaphore_mem>>
      %dma_start3A_82 = arith.constant 0 : i32
      %dma_start3A_83 = tpu.memref_slice %arg10[%mul3A_6, %dma_start3A_82] : memref<10112x128xf32, #tpu.memory_space<vmem_shared>> -> memref<632x128xf32, #tpu.memory_space<vmem_shared>>
      tpu.enqueue_dma source(%arg4 : memref<632x128xf32, #tpu.memory_space<hbm>>) target(%dma_start3A_83 : memref<632x128xf32, #tpu.memory_space<vmem_shared>>) target_semaphore(%run_scoped3A : memref<!tpu.dma_semaphore, #tpu.memory_space<semaphore_mem>>)
      %dma_wait3A_84 = arith.constant 0 : i32
      %dma_wait3A_85 = tpu.memref_slice %arg10[%mul3A_6, %dma_wait3A_84] : memref<10112x128xf32, #tpu.memory_space<vmem_shared>> -> memref<632x128xf32, #tpu.memory_space<vmem_shared>>
      tpu.wait_dma2 semaphore(%run_scoped3A : memref<!tpu.dma_semaphore, #tpu.memory_space<semaphore_mem>>) src(%arg4 : memref<632x128xf32, #tpu.memory_space<hbm>>) dst(%dma_wait3A_85 : memref<632x128xf32, #tpu.memory_space<vmem_shared>>)
      tpu.yield
    }) : () -> ()
    %eq3A_7 = arith.constant 0 : i32
    %eq3A_8 = arith.cmpi eq, %arg0, %eq3A_7 : i32
    %jit3A = arith.constant 120 : i32
    %jit3A_9 = arith.constant 38 : i32
    %select_n3A_10 = arith.select %eq3A_8, %jit3A, %jit3A_9 : i32
    %add3A_11 = arith.constant 0 : i32
    %add3A_12 = arith.addi %select_n3A, %add3A_11 : i32
    %dma_start3A = arith.constant 0 : i32
    %dma_start3A_13 = arith.constant 0 : i32
    %dma_start3A_14 = tpu.memref_slice %arg3[%add3A_12, %dma_start3A, %dma_start3A_13] : memref<2528x2x128xi32, #tpu.memory_space<hbm>> -> memref<1x2x128xi32, #tpu.memory_space<hbm>>
    %dma_start3A_15 = tpu.memref_squeeze %dma_start3A_14 : memref<1x2x128xi32, #tpu.memory_space<hbm>> -> memref<2x128xi32, #tpu.memory_space<hbm>>
    %dma_start3A_16 = arith.constant 0 : i32
    %dma_start3A_17 = arith.constant 0 : i32
    %dma_start3A_18 = tpu.memref_slice %arg3[%add3A_12, %dma_start3A_16, %dma_start3A_17] : memref<2528x2x128xi32, #tpu.memory_space<hbm>> -> memref<1x2x128xi32, #tpu.memory_space<hbm>>
    %dma_start3A_19 = tpu.memref_squeeze %dma_start3A_18 : memref<1x2x128xi32, #tpu.memory_space<hbm>> -> memref<2x128xi32, #tpu.memory_space<hbm>>
    tpu.enqueue_dma source(%dma_start3A_19 : memref<2x128xi32, #tpu.memory_space<hbm>>) target(%arg6 : memref<2x128xi32, #tpu.memory_space<vmem>>) target_semaphore(%arg11 : memref<!tpu.dma_semaphore, #tpu.memory_space<semaphore_mem>>)
    %add3A_20 = arith.constant 1 : i32
    %add3A_21 = arith.addi %select_n3A, %add3A_20 : i32
    %dma_start3A_22 = arith.constant 0 : i32
    %dma_start3A_23 = arith.constant 0 : i32
    %dma_start3A_24 = tpu.memref_slice %arg3[%add3A_21, %dma_start3A_22, %dma_start3A_23] : memref<2528x2x128xi32, #tpu.memory_space<hbm>> -> memref<1x2x128xi32, #tpu.memory_space<hbm>>
    %dma_start3A_25 = tpu.memref_squeeze %dma_start3A_24 : memref<1x2x128xi32, #tpu.memory_space<hbm>> -> memref<2x128xi32, #tpu.memory_space<hbm>>
    %dma_start3A_26 = arith.constant 0 : i32
    %dma_start3A_27 = arith.constant 0 : i32
    %dma_start3A_28 = tpu.memref_slice %arg3[%add3A_21, %dma_start3A_26, %dma_start3A_27] : memref<2528x2x128xi32, #tpu.memory_space<hbm>> -> memref<1x2x128xi32, #tpu.memory_space<hbm>>
    %dma_start3A_29 = tpu.memref_squeeze %dma_start3A_28 : memref<1x2x128xi32, #tpu.memory_space<hbm>> -> memref<2x128xi32, #tpu.memory_space<hbm>>
    tpu.enqueue_dma source(%dma_start3A_29 : memref<2x128xi32, #tpu.memory_space<hbm>>) target(%arg7 : memref<2x128xi32, #tpu.memory_space<vmem>>) target_semaphore(%arg12 : memref<!tpu.dma_semaphore, #tpu.memory_space<semaphore_mem>>)
    %barrier3A = arith.constant 0 : index
    tpu.barrier barrier_id(%barrier3A)
    %dma_wait3A = arith.constant 0 : i32
    %dma_wait3A_30 = arith.constant 0 : i32
    %dma_wait3A_31 = arith.constant 0 : i32
    %dma_wait3A_32 = tpu.memref_slice %arg3[%dma_wait3A, %dma_wait3A_30, %dma_wait3A_31] : memref<2528x2x128xi32, #tpu.memory_space<hbm>> -> memref<1x2x128xi32, #tpu.memory_space<hbm>>
    %dma_wait3A_33 = tpu.memref_squeeze %dma_wait3A_32 : memref<1x2x128xi32, #tpu.memory_space<hbm>> -> memref<2x128xi32, #tpu.memory_space<hbm>>
    %dma_wait3A_34 = arith.constant 0 : i32
    %dma_wait3A_35 = arith.constant 0 : i32
    %dma_wait3A_36 = tpu.memref_slice %arg3[%dma_wait3A, %dma_wait3A_34, %dma_wait3A_35] : memref<2528x2x128xi32, #tpu.memory_space<hbm>> -> memref<1x2x128xi32, #tpu.memory_space<hbm>>
    %dma_wait3A_37 = tpu.memref_squeeze %dma_wait3A_36 : memref<1x2x128xi32, #tpu.memory_space<hbm>> -> memref<2x128xi32, #tpu.memory_space<hbm>>
    tpu.wait_dma2 semaphore(%arg11 : memref<!tpu.dma_semaphore, #tpu.memory_space<semaphore_mem>>) src(%dma_wait3A_37 : memref<2x128xi32, #tpu.memory_space<hbm>>) dst(%arg6 : memref<2x128xi32, #tpu.memory_space<vmem>>)
    %dma_start3A_38 = arith.constant 0 : i32
    %dma_start3A_39 = arith.constant 0 : i32
    %dma_start3A_40 = tpu.memref_slice %arg6[%dma_start3A_38, %dma_start3A_39] : memref<2x128xi32, #tpu.memory_space<vmem>> -> memref<1x128xi32, #tpu.memory_space<vmem>>
    %dma_start3A_41 = tpu.memref_squeeze %dma_start3A_40 : memref<1x128xi32, #tpu.memory_space<vmem>> -> memref<128xi32, #tpu.memory_space<vmem>>
    %dma_start3A_42 = arith.constant 0 : i32
    %dma_start3A_43 = arith.constant 0 : i32
    %dma_start3A_44 = tpu.memref_slice %arg2[%dma_start3A_42, %dma_start3A_43] : memref<10016x128xf32, #tpu.memory_space<hbm>> -> memref<10016x128xf32, #tpu.memory_space<hbm>>
    tpu.enqueue_indirect_dma source(%dma_start3A_44 : memref<10016x128xf32, #tpu.memory_space<hbm>>) target(%arg8 : memref<128x128xf32, #tpu.memory_space<vmem>>) offsets(%dma_start3A_41 : memref<128xi32, #tpu.memory_space<vmem>>) semaphore(%arg13 : memref<!tpu.dma_semaphore, #tpu.memory_space<semaphore_mem>>)
    %dma_wait3A_45 = arith.constant 0 : i32
    %dma_wait3A_46 = arith.constant 0 : i32
    %dma_wait3A_47 = arith.constant 0 : i32
    %dma_wait3A_48 = tpu.memref_slice %arg3[%dma_wait3A_45, %dma_wait3A_46, %dma_wait3A_47] : memref<2528x2x128xi32, #tpu.memory_space<hbm>> -> memref<1x2x128xi32, #tpu.memory_space<hbm>>
    %dma_wait3A_49 = tpu.memref_squeeze %dma_wait3A_48 : memref<1x2x128xi32, #tpu.memory_space<hbm>> -> memref<2x128xi32, #tpu.memory_space<hbm>>
    %dma_wait3A_50 = arith.constant 0 : i32
    %dma_wait3A_51 = arith.constant 0 : i32
    %dma_wait3A_52 = tpu.memref_slice %arg3[%dma_wait3A_45, %dma_wait3A_50, %dma_wait3A_51] : memref<2528x2x128xi32, #tpu.memory_space<hbm>> -> memref<1x2x128xi32, #tpu.memory_space<hbm>>
    %dma_wait3A_53 = tpu.memref_squeeze %dma_wait3A_52 : memref<1x2x128xi32, #tpu.memory_space<hbm>> -> memref<2x128xi32, #tpu.memory_space<hbm>>
    tpu.wait_dma2 semaphore(%arg12 : memref<!tpu.dma_semaphore, #tpu.memory_space<semaphore_mem>>) src(%dma_wait3A_53 : memref<2x128xi32, #tpu.memory_space<hbm>>) dst(%arg7 : memref<2x128xi32, #tpu.memory_space<vmem>>)
    %dma_start3A_54 = arith.constant 0 : i32
    %dma_start3A_55 = arith.constant 0 : i32
    %dma_start3A_56 = tpu.memref_slice %arg7[%dma_start3A_54, %dma_start3A_55] : memref<2x128xi32, #tpu.memory_space<vmem>> -> memref<1x128xi32, #tpu.memory_space<vmem>>
    %dma_start3A_57 = tpu.memref_squeeze %dma_start3A_56 : memref<1x128xi32, #tpu.memory_space<vmem>> -> memref<128xi32, #tpu.memory_space<vmem>>
    %dma_start3A_58 = arith.constant 0 : i32
    %dma_start3A_59 = arith.constant 0 : i32
    %dma_start3A_60 = tpu.memref_slice %arg2[%dma_start3A_58, %dma_start3A_59] : memref<10016x128xf32, #tpu.memory_space<hbm>> -> memref<10016x128xf32, #tpu.memory_space<hbm>>
    tpu.enqueue_indirect_dma source(%dma_start3A_60 : memref<10016x128xf32, #tpu.memory_space<hbm>>) target(%arg9 : memref<128x128xf32, #tpu.memory_space<vmem>>) offsets(%dma_start3A_57 : memref<128xi32, #tpu.memory_space<vmem>>) semaphore(%arg14 : memref<!tpu.dma_semaphore, #tpu.memory_space<semaphore_mem>>)
    %scan3A = arith.constant 0 : i32
    %scan3A_61 = arith.constant 60 : i32
    %scan3A_62 = arith.addi %scan3A, %scan3A_61 : i32
    %scan3A_63 = arith.constant 1 : i32
    scf.for %scan3A_82 = %scan3A to %scan3A_62 step %scan3A_63  : i32 {
      %mul3A_83 = arith.constant 2 : i32
      %mul3A_84 = arith.muli %scan3A_82, %mul3A_83 : i32
      %add3A_85 = arith.constant 0 : i32
      %add3A_86 = arith.addi %add3A_85, %mul3A_84 : i32
      %lt3A = arith.cmpi slt, %add3A_86, %select_n3A_10 : i32
      %convert_element_type3A = arith.extui %lt3A : i1 to i32
      %cond3A = arith.constant 0 : i32
      %cond3A_87 = arith.cmpi ne, %convert_element_type3A, %cond3A : i32
      scf.if %cond3A_87 {
        %dma_wait3A_88 = arith.constant 0 : i32
        %dma_wait3A_89 = arith.constant 0 : i32
        %dma_wait3A_90 = tpu.memref_slice %arg2[%dma_wait3A_88, %dma_wait3A_89] : memref<10016x128xf32, #tpu.memory_space<hbm>> -> memref<128x128xf32, #tpu.memory_space<hbm>>
        %dma_wait3A_91 = arith.constant 0 : i32
        %dma_wait3A_92 = arith.constant 0 : i32
        %dma_wait3A_93 = tpu.memref_slice %arg2[%dma_wait3A_91, %dma_wait3A_92] : memref<10016x128xf32, #tpu.memory_space<hbm>> -> memref<128x128xf32, #tpu.memory_space<hbm>>
        tpu.wait_dma2 semaphore(%arg13 : memref<!tpu.dma_semaphore, #tpu.memory_space<semaphore_mem>>) src(%dma_wait3A_93 : memref<128x128xf32, #tpu.memory_space<hbm>>) dst(%arg8 : memref<128x128xf32, #tpu.memory_space<vmem>>)
        %dma_start3A_94 = arith.constant 1 : i32
        %dma_start3A_95 = arith.constant 0 : i32
        %dma_start3A_96 = tpu.memref_slice %arg6[%dma_start3A_94, %dma_start3A_95] : memref<2x128xi32, #tpu.memory_space<vmem>> -> memref<1x128xi32, #tpu.memory_space<vmem>>
        %dma_start3A_97 = tpu.memref_squeeze %dma_start3A_96 : memref<1x128xi32, #tpu.memory_space<vmem>> -> memref<128xi32, #tpu.memory_space<vmem>>
        %dma_start3A_98 = arith.constant 0 : i32
        %dma_start3A_99 = arith.constant 0 : i32
        %dma_start3A_100 = tpu.memref_slice %arg10[%dma_start3A_98, %dma_start3A_99] : memref<10112x128xf32, #tpu.memory_space<vmem_shared>> -> memref<10112x128xf32, #tpu.memory_space<vmem_shared>>
        tpu.enqueue_indirect_dma source(%arg8 : memref<128x128xf32, #tpu.memory_space<vmem>>) target(%dma_start3A_100 : memref<10112x128xf32, #tpu.memory_space<vmem_shared>>) offsets(%dma_start3A_97 : memref<128xi32, #tpu.memory_space<vmem>>) semaphore(%arg15 : memref<!tpu.dma_semaphore, #tpu.memory_space<semaphore_mem>>) {add = true}
        %dma_wait3A_101 = arith.constant 0 : i32
        %dma_wait3A_102 = arith.constant 0 : i32
        %dma_wait3A_103 = tpu.memref_slice %arg2[%dma_wait3A_101, %dma_wait3A_102] : memref<10016x128xf32, #tpu.memory_space<hbm>> -> memref<128x128xf32, #tpu.memory_space<hbm>>
        %dma_wait3A_104 = arith.constant 0 : i32
        %dma_wait3A_105 = arith.constant 0 : i32
        %dma_wait3A_106 = tpu.memref_slice %arg2[%dma_wait3A_104, %dma_wait3A_105] : memref<10016x128xf32, #tpu.memory_space<hbm>> -> memref<128x128xf32, #tpu.memory_space<hbm>>
        tpu.wait_dma2 semaphore(%arg14 : memref<!tpu.dma_semaphore, #tpu.memory_space<semaphore_mem>>) src(%dma_wait3A_106 : memref<128x128xf32, #tpu.memory_space<hbm>>) dst(%arg9 : memref<128x128xf32, #tpu.memory_space<vmem>>)
        %dma_start3A_107 = arith.constant 1 : i32
        %dma_start3A_108 = arith.constant 0 : i32
        %dma_start3A_109 = tpu.memref_slice %arg7[%dma_start3A_107, %dma_start3A_108] : memref<2x128xi32, #tpu.memory_space<vmem>> -> memref<1x128xi32, #tpu.memory_space<vmem>>
        %dma_start3A_110 = tpu.memref_squeeze %dma_start3A_109 : memref<1x128xi32, #tpu.memory_space<vmem>> -> memref<128xi32, #tpu.memory_space<vmem>>
        %dma_start3A_111 = arith.constant 0 : i32
        %dma_start3A_112 = arith.constant 0 : i32
        %dma_start3A_113 = tpu.memref_slice %arg10[%dma_start3A_111, %dma_start3A_112] : memref<10112x128xf32, #tpu.memory_space<vmem_shared>> -> memref<10112x128xf32, #tpu.memory_space<vmem_shared>>
        tpu.enqueue_indirect_dma source(%arg9 : memref<128x128xf32, #tpu.memory_space<vmem>>) target(%dma_start3A_113 : memref<10112x128xf32, #tpu.memory_space<vmem_shared>>) offsets(%dma_start3A_110 : memref<128xi32, #tpu.memory_space<vmem>>) semaphore(%arg16 : memref<!tpu.dma_semaphore, #tpu.memory_space<semaphore_mem>>) {add = true}
        %add3A_114 = arith.constant 2 : i32
        %add3A_115 = arith.addi %add3A_86, %add3A_114 : i32
        %lt3A_116 = arith.cmpi slt, %add3A_115, %select_n3A_10 : i32
        %convert_element_type3A_117 = arith.extui %lt3A_116 : i1 to i32
        %cond3A_118 = arith.constant 0 : i32
        %cond3A_119 = arith.cmpi ne, %convert_element_type3A_117, %cond3A_118 : i32
        scf.if %cond3A_119 {
          %dma_wait3A_120 = arith.constant 0 : i32
          %dma_wait3A_121 = arith.constant 0 : i32
          %dma_wait3A_122 = tpu.memref_slice %arg10[%dma_wait3A_120, %dma_wait3A_121] : memref<10112x128xf32, #tpu.memory_space<vmem_shared>> -> memref<128x128xf32, #tpu.memory_space<vmem_shared>>
          %dma_wait3A_123 = arith.constant 0 : i32
          %dma_wait3A_124 = arith.constant 0 : i32
          %dma_wait3A_125 = tpu.memref_slice %arg10[%dma_wait3A_123, %dma_wait3A_124] : memref<10112x128xf32, #tpu.memory_space<vmem_shared>> -> memref<128x128xf32, #tpu.memory_space<vmem_shared>>
          tpu.wait_dma2 semaphore(%arg15 : memref<!tpu.dma_semaphore, #tpu.memory_space<semaphore_mem>>) src(%arg8 : memref<128x128xf32, #tpu.memory_space<vmem>>) dst(%dma_wait3A_125 : memref<128x128xf32, #tpu.memory_space<vmem_shared>>)
          %add3A_126 = arith.constant 2 : i32
          %add3A_127 = arith.addi %add3A_86, %add3A_126 : i32
          %add3A_128 = arith.addi %select_n3A, %add3A_127 : i32
          %dma_start3A_129 = arith.constant 0 : i32
          %dma_start3A_130 = arith.constant 0 : i32
          %dma_start3A_131 = tpu.memref_slice %arg3[%add3A_128, %dma_start3A_129, %dma_start3A_130] : memref<2528x2x128xi32, #tpu.memory_space<hbm>> -> memref<1x2x128xi32, #tpu.memory_space<hbm>>
          %dma_start3A_132 = tpu.memref_squeeze %dma_start3A_131 : memref<1x2x128xi32, #tpu.memory_space<hbm>> -> memref<2x128xi32, #tpu.memory_space<hbm>>
          %dma_start3A_133 = arith.constant 0 : i32
          %dma_start3A_134 = arith.constant 0 : i32
          %dma_start3A_135 = tpu.memref_slice %arg3[%add3A_128, %dma_start3A_133, %dma_start3A_134] : memref<2528x2x128xi32, #tpu.memory_space<hbm>> -> memref<1x2x128xi32, #tpu.memory_space<hbm>>
          %dma_start3A_136 = tpu.memref_squeeze %dma_start3A_135 : memref<1x2x128xi32, #tpu.memory_space<hbm>> -> memref<2x128xi32, #tpu.memory_space<hbm>>
          tpu.enqueue_dma source(%dma_start3A_136 : memref<2x128xi32, #tpu.memory_space<hbm>>) target(%arg6 : memref<2x128xi32, #tpu.memory_space<vmem>>) target_semaphore(%arg11 : memref<!tpu.dma_semaphore, #tpu.memory_space<semaphore_mem>>)
          %dma_wait3A_137 = arith.constant 0 : i32
          %dma_wait3A_138 = arith.constant 0 : i32
          %dma_wait3A_139 = tpu.memref_slice %arg10[%dma_wait3A_137, %dma_wait3A_138] : memref<10112x128xf32, #tpu.memory_space<vmem_shared>> -> memref<128x128xf32, #tpu.memory_space<vmem_shared>>
          %dma_wait3A_140 = arith.constant 0 : i32
          %dma_wait3A_141 = arith.constant 0 : i32
          %dma_wait3A_142 = tpu.memref_slice %arg10[%dma_wait3A_140, %dma_wait3A_141] : memref<10112x128xf32, #tpu.memory_space<vmem_shared>> -> memref<128x128xf32, #tpu.memory_space<vmem_shared>>
          tpu.wait_dma2 semaphore(%arg16 : memref<!tpu.dma_semaphore, #tpu.memory_space<semaphore_mem>>) src(%arg9 : memref<128x128xf32, #tpu.memory_space<vmem>>) dst(%dma_wait3A_142 : memref<128x128xf32, #tpu.memory_space<vmem_shared>>)
          %add3A_143 = arith.constant 3 : i32
          %add3A_144 = arith.addi %add3A_86, %add3A_143 : i32
          %add3A_145 = arith.addi %select_n3A, %add3A_144 : i32
          %dma_start3A_146 = arith.constant 0 : i32
          %dma_start3A_147 = arith.constant 0 : i32
          %dma_start3A_148 = tpu.memref_slice %arg3[%add3A_145, %dma_start3A_146, %dma_start3A_147] : memref<2528x2x128xi32, #tpu.memory_space<hbm>> -> memref<1x2x128xi32, #tpu.memory_space<hbm>>
          %dma_start3A_149 = tpu.memref_squeeze %dma_start3A_148 : memref<1x2x128xi32, #tpu.memory_space<hbm>> -> memref<2x128xi32, #tpu.memory_space<hbm>>
          %dma_start3A_150 = arith.constant 0 : i32
          %dma_start3A_151 = arith.constant 0 : i32
          %dma_start3A_152 = tpu.memref_slice %arg3[%add3A_145, %dma_start3A_150, %dma_start3A_151] : memref<2528x2x128xi32, #tpu.memory_space<hbm>> -> memref<1x2x128xi32, #tpu.memory_space<hbm>>
          %dma_start3A_153 = tpu.memref_squeeze %dma_start3A_152 : memref<1x2x128xi32, #tpu.memory_space<hbm>> -> memref<2x128xi32, #tpu.memory_space<hbm>>
          tpu.enqueue_dma source(%dma_start3A_153 : memref<2x128xi32, #tpu.memory_space<hbm>>) target(%arg7 : memref<2x128xi32, #tpu.memory_space<vmem>>) target_semaphore(%arg12 : memref<!tpu.dma_semaphore, #tpu.memory_space<semaphore_mem>>)
          %dma_wait3A_154 = arith.constant 0 : i32
          %dma_wait3A_155 = arith.constant 0 : i32
          %dma_wait3A_156 = arith.constant 0 : i32
          %dma_wait3A_157 = tpu.memref_slice %arg3[%dma_wait3A_154, %dma_wait3A_155, %dma_wait3A_156] : memref<2528x2x128xi32, #tpu.memory_space<hbm>> -> memref<1x2x128xi32, #tpu.memory_space<hbm>>
          %dma_wait3A_158 = tpu.memref_squeeze %dma_wait3A_157 : memref<1x2x128xi32, #tpu.memory_space<hbm>> -> memref<2x128xi32, #tpu.memory_space<hbm>>
          %dma_wait3A_159 = arith.constant 0 : i32
          %dma_wait3A_160 = arith.constant 0 : i32
          %dma_wait3A_161 = tpu.memref_slice %arg3[%dma_wait3A_154, %dma_wait3A_159, %dma_wait3A_160] : memref<2528x2x128xi32, #tpu.memory_space<hbm>> -> memref<1x2x128xi32, #tpu.memory_space<hbm>>
          %dma_wait3A_162 = tpu.memref_squeeze %dma_wait3A_161 : memref<1x2x128xi32, #tpu.memory_space<hbm>> -> memref<2x128xi32, #tpu.memory_space<hbm>>
          tpu.wait_dma2 semaphore(%arg11 : memref<!tpu.dma_semaphore, #tpu.memory_space<semaphore_mem>>) src(%dma_wait3A_162 : memref<2x128xi32, #tpu.memory_space<hbm>>) dst(%arg6 : memref<2x128xi32, #tpu.memory_space<vmem>>)
          %dma_start3A_163 = arith.constant 0 : i32
          %dma_start3A_164 = arith.constant 0 : i32
          %dma_start3A_165 = tpu.memref_slice %arg6[%dma_start3A_163, %dma_start3A_164] : memref<2x128xi32, #tpu.memory_space<vmem>> -> memref<1x128xi32, #tpu.memory_space<vmem>>
          %dma_start3A_166 = tpu.memref_squeeze %dma_start3A_165 : memref<1x128xi32, #tpu.memory_space<vmem>> -> memref<128xi32, #tpu.memory_space<vmem>>
          %dma_start3A_167 = arith.constant 0 : i32
          %dma_start3A_168 = arith.constant 0 : i32
          %dma_start3A_169 = tpu.memref_slice %arg2[%dma_start3A_167, %dma_start3A_168] : memref<10016x128xf32, #tpu.memory_space<hbm>> -> memref<10016x128xf32, #tpu.memory_space<hbm>>
          tpu.enqueue_indirect_dma source(%dma_start3A_169 : memref<10016x128xf32, #tpu.memory_space<hbm>>) target(%arg8 : memref<128x128xf32, #tpu.memory_space<vmem>>) offsets(%dma_start3A_166 : memref<128xi32, #tpu.memory_space<vmem>>) semaphore(%arg13 : memref<!tpu.dma_semaphore, #tpu.memory_space<semaphore_mem>>)
          %dma_wait3A_170 = arith.constant 0 : i32
          %dma_wait3A_171 = arith.constant 0 : i32
          %dma_wait3A_172 = arith.constant 0 : i32
          %dma_wait3A_173 = tpu.memref_slice %arg3[%dma_wait3A_170, %dma_wait3A_171, %dma_wait3A_172] : memref<2528x2x128xi32, #tpu.memory_space<hbm>> -> memref<1x2x128xi32, #tpu.memory_space<hbm>>
          %dma_wait3A_174 = tpu.memref_squeeze %dma_wait3A_173 : memref<1x2x128xi32, #tpu.memory_space<hbm>> -> memref<2x128xi32, #tpu.memory_space<hbm>>
          %dma_wait3A_175 = arith.constant 0 : i32
          %dma_wait3A_176 = arith.constant 0 : i32
          %dma_wait3A_177 = tpu.memref_slice %arg3[%dma_wait3A_170, %dma_wait3A_175, %dma_wait3A_176] : memref<2528x2x128xi32, #tpu.memory_space<hbm>> -> memref<1x2x128xi32, #tpu.memory_space<hbm>>
          %dma_wait3A_178 = tpu.memref_squeeze %dma_wait3A_177 : memref<1x2x128xi32, #tpu.memory_space<hbm>> -> memref<2x128xi32, #tpu.memory_space<hbm>>
          tpu.wait_dma2 semaphore(%arg12 : memref<!tpu.dma_semaphore, #tpu.memory_space<semaphore_mem>>) src(%dma_wait3A_178 : memref<2x128xi32, #tpu.memory_space<hbm>>) dst(%arg7 : memref<2x128xi32, #tpu.memory_space<vmem>>)
          %dma_start3A_179 = arith.constant 0 : i32
          %dma_start3A_180 = arith.constant 0 : i32
          %dma_start3A_181 = tpu.memref_slice %arg7[%dma_start3A_179, %dma_start3A_180] : memref<2x128xi32, #tpu.memory_space<vmem>> -> memref<1x128xi32, #tpu.memory_space<vmem>>
          %dma_start3A_182 = tpu.memref_squeeze %dma_start3A_181 : memref<1x128xi32, #tpu.memory_space<vmem>> -> memref<128xi32, #tpu.memory_space<vmem>>
          %dma_start3A_183 = arith.constant 0 : i32
          %dma_start3A_184 = arith.constant 0 : i32
          %dma_start3A_185 = tpu.memref_slice %arg2[%dma_start3A_183, %dma_start3A_184] : memref<10016x128xf32, #tpu.memory_space<hbm>> -> memref<10016x128xf32, #tpu.memory_space<hbm>>
          tpu.enqueue_indirect_dma source(%dma_start3A_185 : memref<10016x128xf32, #tpu.memory_space<hbm>>) target(%arg9 : memref<128x128xf32, #tpu.memory_space<vmem>>) offsets(%dma_start3A_182 : memref<128xi32, #tpu.memory_space<vmem>>) semaphore(%arg14 : memref<!tpu.dma_semaphore, #tpu.memory_space<semaphore_mem>>)
        } else {
        }
      } else {
      }
    }
    %scan3A_64 = arith.constant 60 : i32
    %dma_wait3A_65 = arith.constant 0 : i32
    %dma_wait3A_66 = arith.constant 0 : i32
    %dma_wait3A_67 = tpu.memref_slice %arg10[%dma_wait3A_65, %dma_wait3A_66] : memref<10112x128xf32, #tpu.memory_space<vmem_shared>> -> memref<128x128xf32, #tpu.memory_space<vmem_shared>>
    %dma_wait3A_68 = arith.constant 0 : i32
    %dma_wait3A_69 = arith.constant 0 : i32
    %dma_wait3A_70 = tpu.memref_slice %arg10[%dma_wait3A_68, %dma_wait3A_69] : memref<10112x128xf32, #tpu.memory_space<vmem_shared>> -> memref<128x128xf32, #tpu.memory_space<vmem_shared>>
    tpu.wait_dma2 semaphore(%arg15 : memref<!tpu.dma_semaphore, #tpu.memory_space<semaphore_mem>>) src(%arg8 : memref<128x128xf32, #tpu.memory_space<vmem>>) dst(%dma_wait3A_70 : memref<128x128xf32, #tpu.memory_space<vmem_shared>>)
    %dma_wait3A_71 = arith.constant 0 : i32
    %dma_wait3A_72 = arith.constant 0 : i32
    %dma_wait3A_73 = tpu.memref_slice %arg10[%dma_wait3A_71, %dma_wait3A_72] : memref<10112x128xf32, #tpu.memory_space<vmem_shared>> -> memref<128x128xf32, #tpu.memory_space<vmem_shared>>
    %dma_wait3A_74 = arith.constant 0 : i32
    %dma_wait3A_75 = arith.constant 0 : i32
    %dma_wait3A_76 = tpu.memref_slice %arg10[%dma_wait3A_74, %dma_wait3A_75] : memref<10112x128xf32, #tpu.memory_space<vmem_shared>> -> memref<128x128xf32, #tpu.memory_space<vmem_shared>>
    tpu.wait_dma2 semaphore(%arg16 : memref<!tpu.dma_semaphore, #tpu.memory_space<semaphore_mem>>) src(%arg9 : memref<128x128xf32, #tpu.memory_space<vmem>>) dst(%dma_wait3A_76 : memref<128x128xf32, #tpu.memory_space<vmem_shared>>)
    %barrier3A_77 = arith.constant 0 : index
    tpu.barrier barrier_id(%barrier3A_77)
    %mul3A_78 = arith.constant 632 : i32
    %mul3A_79 = arith.muli %arg1, %mul3A_78 : i32
    %mul3A_80 = arith.constant 632 : i32
    %mul3A_81 = arith.muli %arg1, %mul3A_80 : i32
    "tpu.region"() ({
      %run_scoped3A = tpu.sem_alloc : memref<!tpu.dma_semaphore, #tpu.memory_space<semaphore_mem>>
      %dma_start3A_82 = arith.constant 0 : i32
      %dma_start3A_83 = tpu.memref_slice %arg5[%arg0, %mul3A_81, %dma_start3A_82] : memref<2x10112x128xf32, #tpu.memory_space<hbm>> -> memref<1x632x128xf32, #tpu.memory_space<hbm>>
      %dma_start3A_84 = tpu.memref_squeeze %dma_start3A_83 : memref<1x632x128xf32, #tpu.memory_space<hbm>> -> memref<632x128xf32, #tpu.memory_space<hbm>>
      %dma_start3A_85 = arith.constant 0 : i32
      %dma_start3A_86 = tpu.memref_slice %arg10[%mul3A_79, %dma_start3A_85] : memref<10112x128xf32, #tpu.memory_space<vmem_shared>> -> memref<632x128xf32, #tpu.memory_space<vmem_shared>>
      tpu.enqueue_dma source(%dma_start3A_86 : memref<632x128xf32, #tpu.memory_space<vmem_shared>>) target(%dma_start3A_84 : memref<632x128xf32, #tpu.memory_space<hbm>>) target_semaphore(%run_scoped3A : memref<!tpu.dma_semaphore, #tpu.memory_space<semaphore_mem>>)
      %dma_wait3A_87 = arith.constant 0 : i32
      %dma_wait3A_88 = tpu.memref_slice %arg5[%arg0, %mul3A_81, %dma_wait3A_87] : memref<2x10112x128xf32, #tpu.memory_space<hbm>> -> memref<1x632x128xf32, #tpu.memory_space<hbm>>
      %dma_wait3A_89 = tpu.memref_squeeze %dma_wait3A_88 : memref<1x632x128xf32, #tpu.memory_space<hbm>> -> memref<632x128xf32, #tpu.memory_space<hbm>>
      %dma_wait3A_90 = arith.constant 0 : i32
      %dma_wait3A_91 = tpu.memref_slice %arg10[%mul3A_79, %dma_wait3A_90] : memref<10112x128xf32, #tpu.memory_space<vmem_shared>> -> memref<632x128xf32, #tpu.memory_space<vmem_shared>>
      tpu.wait_dma2 semaphore(%run_scoped3A : memref<!tpu.dma_semaphore, #tpu.memory_space<semaphore_mem>>) src(%dma_wait3A_91 : memref<632x128xf32, #tpu.memory_space<vmem_shared>>) dst(%dma_wait3A_89 : memref<632x128xf32, #tpu.memory_space<hbm>>)
      tpu.yield
    }) : () -> ()
    return
  }
}

#map = affine_map<(d0, d1) -> (0, 0)>
#map1 = affine_map<(d0, d1) -> (0, 0, 0)>
module attributes {stable_mosaic.version = 14 : i64} {
  func.func @k(%arg0: i32, %arg1: i32, %arg2: memref<10016x128xf32, #tpu.memory_space<hbm>>, %arg3: memref<2528x2x128xi32, #tpu.memory_space<hbm>>, %arg4: memref<632x128xf32, #tpu.memory_space<hbm>>, %arg5: memref<2x10112x128xf32, #tpu.memory_space<hbm>>, %arg6: memref<2x128xi32, #tpu.memory_space<vmem>>, %arg7: memref<2x128xi32, #tpu.memory_space<vmem>>, %arg8: memref<128x128xf32, #tpu.memory_space<vmem>>, %arg9: memref<128x128xf32, #tpu.memory_space<vmem>>, %arg10: memref<10112x128xf32, #tpu.memory_space<vmem_shared>>, %arg11: memref<!tpu.dma_semaphore, #tpu.memory_space<semaphore_mem>>, %arg12: memref<!tpu.dma_semaphore, #tpu.memory_space<semaphore_mem>>, %arg13: memref<!tpu.dma_semaphore, #tpu.memory_space<semaphore_mem>>, %arg14: memref<!tpu.dma_semaphore, #tpu.memory_space<semaphore_mem>>, %arg15: memref<!tpu.dma_semaphore, #tpu.memory_space<semaphore_mem>>, %arg16: memref<!tpu.dma_semaphore, #tpu.memory_space<semaphore_mem>>) attributes {dimension_semantics = [#tpu.dimension_semantics<core_parallel>, #tpu.dimension_semantics<subcore_parallel>], iteration_bounds = array<i64: 2, 16>, scalar_prefetch = 0 : i64, scratch_operands = 11 : i64, tpu.core_type = #tpu.core_type<sc_vector_subcore>, window_params = [{transform_indices = #map}, {transform_indices = #map1}, {transform_indices = #map}, {transform_indices = #map1}]} {
    %eq3A = arith.constant 0 : i32
    %eq3A_0 = arith.cmpi eq, %arg0, %eq3A : i32
    %mul3A = arith.constant 120 : i32
    %mul3A_1 = arith.muli %arg1, %mul3A : i32
    %mul3A_2 = arith.constant 38 : i32
    %mul3A_3 = arith.muli %arg1, %mul3A_2 : i32
    %add3A = arith.constant 1920 : i32
    %add3A_4 = arith.addi %add3A, %mul3A_3 : i32
    %select_n3A = arith.select %eq3A_0, %mul3A_1, %add3A_4 : i32
    %mul3A_5 = arith.constant 632 : i32
    %mul3A_6 = arith.muli %arg1, %mul3A_5 : i32
    "tpu.region"() ({
      %run_scoped3A = tpu.sem_alloc : memref<!tpu.dma_semaphore, #tpu.memory_space<semaphore_mem>>
      %dma_start3A_82 = arith.constant 0 : i32
      %dma_start3A_83 = tpu.memref_slice %arg10[%mul3A_6, %dma_start3A_82] : memref<10112x128xf32, #tpu.memory_space<vmem_shared>> -> memref<632x128xf32, #tpu.memory_space<vmem_shared>>
      tpu.enqueue_dma source(%arg4 : memref<632x128xf32, #tpu.memory_space<hbm>>) target(%dma_start3A_83 : memref<632x128xf32, #tpu.memory_space<vmem_shared>>) target_semaphore(%run_scoped3A : memref<!tpu.dma_semaphore, #tpu.memory_space<semaphore_mem>>)
      %dma_wait3A_84 = arith.constant 0 : i32
      %dma_wait3A_85 = tpu.memref_slice %arg10[%mul3A_6, %dma_wait3A_84] : memref<10112x128xf32, #tpu.memory_space<vmem_shared>> -> memref<632x128xf32, #tpu.memory_space<vmem_shared>>
      tpu.wait_dma2 semaphore(%run_scoped3A : memref<!tpu.dma_semaphore, #tpu.memory_space<semaphore_mem>>) src(%arg4 : memref<632x128xf32, #tpu.memory_space<hbm>>) dst(%dma_wait3A_85 : memref<632x128xf32, #tpu.memory_space<vmem_shared>>)
      tpu.yield
    }) : () -> ()
    %eq3A_7 = arith.constant 0 : i32
    %eq3A_8 = arith.cmpi eq, %arg0, %eq3A_7 : i32
    %jit3A = arith.constant 120 : i32
    %jit3A_9 = arith.constant 38 : i32
    %select_n3A_10 = arith.select %eq3A_8, %jit3A, %jit3A_9 : i32
    %add3A_11 = arith.constant 0 : i32
    %add3A_12 = arith.addi %select_n3A, %add3A_11 : i32
    %dma_start3A = arith.constant 0 : i32
    %dma_start3A_13 = arith.constant 0 : i32
    %dma_start3A_14 = tpu.memref_slice %arg3[%add3A_12, %dma_start3A, %dma_start3A_13] : memref<2528x2x128xi32, #tpu.memory_space<hbm>> -> memref<1x2x128xi32, #tpu.memory_space<hbm>>
    %dma_start3A_15 = tpu.memref_squeeze %dma_start3A_14 : memref<1x2x128xi32, #tpu.memory_space<hbm>> -> memref<2x128xi32, #tpu.memory_space<hbm>>
    %dma_start3A_16 = arith.constant 0 : i32
    %dma_start3A_17 = arith.constant 0 : i32
    %dma_start3A_18 = tpu.memref_slice %arg3[%add3A_12, %dma_start3A_16, %dma_start3A_17] : memref<2528x2x128xi32, #tpu.memory_space<hbm>> -> memref<1x2x128xi32, #tpu.memory_space<hbm>>
    %dma_start3A_19 = tpu.memref_squeeze %dma_start3A_18 : memref<1x2x128xi32, #tpu.memory_space<hbm>> -> memref<2x128xi32, #tpu.memory_space<hbm>>
    tpu.enqueue_dma source(%dma_start3A_19 : memref<2x128xi32, #tpu.memory_space<hbm>>) target(%arg6 : memref<2x128xi32, #tpu.memory_space<vmem>>) target_semaphore(%arg11 : memref<!tpu.dma_semaphore, #tpu.memory_space<semaphore_mem>>)
    %add3A_20 = arith.constant 1 : i32
    %add3A_21 = arith.addi %select_n3A, %add3A_20 : i32
    %dma_start3A_22 = arith.constant 0 : i32
    %dma_start3A_23 = arith.constant 0 : i32
    %dma_start3A_24 = tpu.memref_slice %arg3[%add3A_21, %dma_start3A_22, %dma_start3A_23] : memref<2528x2x128xi32, #tpu.memory_space<hbm>> -> memref<1x2x128xi32, #tpu.memory_space<hbm>>
    %dma_start3A_25 = tpu.memref_squeeze %dma_start3A_24 : memref<1x2x128xi32, #tpu.memory_space<hbm>> -> memref<2x128xi32, #tpu.memory_space<hbm>>
    %dma_start3A_26 = arith.constant 0 : i32
    %dma_start3A_27 = arith.constant 0 : i32
    %dma_start3A_28 = tpu.memref_slice %arg3[%add3A_21, %dma_start3A_26, %dma_start3A_27] : memref<2528x2x128xi32, #tpu.memory_space<hbm>> -> memref<1x2x128xi32, #tpu.memory_space<hbm>>
    %dma_start3A_29 = tpu.memref_squeeze %dma_start3A_28 : memref<1x2x128xi32, #tpu.memory_space<hbm>> -> memref<2x128xi32, #tpu.memory_space<hbm>>
    tpu.enqueue_dma source(%dma_start3A_29 : memref<2x128xi32, #tpu.memory_space<hbm>>) target(%arg7 : memref<2x128xi32, #tpu.memory_space<vmem>>) target_semaphore(%arg12 : memref<!tpu.dma_semaphore, #tpu.memory_space<semaphore_mem>>)
    %barrier3A = arith.constant 0 : index
    tpu.barrier barrier_id(%barrier3A)
    %dma_wait3A = arith.constant 0 : i32
    %dma_wait3A_30 = arith.constant 0 : i32
    %dma_wait3A_31 = arith.constant 0 : i32
    %dma_wait3A_32 = tpu.memref_slice %arg3[%dma_wait3A, %dma_wait3A_30, %dma_wait3A_31] : memref<2528x2x128xi32, #tpu.memory_space<hbm>> -> memref<1x2x128xi32, #tpu.memory_space<hbm>>
    %dma_wait3A_33 = tpu.memref_squeeze %dma_wait3A_32 : memref<1x2x128xi32, #tpu.memory_space<hbm>> -> memref<2x128xi32, #tpu.memory_space<hbm>>
    %dma_wait3A_34 = arith.constant 0 : i32
    %dma_wait3A_35 = arith.constant 0 : i32
    %dma_wait3A_36 = tpu.memref_slice %arg3[%dma_wait3A, %dma_wait3A_34, %dma_wait3A_35] : memref<2528x2x128xi32, #tpu.memory_space<hbm>> -> memref<1x2x128xi32, #tpu.memory_space<hbm>>
    %dma_wait3A_37 = tpu.memref_squeeze %dma_wait3A_36 : memref<1x2x128xi32, #tpu.memory_space<hbm>> -> memref<2x128xi32, #tpu.memory_space<hbm>>
    tpu.wait_dma2 semaphore(%arg11 : memref<!tpu.dma_semaphore, #tpu.memory_space<semaphore_mem>>) src(%dma_wait3A_37 : memref<2x128xi32, #tpu.memory_space<hbm>>) dst(%arg6 : memref<2x128xi32, #tpu.memory_space<vmem>>)
    %dma_start3A_38 = arith.constant 0 : i32
    %dma_start3A_39 = arith.constant 0 : i32
    %dma_start3A_40 = tpu.memref_slice %arg6[%dma_start3A_38, %dma_start3A_39] : memref<2x128xi32, #tpu.memory_space<vmem>> -> memref<1x128xi32, #tpu.memory_space<vmem>>
    %dma_start3A_41 = tpu.memref_squeeze %dma_start3A_40 : memref<1x128xi32, #tpu.memory_space<vmem>> -> memref<128xi32, #tpu.memory_space<vmem>>
    %dma_start3A_42 = arith.constant 0 : i32
    %dma_start3A_43 = arith.constant 0 : i32
    %dma_start3A_44 = tpu.memref_slice %arg2[%dma_start3A_42, %dma_start3A_43] : memref<10016x128xf32, #tpu.memory_space<hbm>> -> memref<10016x128xf32, #tpu.memory_space<hbm>>
    tpu.enqueue_indirect_dma source(%dma_start3A_44 : memref<10016x128xf32, #tpu.memory_space<hbm>>) target(%arg8 : memref<128x128xf32, #tpu.memory_space<vmem>>) offsets(%dma_start3A_41 : memref<128xi32, #tpu.memory_space<vmem>>) semaphore(%arg13 : memref<!tpu.dma_semaphore, #tpu.memory_space<semaphore_mem>>)
    %dma_wait3A_45 = arith.constant 0 : i32
    %dma_wait3A_46 = arith.constant 0 : i32
    %dma_wait3A_47 = arith.constant 0 : i32
    %dma_wait3A_48 = tpu.memref_slice %arg3[%dma_wait3A_45, %dma_wait3A_46, %dma_wait3A_47] : memref<2528x2x128xi32, #tpu.memory_space<hbm>> -> memref<1x2x128xi32, #tpu.memory_space<hbm>>
    %dma_wait3A_49 = tpu.memref_squeeze %dma_wait3A_48 : memref<1x2x128xi32, #tpu.memory_space<hbm>> -> memref<2x128xi32, #tpu.memory_space<hbm>>
    %dma_wait3A_50 = arith.constant 0 : i32
    %dma_wait3A_51 = arith.constant 0 : i32
    %dma_wait3A_52 = tpu.memref_slice %arg3[%dma_wait3A_45, %dma_wait3A_50, %dma_wait3A_51] : memref<2528x2x128xi32, #tpu.memory_space<hbm>> -> memref<1x2x128xi32, #tpu.memory_space<hbm>>
    %dma_wait3A_53 = tpu.memref_squeeze %dma_wait3A_52 : memref<1x2x128xi32, #tpu.memory_space<hbm>> -> memref<2x128xi32, #tpu.memory_space<hbm>>
    tpu.wait_dma2 semaphore(%arg12 : memref<!tpu.dma_semaphore, #tpu.memory_space<semaphore_mem>>) src(%dma_wait3A_53 : memref<2x128xi32, #tpu.memory_space<hbm>>) dst(%arg7 : memref<2x128xi32, #tpu.memory_space<vmem>>)
    %dma_start3A_54 = arith.constant 0 : i32
    %dma_start3A_55 = arith.constant 0 : i32
    %dma_start3A_56 = tpu.memref_slice %arg7[%dma_start3A_54, %dma_start3A_55] : memref<2x128xi32, #tpu.memory_space<vmem>> -> memref<1x128xi32, #tpu.memory_space<vmem>>
    %dma_start3A_57 = tpu.memref_squeeze %dma_start3A_56 : memref<1x128xi32, #tpu.memory_space<vmem>> -> memref<128xi32, #tpu.memory_space<vmem>>
    %dma_start3A_58 = arith.constant 0 : i32
    %dma_start3A_59 = arith.constant 0 : i32
    %dma_start3A_60 = tpu.memref_slice %arg2[%dma_start3A_58, %dma_start3A_59] : memref<10016x128xf32, #tpu.memory_space<hbm>> -> memref<10016x128xf32, #tpu.memory_space<hbm>>
    tpu.enqueue_indirect_dma source(%dma_start3A_60 : memref<10016x128xf32, #tpu.memory_space<hbm>>) target(%arg9 : memref<128x128xf32, #tpu.memory_space<vmem>>) offsets(%dma_start3A_57 : memref<128xi32, #tpu.memory_space<vmem>>) semaphore(%arg14 : memref<!tpu.dma_semaphore, #tpu.memory_space<semaphore_mem>>)
    %scan3A = arith.constant 0 : i32
    %scan3A_61 = arith.constant 60 : i32
    %scan3A_62 = arith.addi %scan3A, %scan3A_61 : i32
    %scan3A_63 = arith.constant 1 : i32
    scf.for %scan3A_82 = %scan3A to %scan3A_62 step %scan3A_63  : i32 {
      %mul3A_83 = arith.constant 2 : i32
      %mul3A_84 = arith.muli %scan3A_82, %mul3A_83 : i32
      %add3A_85 = arith.constant 0 : i32
      %add3A_86 = arith.addi %add3A_85, %mul3A_84 : i32
      %lt3A = arith.cmpi slt, %add3A_86, %select_n3A_10 : i32
      %convert_element_type3A = arith.extui %lt3A : i1 to i32
      %cond3A = arith.constant 0 : i32
      %cond3A_87 = arith.cmpi ne, %convert_element_type3A, %cond3A : i32
      scf.if %cond3A_87 {
        %dma_wait3A_88 = arith.constant 0 : i32
        %dma_wait3A_89 = arith.constant 0 : i32
        %dma_wait3A_90 = tpu.memref_slice %arg2[%dma_wait3A_88, %dma_wait3A_89] : memref<10016x128xf32, #tpu.memory_space<hbm>> -> memref<128x128xf32, #tpu.memory_space<hbm>>
        %dma_wait3A_91 = arith.constant 0 : i32
        %dma_wait3A_92 = arith.constant 0 : i32
        %dma_wait3A_93 = tpu.memref_slice %arg2[%dma_wait3A_91, %dma_wait3A_92] : memref<10016x128xf32, #tpu.memory_space<hbm>> -> memref<128x128xf32, #tpu.memory_space<hbm>>
        tpu.wait_dma2 semaphore(%arg13 : memref<!tpu.dma_semaphore, #tpu.memory_space<semaphore_mem>>) src(%dma_wait3A_93 : memref<128x128xf32, #tpu.memory_space<hbm>>) dst(%arg8 : memref<128x128xf32, #tpu.memory_space<vmem>>)
        %dma_start3A_94 = arith.constant 1 : i32
        %dma_start3A_95 = arith.constant 0 : i32
        %dma_start3A_96 = tpu.memref_slice %arg6[%dma_start3A_94, %dma_start3A_95] : memref<2x128xi32, #tpu.memory_space<vmem>> -> memref<1x128xi32, #tpu.memory_space<vmem>>
        %dma_start3A_97 = tpu.memref_squeeze %dma_start3A_96 : memref<1x128xi32, #tpu.memory_space<vmem>> -> memref<128xi32, #tpu.memory_space<vmem>>
        %dma_start3A_98 = arith.constant 0 : i32
        %dma_start3A_99 = arith.constant 0 : i32
        %dma_start3A_100 = tpu.memref_slice %arg10[%dma_start3A_98, %dma_start3A_99] : memref<10112x128xf32, #tpu.memory_space<vmem_shared>> -> memref<10112x128xf32, #tpu.memory_space<vmem_shared>>
        tpu.enqueue_indirect_dma source(%arg8 : memref<128x128xf32, #tpu.memory_space<vmem>>) target(%dma_start3A_100 : memref<10112x128xf32, #tpu.memory_space<vmem_shared>>) offsets(%dma_start3A_97 : memref<128xi32, #tpu.memory_space<vmem>>) semaphore(%arg15 : memref<!tpu.dma_semaphore, #tpu.memory_space<semaphore_mem>>) {add = true}
        %dma_wait3A_101 = arith.constant 0 : i32
        %dma_wait3A_102 = arith.constant 0 : i32
        %dma_wait3A_103 = tpu.memref_slice %arg2[%dma_wait3A_101, %dma_wait3A_102] : memref<10016x128xf32, #tpu.memory_space<hbm>> -> memref<128x128xf32, #tpu.memory_space<hbm>>
        %dma_wait3A_104 = arith.constant 0 : i32
        %dma_wait3A_105 = arith.constant 0 : i32
        %dma_wait3A_106 = tpu.memref_slice %arg2[%dma_wait3A_104, %dma_wait3A_105] : memref<10016x128xf32, #tpu.memory_space<hbm>> -> memref<128x128xf32, #tpu.memory_space<hbm>>
        tpu.wait_dma2 semaphore(%arg14 : memref<!tpu.dma_semaphore, #tpu.memory_space<semaphore_mem>>) src(%dma_wait3A_106 : memref<128x128xf32, #tpu.memory_space<hbm>>) dst(%arg9 : memref<128x128xf32, #tpu.memory_space<vmem>>)
        %dma_start3A_107 = arith.constant 1 : i32
        %dma_start3A_108 = arith.constant 0 : i32
        %dma_start3A_109 = tpu.memref_slice %arg7[%dma_start3A_107, %dma_start3A_108] : memref<2x128xi32, #tpu.memory_space<vmem>> -> memref<1x128xi32, #tpu.memory_space<vmem>>
        %dma_start3A_110 = tpu.memref_squeeze %dma_start3A_109 : memref<1x128xi32, #tpu.memory_space<vmem>> -> memref<128xi32, #tpu.memory_space<vmem>>
        %dma_start3A_111 = arith.constant 0 : i32
        %dma_start3A_112 = arith.constant 0 : i32
        %dma_start3A_113 = tpu.memref_slice %arg10[%dma_start3A_111, %dma_start3A_112] : memref<10112x128xf32, #tpu.memory_space<vmem_shared>> -> memref<10112x128xf32, #tpu.memory_space<vmem_shared>>
        tpu.enqueue_indirect_dma source(%arg9 : memref<128x128xf32, #tpu.memory_space<vmem>>) target(%dma_start3A_113 : memref<10112x128xf32, #tpu.memory_space<vmem_shared>>) offsets(%dma_start3A_110 : memref<128xi32, #tpu.memory_space<vmem>>) semaphore(%arg16 : memref<!tpu.dma_semaphore, #tpu.memory_space<semaphore_mem>>) {add = true}
        %add3A_114 = arith.constant 2 : i32
        %add3A_115 = arith.addi %add3A_86, %add3A_114 : i32
        %lt3A_116 = arith.cmpi slt, %add3A_115, %select_n3A_10 : i32
        %convert_element_type3A_117 = arith.extui %lt3A_116 : i1 to i32
        %cond3A_118 = arith.constant 0 : i32
        %cond3A_119 = arith.cmpi ne, %convert_element_type3A_117, %cond3A_118 : i32
        scf.if %cond3A_119 {
          %dma_wait3A_120 = arith.constant 0 : i32
          %dma_wait3A_121 = arith.constant 0 : i32
          %dma_wait3A_122 = tpu.memref_slice %arg10[%dma_wait3A_120, %dma_wait3A_121] : memref<10112x128xf32, #tpu.memory_space<vmem_shared>> -> memref<128x128xf32, #tpu.memory_space<vmem_shared>>
          %dma_wait3A_123 = arith.constant 0 : i32
          %dma_wait3A_124 = arith.constant 0 : i32
          %dma_wait3A_125 = tpu.memref_slice %arg10[%dma_wait3A_123, %dma_wait3A_124] : memref<10112x128xf32, #tpu.memory_space<vmem_shared>> -> memref<128x128xf32, #tpu.memory_space<vmem_shared>>
          tpu.wait_dma2 semaphore(%arg15 : memref<!tpu.dma_semaphore, #tpu.memory_space<semaphore_mem>>) src(%arg8 : memref<128x128xf32, #tpu.memory_space<vmem>>) dst(%dma_wait3A_125 : memref<128x128xf32, #tpu.memory_space<vmem_shared>>)
          %add3A_126 = arith.constant 2 : i32
          %add3A_127 = arith.addi %add3A_86, %add3A_126 : i32
          %add3A_128 = arith.addi %select_n3A, %add3A_127 : i32
          %dma_start3A_129 = arith.constant 0 : i32
          %dma_start3A_130 = arith.constant 0 : i32
          %dma_start3A_131 = tpu.memref_slice %arg3[%add3A_128, %dma_start3A_129, %dma_start3A_130] : memref<2528x2x128xi32, #tpu.memory_space<hbm>> -> memref<1x2x128xi32, #tpu.memory_space<hbm>>
          %dma_start3A_132 = tpu.memref_squeeze %dma_start3A_131 : memref<1x2x128xi32, #tpu.memory_space<hbm>> -> memref<2x128xi32, #tpu.memory_space<hbm>>
          %dma_start3A_133 = arith.constant 0 : i32
          %dma_start3A_134 = arith.constant 0 : i32
          %dma_start3A_135 = tpu.memref_slice %arg3[%add3A_128, %dma_start3A_133, %dma_start3A_134] : memref<2528x2x128xi32, #tpu.memory_space<hbm>> -> memref<1x2x128xi32, #tpu.memory_space<hbm>>
          %dma_start3A_136 = tpu.memref_squeeze %dma_start3A_135 : memref<1x2x128xi32, #tpu.memory_space<hbm>> -> memref<2x128xi32, #tpu.memory_space<hbm>>
          tpu.enqueue_dma source(%dma_start3A_136 : memref<2x128xi32, #tpu.memory_space<hbm>>) target(%arg6 : memref<2x128xi32, #tpu.memory_space<vmem>>) target_semaphore(%arg11 : memref<!tpu.dma_semaphore, #tpu.memory_space<semaphore_mem>>)
          %dma_wait3A_137 = arith.constant 0 : i32
          %dma_wait3A_138 = arith.constant 0 : i32
          %dma_wait3A_139 = tpu.memref_slice %arg10[%dma_wait3A_137, %dma_wait3A_138] : memref<10112x128xf32, #tpu.memory_space<vmem_shared>> -> memref<128x128xf32, #tpu.memory_space<vmem_shared>>
          %dma_wait3A_140 = arith.constant 0 : i32
          %dma_wait3A_141 = arith.constant 0 : i32
          %dma_wait3A_142 = tpu.memref_slice %arg10[%dma_wait3A_140, %dma_wait3A_141] : memref<10112x128xf32, #tpu.memory_space<vmem_shared>> -> memref<128x128xf32, #tpu.memory_space<vmem_shared>>
          tpu.wait_dma2 semaphore(%arg16 : memref<!tpu.dma_semaphore, #tpu.memory_space<semaphore_mem>>) src(%arg9 : memref<128x128xf32, #tpu.memory_space<vmem>>) dst(%dma_wait3A_142 : memref<128x128xf32, #tpu.memory_space<vmem_shared>>)
          %add3A_143 = arith.constant 3 : i32
          %add3A_144 = arith.addi %add3A_86, %add3A_143 : i32
          %add3A_145 = arith.addi %select_n3A, %add3A_144 : i32
          %dma_start3A_146 = arith.constant 0 : i32
          %dma_start3A_147 = arith.constant 0 : i32
          %dma_start3A_148 = tpu.memref_slice %arg3[%add3A_145, %dma_start3A_146, %dma_start3A_147] : memref<2528x2x128xi32, #tpu.memory_space<hbm>> -> memref<1x2x128xi32, #tpu.memory_space<hbm>>
          %dma_start3A_149 = tpu.memref_squeeze %dma_start3A_148 : memref<1x2x128xi32, #tpu.memory_space<hbm>> -> memref<2x128xi32, #tpu.memory_space<hbm>>
          %dma_start3A_150 = arith.constant 0 : i32
          %dma_start3A_151 = arith.constant 0 : i32
          %dma_start3A_152 = tpu.memref_slice %arg3[%add3A_145, %dma_start3A_150, %dma_start3A_151] : memref<2528x2x128xi32, #tpu.memory_space<hbm>> -> memref<1x2x128xi32, #tpu.memory_space<hbm>>
          %dma_start3A_153 = tpu.memref_squeeze %dma_start3A_152 : memref<1x2x128xi32, #tpu.memory_space<hbm>> -> memref<2x128xi32, #tpu.memory_space<hbm>>
          tpu.enqueue_dma source(%dma_start3A_153 : memref<2x128xi32, #tpu.memory_space<hbm>>) target(%arg7 : memref<2x128xi32, #tpu.memory_space<vmem>>) target_semaphore(%arg12 : memref<!tpu.dma_semaphore, #tpu.memory_space<semaphore_mem>>)
          %dma_wait3A_154 = arith.constant 0 : i32
          %dma_wait3A_155 = arith.constant 0 : i32
          %dma_wait3A_156 = arith.constant 0 : i32
          %dma_wait3A_157 = tpu.memref_slice %arg3[%dma_wait3A_154, %dma_wait3A_155, %dma_wait3A_156] : memref<2528x2x128xi32, #tpu.memory_space<hbm>> -> memref<1x2x128xi32, #tpu.memory_space<hbm>>
          %dma_wait3A_158 = tpu.memref_squeeze %dma_wait3A_157 : memref<1x2x128xi32, #tpu.memory_space<hbm>> -> memref<2x128xi32, #tpu.memory_space<hbm>>
          %dma_wait3A_159 = arith.constant 0 : i32
          %dma_wait3A_160 = arith.constant 0 : i32
          %dma_wait3A_161 = tpu.memref_slice %arg3[%dma_wait3A_154, %dma_wait3A_159, %dma_wait3A_160] : memref<2528x2x128xi32, #tpu.memory_space<hbm>> -> memref<1x2x128xi32, #tpu.memory_space<hbm>>
          %dma_wait3A_162 = tpu.memref_squeeze %dma_wait3A_161 : memref<1x2x128xi32, #tpu.memory_space<hbm>> -> memref<2x128xi32, #tpu.memory_space<hbm>>
          tpu.wait_dma2 semaphore(%arg11 : memref<!tpu.dma_semaphore, #tpu.memory_space<semaphore_mem>>) src(%dma_wait3A_162 : memref<2x128xi32, #tpu.memory_space<hbm>>) dst(%arg6 : memref<2x128xi32, #tpu.memory_space<vmem>>)
          %dma_start3A_163 = arith.constant 0 : i32
          %dma_start3A_164 = arith.constant 0 : i32
          %dma_start3A_165 = tpu.memref_slice %arg6[%dma_start3A_163, %dma_start3A_164] : memref<2x128xi32, #tpu.memory_space<vmem>> -> memref<1x128xi32, #tpu.memory_space<vmem>>
          %dma_start3A_166 = tpu.memref_squeeze %dma_start3A_165 : memref<1x128xi32, #tpu.memory_space<vmem>> -> memref<128xi32, #tpu.memory_space<vmem>>
          %dma_start3A_167 = arith.constant 0 : i32
          %dma_start3A_168 = arith.constant 0 : i32
          %dma_start3A_169 = tpu.memref_slice %arg2[%dma_start3A_167, %dma_start3A_168] : memref<10016x128xf32, #tpu.memory_space<hbm>> -> memref<10016x128xf32, #tpu.memory_space<hbm>>
          tpu.enqueue_indirect_dma source(%dma_start3A_169 : memref<10016x128xf32, #tpu.memory_space<hbm>>) target(%arg8 : memref<128x128xf32, #tpu.memory_space<vmem>>) offsets(%dma_start3A_166 : memref<128xi32, #tpu.memory_space<vmem>>) semaphore(%arg13 : memref<!tpu.dma_semaphore, #tpu.memory_space<semaphore_mem>>)
          %dma_wait3A_170 = arith.constant 0 : i32
          %dma_wait3A_171 = arith.constant 0 : i32
          %dma_wait3A_172 = arith.constant 0 : i32
          %dma_wait3A_173 = tpu.memref_slice %arg3[%dma_wait3A_170, %dma_wait3A_171, %dma_wait3A_172] : memref<2528x2x128xi32, #tpu.memory_space<hbm>> -> memref<1x2x128xi32, #tpu.memory_space<hbm>>
          %dma_wait3A_174 = tpu.memref_squeeze %dma_wait3A_173 : memref<1x2x128xi32, #tpu.memory_space<hbm>> -> memref<2x128xi32, #tpu.memory_space<hbm>>
          %dma_wait3A_175 = arith.constant 0 : i32
          %dma_wait3A_176 = arith.constant 0 : i32
          %dma_wait3A_177 = tpu.memref_slice %arg3[%dma_wait3A_170, %dma_wait3A_175, %dma_wait3A_176] : memref<2528x2x128xi32, #tpu.memory_space<hbm>> -> memref<1x2x128xi32, #tpu.memory_space<hbm>>
          %dma_wait3A_178 = tpu.memref_squeeze %dma_wait3A_177 : memref<1x2x128xi32, #tpu.memory_space<hbm>> -> memref<2x128xi32, #tpu.memory_space<hbm>>
          tpu.wait_dma2 semaphore(%arg12 : memref<!tpu.dma_semaphore, #tpu.memory_space<semaphore_mem>>) src(%dma_wait3A_178 : memref<2x128xi32, #tpu.memory_space<hbm>>) dst(%arg7 : memref<2x128xi32, #tpu.memory_space<vmem>>)
          %dma_start3A_179 = arith.constant 0 : i32
          %dma_start3A_180 = arith.constant 0 : i32
          %dma_start3A_181 = tpu.memref_slice %arg7[%dma_start3A_179, %dma_start3A_180] : memref<2x128xi32, #tpu.memory_space<vmem>> -> memref<1x128xi32, #tpu.memory_space<vmem>>
          %dma_start3A_182 = tpu.memref_squeeze %dma_start3A_181 : memref<1x128xi32, #tpu.memory_space<vmem>> -> memref<128xi32, #tpu.memory_space<vmem>>
          %dma_start3A_183 = arith.constant 0 : i32
          %dma_start3A_184 = arith.constant 0 : i32
          %dma_start3A_185 = tpu.memref_slice %arg2[%dma_start3A_183, %dma_start3A_184] : memref<10016x128xf32, #tpu.memory_space<hbm>> -> memref<10016x128xf32, #tpu.memory_space<hbm>>
          tpu.enqueue_indirect_dma source(%dma_start3A_185 : memref<10016x128xf32, #tpu.memory_space<hbm>>) target(%arg9 : memref<128x128xf32, #tpu.memory_space<vmem>>) offsets(%dma_start3A_182 : memref<128xi32, #tpu.memory_space<vmem>>) semaphore(%arg14 : memref<!tpu.dma_semaphore, #tpu.memory_space<semaphore_mem>>)
        } else {
        }
      } else {
      }
    }
    %scan3A_64 = arith.constant 60 : i32
    %dma_wait3A_65 = arith.constant 0 : i32
    %dma_wait3A_66 = arith.constant 0 : i32
    %dma_wait3A_67 = tpu.memref_slice %arg10[%dma_wait3A_65, %dma_wait3A_66] : memref<10112x128xf32, #tpu.memory_space<vmem_shared>> -> memref<128x128xf32, #tpu.memory_space<vmem_shared>>
    %dma_wait3A_68 = arith.constant 0 : i32
    %dma_wait3A_69 = arith.constant 0 : i32
    %dma_wait3A_70 = tpu.memref_slice %arg10[%dma_wait3A_68, %dma_wait3A_69] : memref<10112x128xf32, #tpu.memory_space<vmem_shared>> -> memref<128x128xf32, #tpu.memory_space<vmem_shared>>
    tpu.wait_dma2 semaphore(%arg15 : memref<!tpu.dma_semaphore, #tpu.memory_space<semaphore_mem>>) src(%arg8 : memref<128x128xf32, #tpu.memory_space<vmem>>) dst(%dma_wait3A_70 : memref<128x128xf32, #tpu.memory_space<vmem_shared>>)
    %dma_wait3A_71 = arith.constant 0 : i32
    %dma_wait3A_72 = arith.constant 0 : i32
    %dma_wait3A_73 = tpu.memref_slice %arg10[%dma_wait3A_71, %dma_wait3A_72] : memref<10112x128xf32, #tpu.memory_space<vmem_shared>> -> memref<128x128xf32, #tpu.memory_space<vmem_shared>>
    %dma_wait3A_74 = arith.constant 0 : i32
    %dma_wait3A_75 = arith.constant 0 : i32
    %dma_wait3A_76 = tpu.memref_slice %arg10[%dma_wait3A_74, %dma_wait3A_75] : memref<10112x128xf32, #tpu.memory_space<vmem_shared>> -> memref<128x128xf32, #tpu.memory_space<vmem_shared>>
    tpu.wait_dma2 semaphore(%arg16 : memref<!tpu.dma_semaphore, #tpu.memory_space<semaphore_mem>>) src(%arg9 : memref<128x128xf32, #tpu.memory_space<vmem>>) dst(%dma_wait3A_76 : memref<128x128xf32, #tpu.memory_space<vmem_shared>>)
    %barrier3A_77 = arith.constant 0 : index
    tpu.barrier barrier_id(%barrier3A_77)
    %mul3A_78 = arith.constant 632 : i32
    %mul3A_79 = arith.muli %arg1, %mul3A_78 : i32
    %mul3A_80 = arith.constant 632 : i32
    %mul3A_81 = arith.muli %arg1, %mul3A_80 : i32
    "tpu.region"() ({
      %run_scoped3A = tpu.sem_alloc : memref<!tpu.dma_semaphore, #tpu.memory_space<semaphore_mem>>
      %dma_start3A_82 = arith.constant 0 : i32
      %dma_start3A_83 = tpu.memref_slice %arg5[%arg0, %mul3A_81, %dma_start3A_82] : memref<2x10112x128xf32, #tpu.memory_space<hbm>> -> memref<1x632x128xf32, #tpu.memory_space<hbm>>
      %dma_start3A_84 = tpu.memref_squeeze %dma_start3A_83 : memref<1x632x128xf32, #tpu.memory_space<hbm>> -> memref<632x128xf32, #tpu.memory_space<hbm>>
      %dma_start3A_85 = arith.constant 0 : i32
      %dma_start3A_86 = tpu.memref_slice %arg10[%mul3A_79, %dma_start3A_85] : memref<10112x128xf32, #tpu.memory_space<vmem_shared>> -> memref<632x128xf32, #tpu.memory_space<vmem_shared>>
      tpu.enqueue_dma source(%dma_start3A_86 : memref<632x128xf32, #tpu.memory_space<vmem_shared>>) target(%dma_start3A_84 : memref<632x128xf32, #tpu.memory_space<hbm>>) target_semaphore(%run_scoped3A : memref<!tpu.dma_semaphore, #tpu.memory_space<semaphore_mem>>)
      %dma_wait3A_87 = arith.constant 0 : i32
      %dma_wait3A_88 = tpu.memref_slice %arg5[%arg0, %mul3A_81, %dma_wait3A_87] : memref<2x10112x128xf32, #tpu.memory_space<hbm>> -> memref<1x632x128xf32, #tpu.memory_space<hbm>>
      %dma_wait3A_89 = tpu.memref_squeeze %dma_wait3A_88 : memref<1x632x128xf32, #tpu.memory_space<hbm>> -> memref<632x128xf32, #tpu.memory_space<hbm>>
      %dma_wait3A_90 = arith.constant 0 : i32
      %dma_wait3A_91 = tpu.memref_slice %arg10[%mul3A_79, %dma_wait3A_90] : memref<10112x128xf32, #tpu.memory_space<vmem_shared>> -> memref<632x128xf32, #tpu.memory_space<vmem_shared>>
      tpu.wait_dma2 semaphore(%run_scoped3A : memref<!tpu.dma_semaphore, #tpu.memory_space<semaphore_mem>>) src(%dma_wait3A_91 : memref<632x128xf32, #tpu.memory_space<vmem_shared>>) dst(%dma_wait3A_89 : memref<632x128xf32, #tpu.memory_space<hbm>>)
      tpu.yield
    }) : () -> ()
    return
  }
}

#map = affine_map<(d0, d1) -> (0, 0)>
#map1 = affine_map<(d0, d1) -> (0, 0, 0)>
module attributes {stable_mosaic.version = 14 : i64} {
  func.func @k(%arg0: i32, %arg1: i32, %arg2: memref<10016x128xf32, #tpu.memory_space<hbm>>, %arg3: memref<2528x2x128xi32, #tpu.memory_space<hbm>>, %arg4: memref<632x128xf32, #tpu.memory_space<hbm>>, %arg5: memref<2x10112x128xf32, #tpu.memory_space<hbm>>, %arg6: memref<2x128xi32, #tpu.memory_space<vmem>>, %arg7: memref<2x128xi32, #tpu.memory_space<vmem>>, %arg8: memref<128x128xf32, #tpu.memory_space<vmem>>, %arg9: memref<128x128xf32, #tpu.memory_space<vmem>>, %arg10: memref<10112x128xf32, #tpu.memory_space<vmem_shared>>, %arg11: memref<!tpu.dma_semaphore, #tpu.memory_space<semaphore_mem>>, %arg12: memref<!tpu.dma_semaphore, #tpu.memory_space<semaphore_mem>>, %arg13: memref<!tpu.dma_semaphore, #tpu.memory_space<semaphore_mem>>, %arg14: memref<!tpu.dma_semaphore, #tpu.memory_space<semaphore_mem>>, %arg15: memref<!tpu.dma_semaphore, #tpu.memory_space<semaphore_mem>>, %arg16: memref<!tpu.dma_semaphore, #tpu.memory_space<semaphore_mem>>) attributes {dimension_semantics = [#tpu.dimension_semantics<core_parallel>, #tpu.dimension_semantics<subcore_parallel>], iteration_bounds = array<i64: 2, 16>, scalar_prefetch = 0 : i64, scratch_operands = 11 : i64, tpu.core_type = #tpu.core_type<sc_vector_subcore>, window_params = [{transform_indices = #map}, {transform_indices = #map1}, {transform_indices = #map}, {transform_indices = #map1}]} {
    %eq3A = arith.constant 0 : i32
    %eq3A_0 = arith.cmpi eq, %arg0, %eq3A : i32
    %mul3A = arith.constant 120 : i32
    %mul3A_1 = arith.muli %arg1, %mul3A : i32
    %mul3A_2 = arith.constant 38 : i32
    %mul3A_3 = arith.muli %arg1, %mul3A_2 : i32
    %add3A = arith.constant 1920 : i32
    %add3A_4 = arith.addi %add3A, %mul3A_3 : i32
    %select_n3A = arith.select %eq3A_0, %mul3A_1, %add3A_4 : i32
    %mul3A_5 = arith.constant 632 : i32
    %mul3A_6 = arith.muli %arg1, %mul3A_5 : i32
    "tpu.region"() ({
      %run_scoped3A = tpu.sem_alloc : memref<!tpu.dma_semaphore, #tpu.memory_space<semaphore_mem>>
      %dma_start3A_82 = arith.constant 0 : i32
      %dma_start3A_83 = tpu.memref_slice %arg10[%mul3A_6, %dma_start3A_82] : memref<10112x128xf32, #tpu.memory_space<vmem_shared>> -> memref<632x128xf32, #tpu.memory_space<vmem_shared>>
      tpu.enqueue_dma source(%arg4 : memref<632x128xf32, #tpu.memory_space<hbm>>) target(%dma_start3A_83 : memref<632x128xf32, #tpu.memory_space<vmem_shared>>) target_semaphore(%run_scoped3A : memref<!tpu.dma_semaphore, #tpu.memory_space<semaphore_mem>>)
      %dma_wait3A_84 = arith.constant 0 : i32
      %dma_wait3A_85 = tpu.memref_slice %arg10[%mul3A_6, %dma_wait3A_84] : memref<10112x128xf32, #tpu.memory_space<vmem_shared>> -> memref<632x128xf32, #tpu.memory_space<vmem_shared>>
      tpu.wait_dma2 semaphore(%run_scoped3A : memref<!tpu.dma_semaphore, #tpu.memory_space<semaphore_mem>>) src(%arg4 : memref<632x128xf32, #tpu.memory_space<hbm>>) dst(%dma_wait3A_85 : memref<632x128xf32, #tpu.memory_space<vmem_shared>>)
      tpu.yield
    }) : () -> ()
    %eq3A_7 = arith.constant 0 : i32
    %eq3A_8 = arith.cmpi eq, %arg0, %eq3A_7 : i32
    %jit3A = arith.constant 120 : i32
    %jit3A_9 = arith.constant 38 : i32
    %select_n3A_10 = arith.select %eq3A_8, %jit3A, %jit3A_9 : i32
    %add3A_11 = arith.constant 0 : i32
    %add3A_12 = arith.addi %select_n3A, %add3A_11 : i32
    %dma_start3A = arith.constant 0 : i32
    %dma_start3A_13 = arith.constant 0 : i32
    %dma_start3A_14 = tpu.memref_slice %arg3[%add3A_12, %dma_start3A, %dma_start3A_13] : memref<2528x2x128xi32, #tpu.memory_space<hbm>> -> memref<1x2x128xi32, #tpu.memory_space<hbm>>
    %dma_start3A_15 = tpu.memref_squeeze %dma_start3A_14 : memref<1x2x128xi32, #tpu.memory_space<hbm>> -> memref<2x128xi32, #tpu.memory_space<hbm>>
    %dma_start3A_16 = arith.constant 0 : i32
    %dma_start3A_17 = arith.constant 0 : i32
    %dma_start3A_18 = tpu.memref_slice %arg3[%add3A_12, %dma_start3A_16, %dma_start3A_17] : memref<2528x2x128xi32, #tpu.memory_space<hbm>> -> memref<1x2x128xi32, #tpu.memory_space<hbm>>
    %dma_start3A_19 = tpu.memref_squeeze %dma_start3A_18 : memref<1x2x128xi32, #tpu.memory_space<hbm>> -> memref<2x128xi32, #tpu.memory_space<hbm>>
    tpu.enqueue_dma source(%dma_start3A_19 : memref<2x128xi32, #tpu.memory_space<hbm>>) target(%arg6 : memref<2x128xi32, #tpu.memory_space<vmem>>) target_semaphore(%arg11 : memref<!tpu.dma_semaphore, #tpu.memory_space<semaphore_mem>>)
    %add3A_20 = arith.constant 1 : i32
    %add3A_21 = arith.addi %select_n3A, %add3A_20 : i32
    %dma_start3A_22 = arith.constant 0 : i32
    %dma_start3A_23 = arith.constant 0 : i32
    %dma_start3A_24 = tpu.memref_slice %arg3[%add3A_21, %dma_start3A_22, %dma_start3A_23] : memref<2528x2x128xi32, #tpu.memory_space<hbm>> -> memref<1x2x128xi32, #tpu.memory_space<hbm>>
    %dma_start3A_25 = tpu.memref_squeeze %dma_start3A_24 : memref<1x2x128xi32, #tpu.memory_space<hbm>> -> memref<2x128xi32, #tpu.memory_space<hbm>>
    %dma_start3A_26 = arith.constant 0 : i32
    %dma_start3A_27 = arith.constant 0 : i32
    %dma_start3A_28 = tpu.memref_slice %arg3[%add3A_21, %dma_start3A_26, %dma_start3A_27] : memref<2528x2x128xi32, #tpu.memory_space<hbm>> -> memref<1x2x128xi32, #tpu.memory_space<hbm>>
    %dma_start3A_29 = tpu.memref_squeeze %dma_start3A_28 : memref<1x2x128xi32, #tpu.memory_space<hbm>> -> memref<2x128xi32, #tpu.memory_space<hbm>>
    tpu.enqueue_dma source(%dma_start3A_29 : memref<2x128xi32, #tpu.memory_space<hbm>>) target(%arg7 : memref<2x128xi32, #tpu.memory_space<vmem>>) target_semaphore(%arg12 : memref<!tpu.dma_semaphore, #tpu.memory_space<semaphore_mem>>)
    %barrier3A = arith.constant 0 : index
    tpu.barrier barrier_id(%barrier3A)
    %dma_wait3A = arith.constant 0 : i32
    %dma_wait3A_30 = arith.constant 0 : i32
    %dma_wait3A_31 = arith.constant 0 : i32
    %dma_wait3A_32 = tpu.memref_slice %arg3[%dma_wait3A, %dma_wait3A_30, %dma_wait3A_31] : memref<2528x2x128xi32, #tpu.memory_space<hbm>> -> memref<1x2x128xi32, #tpu.memory_space<hbm>>
    %dma_wait3A_33 = tpu.memref_squeeze %dma_wait3A_32 : memref<1x2x128xi32, #tpu.memory_space<hbm>> -> memref<2x128xi32, #tpu.memory_space<hbm>>
    %dma_wait3A_34 = arith.constant 0 : i32
    %dma_wait3A_35 = arith.constant 0 : i32
    %dma_wait3A_36 = tpu.memref_slice %arg3[%dma_wait3A, %dma_wait3A_34, %dma_wait3A_35] : memref<2528x2x128xi32, #tpu.memory_space<hbm>> -> memref<1x2x128xi32, #tpu.memory_space<hbm>>
    %dma_wait3A_37 = tpu.memref_squeeze %dma_wait3A_36 : memref<1x2x128xi32, #tpu.memory_space<hbm>> -> memref<2x128xi32, #tpu.memory_space<hbm>>
    tpu.wait_dma2 semaphore(%arg11 : memref<!tpu.dma_semaphore, #tpu.memory_space<semaphore_mem>>) src(%dma_wait3A_37 : memref<2x128xi32, #tpu.memory_space<hbm>>) dst(%arg6 : memref<2x128xi32, #tpu.memory_space<vmem>>)
    %dma_start3A_38 = arith.constant 0 : i32
    %dma_start3A_39 = arith.constant 0 : i32
    %dma_start3A_40 = tpu.memref_slice %arg6[%dma_start3A_38, %dma_start3A_39] : memref<2x128xi32, #tpu.memory_space<vmem>> -> memref<1x128xi32, #tpu.memory_space<vmem>>
    %dma_start3A_41 = tpu.memref_squeeze %dma_start3A_40 : memref<1x128xi32, #tpu.memory_space<vmem>> -> memref<128xi32, #tpu.memory_space<vmem>>
    %dma_start3A_42 = arith.constant 0 : i32
    %dma_start3A_43 = arith.constant 0 : i32
    %dma_start3A_44 = tpu.memref_slice %arg2[%dma_start3A_42, %dma_start3A_43] : memref<10016x128xf32, #tpu.memory_space<hbm>> -> memref<10016x128xf32, #tpu.memory_space<hbm>>
    tpu.enqueue_indirect_dma source(%dma_start3A_44 : memref<10016x128xf32, #tpu.memory_space<hbm>>) target(%arg8 : memref<128x128xf32, #tpu.memory_space<vmem>>) offsets(%dma_start3A_41 : memref<128xi32, #tpu.memory_space<vmem>>) semaphore(%arg13 : memref<!tpu.dma_semaphore, #tpu.memory_space<semaphore_mem>>)
    %dma_wait3A_45 = arith.constant 0 : i32
    %dma_wait3A_46 = arith.constant 0 : i32
    %dma_wait3A_47 = arith.constant 0 : i32
    %dma_wait3A_48 = tpu.memref_slice %arg3[%dma_wait3A_45, %dma_wait3A_46, %dma_wait3A_47] : memref<2528x2x128xi32, #tpu.memory_space<hbm>> -> memref<1x2x128xi32, #tpu.memory_space<hbm>>
    %dma_wait3A_49 = tpu.memref_squeeze %dma_wait3A_48 : memref<1x2x128xi32, #tpu.memory_space<hbm>> -> memref<2x128xi32, #tpu.memory_space<hbm>>
    %dma_wait3A_50 = arith.constant 0 : i32
    %dma_wait3A_51 = arith.constant 0 : i32
    %dma_wait3A_52 = tpu.memref_slice %arg3[%dma_wait3A_45, %dma_wait3A_50, %dma_wait3A_51] : memref<2528x2x128xi32, #tpu.memory_space<hbm>> -> memref<1x2x128xi32, #tpu.memory_space<hbm>>
    %dma_wait3A_53 = tpu.memref_squeeze %dma_wait3A_52 : memref<1x2x128xi32, #tpu.memory_space<hbm>> -> memref<2x128xi32, #tpu.memory_space<hbm>>
    tpu.wait_dma2 semaphore(%arg12 : memref<!tpu.dma_semaphore, #tpu.memory_space<semaphore_mem>>) src(%dma_wait3A_53 : memref<2x128xi32, #tpu.memory_space<hbm>>) dst(%arg7 : memref<2x128xi32, #tpu.memory_space<vmem>>)
    %dma_start3A_54 = arith.constant 0 : i32
    %dma_start3A_55 = arith.constant 0 : i32
    %dma_start3A_56 = tpu.memref_slice %arg7[%dma_start3A_54, %dma_start3A_55] : memref<2x128xi32, #tpu.memory_space<vmem>> -> memref<1x128xi32, #tpu.memory_space<vmem>>
    %dma_start3A_57 = tpu.memref_squeeze %dma_start3A_56 : memref<1x128xi32, #tpu.memory_space<vmem>> -> memref<128xi32, #tpu.memory_space<vmem>>
    %dma_start3A_58 = arith.constant 0 : i32
    %dma_start3A_59 = arith.constant 0 : i32
    %dma_start3A_60 = tpu.memref_slice %arg2[%dma_start3A_58, %dma_start3A_59] : memref<10016x128xf32, #tpu.memory_space<hbm>> -> memref<10016x128xf32, #tpu.memory_space<hbm>>
    tpu.enqueue_indirect_dma source(%dma_start3A_60 : memref<10016x128xf32, #tpu.memory_space<hbm>>) target(%arg9 : memref<128x128xf32, #tpu.memory_space<vmem>>) offsets(%dma_start3A_57 : memref<128xi32, #tpu.memory_space<vmem>>) semaphore(%arg14 : memref<!tpu.dma_semaphore, #tpu.memory_space<semaphore_mem>>)
    %scan3A = arith.constant 0 : i32
    %scan3A_61 = arith.constant 60 : i32
    %scan3A_62 = arith.addi %scan3A, %scan3A_61 : i32
    %scan3A_63 = arith.constant 1 : i32
    scf.for %scan3A_82 = %scan3A to %scan3A_62 step %scan3A_63  : i32 {
      %mul3A_83 = arith.constant 2 : i32
      %mul3A_84 = arith.muli %scan3A_82, %mul3A_83 : i32
      %add3A_85 = arith.constant 0 : i32
      %add3A_86 = arith.addi %add3A_85, %mul3A_84 : i32
      %lt3A = arith.cmpi slt, %add3A_86, %select_n3A_10 : i32
      %convert_element_type3A = arith.extui %lt3A : i1 to i32
      %cond3A = arith.constant 0 : i32
      %cond3A_87 = arith.cmpi ne, %convert_element_type3A, %cond3A : i32
      scf.if %cond3A_87 {
        %dma_wait3A_88 = arith.constant 0 : i32
        %dma_wait3A_89 = arith.constant 0 : i32
        %dma_wait3A_90 = tpu.memref_slice %arg2[%dma_wait3A_88, %dma_wait3A_89] : memref<10016x128xf32, #tpu.memory_space<hbm>> -> memref<128x128xf32, #tpu.memory_space<hbm>>
        %dma_wait3A_91 = arith.constant 0 : i32
        %dma_wait3A_92 = arith.constant 0 : i32
        %dma_wait3A_93 = tpu.memref_slice %arg2[%dma_wait3A_91, %dma_wait3A_92] : memref<10016x128xf32, #tpu.memory_space<hbm>> -> memref<128x128xf32, #tpu.memory_space<hbm>>
        tpu.wait_dma2 semaphore(%arg13 : memref<!tpu.dma_semaphore, #tpu.memory_space<semaphore_mem>>) src(%dma_wait3A_93 : memref<128x128xf32, #tpu.memory_space<hbm>>) dst(%arg8 : memref<128x128xf32, #tpu.memory_space<vmem>>)
        %dma_start3A_94 = arith.constant 1 : i32
        %dma_start3A_95 = arith.constant 0 : i32
        %dma_start3A_96 = tpu.memref_slice %arg6[%dma_start3A_94, %dma_start3A_95] : memref<2x128xi32, #tpu.memory_space<vmem>> -> memref<1x128xi32, #tpu.memory_space<vmem>>
        %dma_start3A_97 = tpu.memref_squeeze %dma_start3A_96 : memref<1x128xi32, #tpu.memory_space<vmem>> -> memref<128xi32, #tpu.memory_space<vmem>>
        %dma_start3A_98 = arith.constant 0 : i32
        %dma_start3A_99 = arith.constant 0 : i32
        %dma_start3A_100 = tpu.memref_slice %arg10[%dma_start3A_98, %dma_start3A_99] : memref<10112x128xf32, #tpu.memory_space<vmem_shared>> -> memref<10112x128xf32, #tpu.memory_space<vmem_shared>>
        tpu.enqueue_indirect_dma source(%arg8 : memref<128x128xf32, #tpu.memory_space<vmem>>) target(%dma_start3A_100 : memref<10112x128xf32, #tpu.memory_space<vmem_shared>>) offsets(%dma_start3A_97 : memref<128xi32, #tpu.memory_space<vmem>>) semaphore(%arg15 : memref<!tpu.dma_semaphore, #tpu.memory_space<semaphore_mem>>) {add = true}
        %dma_wait3A_101 = arith.constant 0 : i32
        %dma_wait3A_102 = arith.constant 0 : i32
        %dma_wait3A_103 = tpu.memref_slice %arg2[%dma_wait3A_101, %dma_wait3A_102] : memref<10016x128xf32, #tpu.memory_space<hbm>> -> memref<128x128xf32, #tpu.memory_space<hbm>>
        %dma_wait3A_104 = arith.constant 0 : i32
        %dma_wait3A_105 = arith.constant 0 : i32
        %dma_wait3A_106 = tpu.memref_slice %arg2[%dma_wait3A_104, %dma_wait3A_105] : memref<10016x128xf32, #tpu.memory_space<hbm>> -> memref<128x128xf32, #tpu.memory_space<hbm>>
        tpu.wait_dma2 semaphore(%arg14 : memref<!tpu.dma_semaphore, #tpu.memory_space<semaphore_mem>>) src(%dma_wait3A_106 : memref<128x128xf32, #tpu.memory_space<hbm>>) dst(%arg9 : memref<128x128xf32, #tpu.memory_space<vmem>>)
        %dma_start3A_107 = arith.constant 1 : i32
        %dma_start3A_108 = arith.constant 0 : i32
        %dma_start3A_109 = tpu.memref_slice %arg7[%dma_start3A_107, %dma_start3A_108] : memref<2x128xi32, #tpu.memory_space<vmem>> -> memref<1x128xi32, #tpu.memory_space<vmem>>
        %dma_start3A_110 = tpu.memref_squeeze %dma_start3A_109 : memref<1x128xi32, #tpu.memory_space<vmem>> -> memref<128xi32, #tpu.memory_space<vmem>>
        %dma_start3A_111 = arith.constant 0 : i32
        %dma_start3A_112 = arith.constant 0 : i32
        %dma_start3A_113 = tpu.memref_slice %arg10[%dma_start3A_111, %dma_start3A_112] : memref<10112x128xf32, #tpu.memory_space<vmem_shared>> -> memref<10112x128xf32, #tpu.memory_space<vmem_shared>>
        tpu.enqueue_indirect_dma source(%arg9 : memref<128x128xf32, #tpu.memory_space<vmem>>) target(%dma_start3A_113 : memref<10112x128xf32, #tpu.memory_space<vmem_shared>>) offsets(%dma_start3A_110 : memref<128xi32, #tpu.memory_space<vmem>>) semaphore(%arg16 : memref<!tpu.dma_semaphore, #tpu.memory_space<semaphore_mem>>) {add = true}
        %add3A_114 = arith.constant 2 : i32
        %add3A_115 = arith.addi %add3A_86, %add3A_114 : i32
        %lt3A_116 = arith.cmpi slt, %add3A_115, %select_n3A_10 : i32
        %convert_element_type3A_117 = arith.extui %lt3A_116 : i1 to i32
        %cond3A_118 = arith.constant 0 : i32
        %cond3A_119 = arith.cmpi ne, %convert_element_type3A_117, %cond3A_118 : i32
        scf.if %cond3A_119 {
          %dma_wait3A_120 = arith.constant 0 : i32
          %dma_wait3A_121 = arith.constant 0 : i32
          %dma_wait3A_122 = tpu.memref_slice %arg10[%dma_wait3A_120, %dma_wait3A_121] : memref<10112x128xf32, #tpu.memory_space<vmem_shared>> -> memref<128x128xf32, #tpu.memory_space<vmem_shared>>
          %dma_wait3A_123 = arith.constant 0 : i32
          %dma_wait3A_124 = arith.constant 0 : i32
          %dma_wait3A_125 = tpu.memref_slice %arg10[%dma_wait3A_123, %dma_wait3A_124] : memref<10112x128xf32, #tpu.memory_space<vmem_shared>> -> memref<128x128xf32, #tpu.memory_space<vmem_shared>>
          tpu.wait_dma2 semaphore(%arg15 : memref<!tpu.dma_semaphore, #tpu.memory_space<semaphore_mem>>) src(%arg8 : memref<128x128xf32, #tpu.memory_space<vmem>>) dst(%dma_wait3A_125 : memref<128x128xf32, #tpu.memory_space<vmem_shared>>)
          %add3A_126 = arith.constant 2 : i32
          %add3A_127 = arith.addi %add3A_86, %add3A_126 : i32
          %add3A_128 = arith.addi %select_n3A, %add3A_127 : i32
          %dma_start3A_129 = arith.constant 0 : i32
          %dma_start3A_130 = arith.constant 0 : i32
          %dma_start3A_131 = tpu.memref_slice %arg3[%add3A_128, %dma_start3A_129, %dma_start3A_130] : memref<2528x2x128xi32, #tpu.memory_space<hbm>> -> memref<1x2x128xi32, #tpu.memory_space<hbm>>
          %dma_start3A_132 = tpu.memref_squeeze %dma_start3A_131 : memref<1x2x128xi32, #tpu.memory_space<hbm>> -> memref<2x128xi32, #tpu.memory_space<hbm>>
          %dma_start3A_133 = arith.constant 0 : i32
          %dma_start3A_134 = arith.constant 0 : i32
          %dma_start3A_135 = tpu.memref_slice %arg3[%add3A_128, %dma_start3A_133, %dma_start3A_134] : memref<2528x2x128xi32, #tpu.memory_space<hbm>> -> memref<1x2x128xi32, #tpu.memory_space<hbm>>
          %dma_start3A_136 = tpu.memref_squeeze %dma_start3A_135 : memref<1x2x128xi32, #tpu.memory_space<hbm>> -> memref<2x128xi32, #tpu.memory_space<hbm>>
          tpu.enqueue_dma source(%dma_start3A_136 : memref<2x128xi32, #tpu.memory_space<hbm>>) target(%arg6 : memref<2x128xi32, #tpu.memory_space<vmem>>) target_semaphore(%arg11 : memref<!tpu.dma_semaphore, #tpu.memory_space<semaphore_mem>>)
          %dma_wait3A_137 = arith.constant 0 : i32
          %dma_wait3A_138 = arith.constant 0 : i32
          %dma_wait3A_139 = tpu.memref_slice %arg10[%dma_wait3A_137, %dma_wait3A_138] : memref<10112x128xf32, #tpu.memory_space<vmem_shared>> -> memref<128x128xf32, #tpu.memory_space<vmem_shared>>
          %dma_wait3A_140 = arith.constant 0 : i32
          %dma_wait3A_141 = arith.constant 0 : i32
          %dma_wait3A_142 = tpu.memref_slice %arg10[%dma_wait3A_140, %dma_wait3A_141] : memref<10112x128xf32, #tpu.memory_space<vmem_shared>> -> memref<128x128xf32, #tpu.memory_space<vmem_shared>>
          tpu.wait_dma2 semaphore(%arg16 : memref<!tpu.dma_semaphore, #tpu.memory_space<semaphore_mem>>) src(%arg9 : memref<128x128xf32, #tpu.memory_space<vmem>>) dst(%dma_wait3A_142 : memref<128x128xf32, #tpu.memory_space<vmem_shared>>)
          %add3A_143 = arith.constant 3 : i32
          %add3A_144 = arith.addi %add3A_86, %add3A_143 : i32
          %add3A_145 = arith.addi %select_n3A, %add3A_144 : i32
          %dma_start3A_146 = arith.constant 0 : i32
          %dma_start3A_147 = arith.constant 0 : i32
          %dma_start3A_148 = tpu.memref_slice %arg3[%add3A_145, %dma_start3A_146, %dma_start3A_147] : memref<2528x2x128xi32, #tpu.memory_space<hbm>> -> memref<1x2x128xi32, #tpu.memory_space<hbm>>
          %dma_start3A_149 = tpu.memref_squeeze %dma_start3A_148 : memref<1x2x128xi32, #tpu.memory_space<hbm>> -> memref<2x128xi32, #tpu.memory_space<hbm>>
          %dma_start3A_150 = arith.constant 0 : i32
          %dma_start3A_151 = arith.constant 0 : i32
          %dma_start3A_152 = tpu.memref_slice %arg3[%add3A_145, %dma_start3A_150, %dma_start3A_151] : memref<2528x2x128xi32, #tpu.memory_space<hbm>> -> memref<1x2x128xi32, #tpu.memory_space<hbm>>
          %dma_start3A_153 = tpu.memref_squeeze %dma_start3A_152 : memref<1x2x128xi32, #tpu.memory_space<hbm>> -> memref<2x128xi32, #tpu.memory_space<hbm>>
          tpu.enqueue_dma source(%dma_start3A_153 : memref<2x128xi32, #tpu.memory_space<hbm>>) target(%arg7 : memref<2x128xi32, #tpu.memory_space<vmem>>) target_semaphore(%arg12 : memref<!tpu.dma_semaphore, #tpu.memory_space<semaphore_mem>>)
          %dma_wait3A_154 = arith.constant 0 : i32
          %dma_wait3A_155 = arith.constant 0 : i32
          %dma_wait3A_156 = arith.constant 0 : i32
          %dma_wait3A_157 = tpu.memref_slice %arg3[%dma_wait3A_154, %dma_wait3A_155, %dma_wait3A_156] : memref<2528x2x128xi32, #tpu.memory_space<hbm>> -> memref<1x2x128xi32, #tpu.memory_space<hbm>>
          %dma_wait3A_158 = tpu.memref_squeeze %dma_wait3A_157 : memref<1x2x128xi32, #tpu.memory_space<hbm>> -> memref<2x128xi32, #tpu.memory_space<hbm>>
          %dma_wait3A_159 = arith.constant 0 : i32
          %dma_wait3A_160 = arith.constant 0 : i32
          %dma_wait3A_161 = tpu.memref_slice %arg3[%dma_wait3A_154, %dma_wait3A_159, %dma_wait3A_160] : memref<2528x2x128xi32, #tpu.memory_space<hbm>> -> memref<1x2x128xi32, #tpu.memory_space<hbm>>
          %dma_wait3A_162 = tpu.memref_squeeze %dma_wait3A_161 : memref<1x2x128xi32, #tpu.memory_space<hbm>> -> memref<2x128xi32, #tpu.memory_space<hbm>>
          tpu.wait_dma2 semaphore(%arg11 : memref<!tpu.dma_semaphore, #tpu.memory_space<semaphore_mem>>) src(%dma_wait3A_162 : memref<2x128xi32, #tpu.memory_space<hbm>>) dst(%arg6 : memref<2x128xi32, #tpu.memory_space<vmem>>)
          %dma_start3A_163 = arith.constant 0 : i32
          %dma_start3A_164 = arith.constant 0 : i32
          %dma_start3A_165 = tpu.memref_slice %arg6[%dma_start3A_163, %dma_start3A_164] : memref<2x128xi32, #tpu.memory_space<vmem>> -> memref<1x128xi32, #tpu.memory_space<vmem>>
          %dma_start3A_166 = tpu.memref_squeeze %dma_start3A_165 : memref<1x128xi32, #tpu.memory_space<vmem>> -> memref<128xi32, #tpu.memory_space<vmem>>
          %dma_start3A_167 = arith.constant 0 : i32
          %dma_start3A_168 = arith.constant 0 : i32
          %dma_start3A_169 = tpu.memref_slice %arg2[%dma_start3A_167, %dma_start3A_168] : memref<10016x128xf32, #tpu.memory_space<hbm>> -> memref<10016x128xf32, #tpu.memory_space<hbm>>
          tpu.enqueue_indirect_dma source(%dma_start3A_169 : memref<10016x128xf32, #tpu.memory_space<hbm>>) target(%arg8 : memref<128x128xf32, #tpu.memory_space<vmem>>) offsets(%dma_start3A_166 : memref<128xi32, #tpu.memory_space<vmem>>) semaphore(%arg13 : memref<!tpu.dma_semaphore, #tpu.memory_space<semaphore_mem>>)
          %dma_wait3A_170 = arith.constant 0 : i32
          %dma_wait3A_171 = arith.constant 0 : i32
          %dma_wait3A_172 = arith.constant 0 : i32
          %dma_wait3A_173 = tpu.memref_slice %arg3[%dma_wait3A_170, %dma_wait3A_171, %dma_wait3A_172] : memref<2528x2x128xi32, #tpu.memory_space<hbm>> -> memref<1x2x128xi32, #tpu.memory_space<hbm>>
          %dma_wait3A_174 = tpu.memref_squeeze %dma_wait3A_173 : memref<1x2x128xi32, #tpu.memory_space<hbm>> -> memref<2x128xi32, #tpu.memory_space<hbm>>
          %dma_wait3A_175 = arith.constant 0 : i32
          %dma_wait3A_176 = arith.constant 0 : i32
          %dma_wait3A_177 = tpu.memref_slice %arg3[%dma_wait3A_170, %dma_wait3A_175, %dma_wait3A_176] : memref<2528x2x128xi32, #tpu.memory_space<hbm>> -> memref<1x2x128xi32, #tpu.memory_space<hbm>>
          %dma_wait3A_178 = tpu.memref_squeeze %dma_wait3A_177 : memref<1x2x128xi32, #tpu.memory_space<hbm>> -> memref<2x128xi32, #tpu.memory_space<hbm>>
          tpu.wait_dma2 semaphore(%arg12 : memref<!tpu.dma_semaphore, #tpu.memory_space<semaphore_mem>>) src(%dma_wait3A_178 : memref<2x128xi32, #tpu.memory_space<hbm>>) dst(%arg7 : memref<2x128xi32, #tpu.memory_space<vmem>>)
          %dma_start3A_179 = arith.constant 0 : i32
          %dma_start3A_180 = arith.constant 0 : i32
          %dma_start3A_181 = tpu.memref_slice %arg7[%dma_start3A_179, %dma_start3A_180] : memref<2x128xi32, #tpu.memory_space<vmem>> -> memref<1x128xi32, #tpu.memory_space<vmem>>
          %dma_start3A_182 = tpu.memref_squeeze %dma_start3A_181 : memref<1x128xi32, #tpu.memory_space<vmem>> -> memref<128xi32, #tpu.memory_space<vmem>>
          %dma_start3A_183 = arith.constant 0 : i32
          %dma_start3A_184 = arith.constant 0 : i32
          %dma_start3A_185 = tpu.memref_slice %arg2[%dma_start3A_183, %dma_start3A_184] : memref<10016x128xf32, #tpu.memory_space<hbm>> -> memref<10016x128xf32, #tpu.memory_space<hbm>>
          tpu.enqueue_indirect_dma source(%dma_start3A_185 : memref<10016x128xf32, #tpu.memory_space<hbm>>) target(%arg9 : memref<128x128xf32, #tpu.memory_space<vmem>>) offsets(%dma_start3A_182 : memref<128xi32, #tpu.memory_space<vmem>>) semaphore(%arg14 : memref<!tpu.dma_semaphore, #tpu.memory_space<semaphore_mem>>)
        } else {
        }
      } else {
      }
    }
    %scan3A_64 = arith.constant 60 : i32
    %dma_wait3A_65 = arith.constant 0 : i32
    %dma_wait3A_66 = arith.constant 0 : i32
    %dma_wait3A_67 = tpu.memref_slice %arg10[%dma_wait3A_65, %dma_wait3A_66] : memref<10112x128xf32, #tpu.memory_space<vmem_shared>> -> memref<128x128xf32, #tpu.memory_space<vmem_shared>>
    %dma_wait3A_68 = arith.constant 0 : i32
    %dma_wait3A_69 = arith.constant 0 : i32
    %dma_wait3A_70 = tpu.memref_slice %arg10[%dma_wait3A_68, %dma_wait3A_69] : memref<10112x128xf32, #tpu.memory_space<vmem_shared>> -> memref<128x128xf32, #tpu.memory_space<vmem_shared>>
    tpu.wait_dma2 semaphore(%arg15 : memref<!tpu.dma_semaphore, #tpu.memory_space<semaphore_mem>>) src(%arg8 : memref<128x128xf32, #tpu.memory_space<vmem>>) dst(%dma_wait3A_70 : memref<128x128xf32, #tpu.memory_space<vmem_shared>>)
    %dma_wait3A_71 = arith.constant 0 : i32
    %dma_wait3A_72 = arith.constant 0 : i32
    %dma_wait3A_73 = tpu.memref_slice %arg10[%dma_wait3A_71, %dma_wait3A_72] : memref<10112x128xf32, #tpu.memory_space<vmem_shared>> -> memref<128x128xf32, #tpu.memory_space<vmem_shared>>
    %dma_wait3A_74 = arith.constant 0 : i32
    %dma_wait3A_75 = arith.constant 0 : i32
    %dma_wait3A_76 = tpu.memref_slice %arg10[%dma_wait3A_74, %dma_wait3A_75] : memref<10112x128xf32, #tpu.memory_space<vmem_shared>> -> memref<128x128xf32, #tpu.memory_space<vmem_shared>>
    tpu.wait_dma2 semaphore(%arg16 : memref<!tpu.dma_semaphore, #tpu.memory_space<semaphore_mem>>) src(%arg9 : memref<128x128xf32, #tpu.memory_space<vmem>>) dst(%dma_wait3A_76 : memref<128x128xf32, #tpu.memory_space<vmem_shared>>)
    %barrier3A_77 = arith.constant 0 : index
    tpu.barrier barrier_id(%barrier3A_77)
    %mul3A_78 = arith.constant 632 : i32
    %mul3A_79 = arith.muli %arg1, %mul3A_78 : i32
    %mul3A_80 = arith.constant 632 : i32
    %mul3A_81 = arith.muli %arg1, %mul3A_80 : i32
    "tpu.region"() ({
      %run_scoped3A = tpu.sem_alloc : memref<!tpu.dma_semaphore, #tpu.memory_space<semaphore_mem>>
      %dma_start3A_82 = arith.constant 0 : i32
      %dma_start3A_83 = tpu.memref_slice %arg5[%arg0, %mul3A_81, %dma_start3A_82] : memref<2x10112x128xf32, #tpu.memory_space<hbm>> -> memref<1x632x128xf32, #tpu.memory_space<hbm>>
      %dma_start3A_84 = tpu.memref_squeeze %dma_start3A_83 : memref<1x632x128xf32, #tpu.memory_space<hbm>> -> memref<632x128xf32, #tpu.memory_space<hbm>>
      %dma_start3A_85 = arith.constant 0 : i32
      %dma_start3A_86 = tpu.memref_slice %arg10[%mul3A_79, %dma_start3A_85] : memref<10112x128xf32, #tpu.memory_space<vmem_shared>> -> memref<632x128xf32, #tpu.memory_space<vmem_shared>>
      tpu.enqueue_dma source(%dma_start3A_86 : memref<632x128xf32, #tpu.memory_space<vmem_shared>>) target(%dma_start3A_84 : memref<632x128xf32, #tpu.memory_space<hbm>>) target_semaphore(%run_scoped3A : memref<!tpu.dma_semaphore, #tpu.memory_space<semaphore_mem>>)
      %dma_wait3A_87 = arith.constant 0 : i32
      %dma_wait3A_88 = tpu.memref_slice %arg5[%arg0, %mul3A_81, %dma_wait3A_87] : memref<2x10112x128xf32, #tpu.memory_space<hbm>> -> memref<1x632x128xf32, #tpu.memory_space<hbm>>
      %dma_wait3A_89 = tpu.memref_squeeze %dma_wait3A_88 : memref<1x632x128xf32, #tpu.memory_space<hbm>> -> memref<632x128xf32, #tpu.memory_space<hbm>>
      %dma_wait3A_90 = arith.constant 0 : i32
      %dma_wait3A_91 = tpu.memref_slice %arg10[%mul3A_79, %dma_wait3A_90] : memref<10112x128xf32, #tpu.memory_space<vmem_shared>> -> memref<632x128xf32, #tpu.memory_space<vmem_shared>>
      tpu.wait_dma2 semaphore(%run_scoped3A : memref<!tpu.dma_semaphore, #tpu.memory_space<semaphore_mem>>) src(%dma_wait3A_91 : memref<632x128xf32, #tpu.memory_space<vmem_shared>>) dst(%dma_wait3A_89 : memref<632x128xf32, #tpu.memory_space<hbm>>)
      tpu.yield
    }) : () -> ()
    return
  }
}

module attributes {stable_mosaic.version = 14 : i64} {
  func.func @body(%arg0: memref<10000x128xf32, #tpu.memory_space<vmem>>, %arg1: memref<2x10240x1xf32, #tpu.memory_space<vmem>>, %arg2: memref<128x128xf32, #tpu.memory_space<vmem>>, %arg3: memref<10000x128xf32, #tpu.memory_space<vmem>>, %arg4: memref<10016x128xf32, #tpu.memory_space<vmem>>) attributes {dimension_semantics = [], scalar_prefetch = 0 : i64, scratch_operands = 0 : i64, tpu.core_type = #tpu.core_type<tc>} {
    %get3A = arith.constant 0 : index
    %get3A_0 = arith.constant 0 : index
    %get3A_1 = arith.constant 0 : index
    %get3A_2 = vector.load %arg1[%get3A, %get3A_0, %get3A_1] : memref<2x10240x1xf32, #tpu.memory_space<vmem>>, vector<1x10000x1xf32>
    %get3A_3 = vector.shape_cast %get3A_2 : vector<1x10000x1xf32> to vector<10000x1xf32>
    %get3A_4 = arith.constant 1 : index
    %get3A_5 = arith.constant 0 : index
    %get3A_6 = arith.constant 0 : index
    %get3A_7 = vector.load %arg1[%get3A_4, %get3A_5, %get3A_6] : memref<2x10240x1xf32, #tpu.memory_space<vmem>>, vector<1x10000x1xf32>
    %get3A_8 = vector.shape_cast %get3A_7 : vector<1x10000x1xf32> to vector<10000x1xf32>
    %add3A = arith.addf %get3A_3, %get3A_8 : vector<10000x1xf32>
    %add3A_9 = arith.constant 1.000000e+00 : f32
    %add3A_10 = vector.broadcast %add3A_9 : f32 to vector<10000x1xf32>
    %add3A_11 = arith.addf %add3A, %add3A_10 : vector<10000x1xf32>
    %rsqrt3A = math.rsqrt %add3A_11 : vector<10000x1xf32>
    %broadcast_in_dim3A = arith.constant 1.000000e+00 : f32
    %broadcast_in_dim3A_12 = vector.broadcast %broadcast_in_dim3A : f32 to vector<1x128xf32>
    %mul3A = vector.broadcast %rsqrt3A : vector<10000x1xf32> to vector<10000x128xf32>
    %mul3A_13 = vector.broadcast %broadcast_in_dim3A_12 : vector<1x128xf32> to vector<10000x128xf32>
    %mul3A_14 = arith.mulf %mul3A, %mul3A_13 : vector<10000x128xf32>
    %swap3A = arith.constant 0 : index
    %swap3A_15 = arith.constant 0 : index
    %swap3A_16 = vector.load %arg3[%swap3A, %swap3A_15] : memref<10000x128xf32, #tpu.memory_space<vmem>>, vector<10000x128xf32>
    tpu.vector_store %arg3[%swap3A, %swap3A_15], %mul3A_14 {strides = array<i32>} : memref<10000x128xf32, #tpu.memory_space<vmem>>, vector<10000x128xf32>,
    %get3A_17 = arith.constant 0 : index
    %get3A_18 = arith.constant 0 : index
    %get3A_19 = vector.load %arg0[%get3A_17, %get3A_18] : memref<10000x128xf32, #tpu.memory_space<vmem>>, vector<10000x128xf32>
    %get3A_20 = arith.constant 0 : index
    %get3A_21 = arith.constant 0 : index
    %get3A_22 = vector.load %arg2[%get3A_20, %get3A_21] : memref<128x128xf32, #tpu.memory_space<vmem>>, vector<128x128xf32>
    %dot_general3A = arith.constant dense<0.000000e+00> : vector<10000x128xf32>
    %dot_general3A_23 = tpu.matmul %get3A_19, %get3A_22, %dot_general3A {dimension_numbers = #tpu.dot_dimension_numbers<[1], [0], [0], [1], [0, 0, 1, 1], [], []>, transpose_lhs_hint = false} : vector<10000x128xf32>, vector<128x128xf32>, vector<10000x128xf32> -> vector<10000x128xf32>
    %mul3A_24 = arith.mulf %dot_general3A_23, %mul3A_14 : vector<10000x128xf32>
    %swap3A_25 = arith.constant 0 : index
    %swap3A_26 = arith.constant 0 : index
    %swap3A_27 = vector.load %arg4[%swap3A_25, %swap3A_26] : memref<10016x128xf32, #tpu.memory_space<vmem>>, vector<10000x128xf32>
    tpu.vector_store %arg4[%swap3A_25, %swap3A_26], %mul3A_24 {strides = array<i32>} : memref<10016x128xf32, #tpu.memory_space<vmem>>, vector<10000x128xf32>,
    %broadcast_in_dim3A_28 = arith.constant 0.000000e+00 : f32
    %broadcast_in_dim3A_29 = vector.broadcast %broadcast_in_dim3A_28 : f32 to vector<16x128xf32>
    %swap3A_30 = arith.constant 10000 : index
    %swap3A_31 = arith.constant 0 : index
    %swap3A_32 = vector.load %arg4[%swap3A_30, %swap3A_31] : memref<10016x128xf32, #tpu.memory_space<vmem>>, vector<16x128xf32>
    tpu.vector_store %arg4[%swap3A_30, %swap3A_31], %broadcast_in_dim3A_29 {strides = array<i32>} : memref<10016x128xf32, #tpu.memory_space<vmem>>, vector<16x128xf32>,
    return
  }
}

module attributes {stable_mosaic.version = 14 : i64} {
  func.func @body(%arg0: memref<2x10112x128xf32, #tpu.memory_space<vmem>>, %arg1: memref<10016x128xf32, #tpu.memory_space<vmem>>, %arg2: memref<10000x128xf32, #tpu.memory_space<vmem>>, %arg3: memref<1x128xf32, #tpu.memory_space<vmem>>, %arg4: memref<1x128xf32, #tpu.memory_space<vmem>>, %arg5: memref<128x128xf32, #tpu.memory_space<vmem>>, %arg6: memref<10000x128xf32, #tpu.memory_space<vmem>>, %arg7: memref<10016x128xf32, #tpu.memory_space<vmem>>) attributes {dimension_semantics = [], scalar_prefetch = 0 : i64, scratch_operands = 0 : i64, tpu.core_type = #tpu.core_type<tc>} {
    %get3A = arith.constant 0 : index
    %get3A_0 = arith.constant 0 : index
    %get3A_1 = arith.constant 0 : index
    %get3A_2 = vector.load %arg0[%get3A, %get3A_0, %get3A_1] : memref<2x10112x128xf32, #tpu.memory_space<vmem>>, vector<1x10000x128xf32>
    %get3A_3 = vector.shape_cast %get3A_2 : vector<1x10000x128xf32> to vector<10000x128xf32>
    %get3A_4 = arith.constant 1 : index
    %get3A_5 = arith.constant 0 : index
    %get3A_6 = arith.constant 0 : index
    %get3A_7 = vector.load %arg0[%get3A_4, %get3A_5, %get3A_6] : memref<2x10112x128xf32, #tpu.memory_space<vmem>>, vector<1x10000x128xf32>
    %get3A_8 = vector.shape_cast %get3A_7 : vector<1x10000x128xf32> to vector<10000x128xf32>
    %add3A = arith.addf %get3A_3, %get3A_8 : vector<10000x128xf32>
    %get3A_9 = arith.constant 0 : index
    %get3A_10 = arith.constant 0 : index
    %get3A_11 = vector.load %arg1[%get3A_9, %get3A_10] : memref<10016x128xf32, #tpu.memory_space<vmem>>, vector<10000x128xf32>
    %add3A_12 = arith.addf %add3A, %get3A_11 : vector<10000x128xf32>
    %get3A_13 = arith.constant 0 : index
    %get3A_14 = arith.constant 0 : index
    %get3A_15 = vector.load %arg2[%get3A_13, %get3A_14] : memref<10000x128xf32, #tpu.memory_space<vmem>>, vector<10000x128xf32>
    %mul3A = arith.mulf %add3A_12, %get3A_15 : vector<10000x128xf32>
    %reduce_sum3A = arith.constant dense<0.000000e+00> : vector<128xf32>
    %reduce_sum3A_16 = vector.multi_reduction <add>, %mul3A, %reduce_sum3A [0] : vector<10000x128xf32> to vector<128xf32>
    %broadcast_in_dim3A = vector.shape_cast %reduce_sum3A_16 : vector<128xf32> to vector<1x128xf32>
    %div3A = arith.constant 1.000000e+04 : f32
    %div3A_17 = vector.broadcast %div3A : f32 to vector<1x128xf32>
    %div3A_18 = arith.divf %broadcast_in_dim3A, %div3A_17 : vector<1x128xf32>
    %sub3A = vector.broadcast %div3A_18 : vector<1x128xf32> to vector<10000x128xf32>
    %sub3A_19 = arith.subf %mul3A, %sub3A : vector<10000x128xf32>
    %mul3A_20 = arith.mulf %sub3A_19, %sub3A_19 : vector<10000x128xf32>
    %reduce_sum3A_21 = arith.constant dense<0.000000e+00> : vector<128xf32>
    %reduce_sum3A_22 = vector.multi_reduction <add>, %mul3A_20, %reduce_sum3A_21 [0] : vector<10000x128xf32> to vector<128xf32>
    %broadcast_in_dim3A_23 = vector.shape_cast %reduce_sum3A_22 : vector<128xf32> to vector<1x128xf32>
    %div3A_24 = arith.constant 1.000000e+04 : f32
    %div3A_25 = vector.broadcast %div3A_24 : f32 to vector<1x128xf32>
    %div3A_26 = arith.divf %broadcast_in_dim3A_23, %div3A_25 : vector<1x128xf32>
    %add3A_27 = arith.constant 9.99999974E-6 : f32
    %add3A_28 = vector.broadcast %add3A_27 : f32 to vector<1x128xf32>
    %add3A_29 = arith.addf %div3A_26, %add3A_28 : vector<1x128xf32>
    %rsqrt3A = math.rsqrt %add3A_29 : vector<1x128xf32>
    %mul3A_30 = vector.broadcast %rsqrt3A : vector<1x128xf32> to vector<10000x128xf32>
    %mul3A_31 = arith.mulf %sub3A_19, %mul3A_30 : vector<10000x128xf32>
    %get3A_32 = arith.constant 0 : index
    %get3A_33 = arith.constant 0 : index
    %get3A_34 = vector.load %arg3[%get3A_32, %get3A_33] : memref<1x128xf32, #tpu.memory_space<vmem>>, vector<1x128xf32>
    %mul3A_35 = vector.broadcast %get3A_34 : vector<1x128xf32> to vector<10000x128xf32>
    %mul3A_36 = arith.mulf %mul3A_31, %mul3A_35 : vector<10000x128xf32>
    %get3A_37 = arith.constant 0 : index
    %get3A_38 = arith.constant 0 : index
    %get3A_39 = vector.load %arg4[%get3A_37, %get3A_38] : memref<1x128xf32, #tpu.memory_space<vmem>>, vector<1x128xf32>
    %add3A_40 = vector.broadcast %get3A_39 : vector<1x128xf32> to vector<10000x128xf32>
    %add3A_41 = arith.addf %mul3A_36, %add3A_40 : vector<10000x128xf32>
    %max3A = arith.constant 0.000000e+00 : f32
    %max3A_42 = vector.broadcast %max3A : f32 to vector<10000x128xf32>
    %max3A_43 = arith.maximumf %add3A_41, %max3A_42 : vector<10000x128xf32>
    %swap3A = arith.constant 0 : index
    %swap3A_44 = arith.constant 0 : index
    %swap3A_45 = vector.load %arg6[%swap3A, %swap3A_44] : memref<10000x128xf32, #tpu.memory_space<vmem>>, vector<10000x128xf32>
    tpu.vector_store %arg6[%swap3A, %swap3A_44], %max3A_43 {strides = array<i32>} : memref<10000x128xf32, #tpu.memory_space<vmem>>, vector<10000x128xf32>,
    %get3A_46 = arith.constant 0 : index
    %get3A_47 = arith.constant 0 : index
    %get3A_48 = vector.load %arg5[%get3A_46, %get3A_47] : memref<128x128xf32, #tpu.memory_space<vmem>>, vector<128x128xf32>
    %dot_general3A = arith.constant dense<0.000000e+00> : vector<10000x128xf32>
    %dot_general3A_49 = tpu.matmul %max3A_43, %get3A_48, %dot_general3A {dimension_numbers = #tpu.dot_dimension_numbers<[1], [0], [0], [1], [0, 0, 1, 1], [], []>, transpose_lhs_hint = false} : vector<10000x128xf32>, vector<128x128xf32>, vector<10000x128xf32> -> vector<10000x128xf32>
    %get3A_50 = arith.constant 0 : index
    %get3A_51 = arith.constant 0 : index
    %get3A_52 = vector.load %arg2[%get3A_50, %get3A_51] : memref<10000x128xf32, #tpu.memory_space<vmem>>, vector<10000x128xf32>
    %mul3A_53 = arith.mulf %dot_general3A_49, %get3A_52 : vector<10000x128xf32>
    %swap3A_54 = arith.constant 0 : index
    %swap3A_55 = arith.constant 0 : index
    %swap3A_56 = vector.load %arg7[%swap3A_54, %swap3A_55] : memref<10016x128xf32, #tpu.memory_space<vmem>>, vector<10000x128xf32>
    tpu.vector_store %arg7[%swap3A_54, %swap3A_55], %mul3A_53 {strides = array<i32>} : memref<10016x128xf32, #tpu.memory_space<vmem>>, vector<10000x128xf32>,
    %broadcast_in_dim3A_57 = arith.constant 0.000000e+00 : f32
    %broadcast_in_dim3A_58 = vector.broadcast %broadcast_in_dim3A_57 : f32 to vector<16x128xf32>
    %swap3A_59 = arith.constant 10000 : index
    %swap3A_60 = arith.constant 0 : index
    %swap3A_61 = vector.load %arg7[%swap3A_59, %swap3A_60] : memref<10016x128xf32, #tpu.memory_space<vmem>>, vector<16x128xf32>
    tpu.vector_store %arg7[%swap3A_59, %swap3A_60], %broadcast_in_dim3A_58 {strides = array<i32>} : memref<10016x128xf32, #tpu.memory_space<vmem>>, vector<16x128xf32>,
    return
  }
}

module attributes {stable_mosaic.version = 14 : i64} {
  func.func @body(%arg0: memref<2x10112x128xf32, #tpu.memory_space<vmem>>, %arg1: memref<10016x128xf32, #tpu.memory_space<vmem>>, %arg2: memref<10000x128xf32, #tpu.memory_space<vmem>>, %arg3: memref<1x128xf32, #tpu.memory_space<vmem>>, %arg4: memref<1x128xf32, #tpu.memory_space<vmem>>, %arg5: memref<128x128xf32, #tpu.memory_space<vmem>>, %arg6: memref<10000x128xf32, #tpu.memory_space<vmem>>, %arg7: memref<10016x128xf32, #tpu.memory_space<vmem>>) attributes {dimension_semantics = [], scalar_prefetch = 0 : i64, scratch_operands = 0 : i64, tpu.core_type = #tpu.core_type<tc>} {
    %get3A = arith.constant 0 : index
    %get3A_0 = arith.constant 0 : index
    %get3A_1 = arith.constant 0 : index
    %get3A_2 = vector.load %arg0[%get3A, %get3A_0, %get3A_1] : memref<2x10112x128xf32, #tpu.memory_space<vmem>>, vector<1x10000x128xf32>
    %get3A_3 = vector.shape_cast %get3A_2 : vector<1x10000x128xf32> to vector<10000x128xf32>
    %get3A_4 = arith.constant 1 : index
    %get3A_5 = arith.constant 0 : index
    %get3A_6 = arith.constant 0 : index
    %get3A_7 = vector.load %arg0[%get3A_4, %get3A_5, %get3A_6] : memref<2x10112x128xf32, #tpu.memory_space<vmem>>, vector<1x10000x128xf32>
    %get3A_8 = vector.shape_cast %get3A_7 : vector<1x10000x128xf32> to vector<10000x128xf32>
    %add3A = arith.addf %get3A_3, %get3A_8 : vector<10000x128xf32>
    %get3A_9 = arith.constant 0 : index
    %get3A_10 = arith.constant 0 : index
    %get3A_11 = vector.load %arg1[%get3A_9, %get3A_10] : memref<10016x128xf32, #tpu.memory_space<vmem>>, vector<10000x128xf32>
    %add3A_12 = arith.addf %add3A, %get3A_11 : vector<10000x128xf32>
    %get3A_13 = arith.constant 0 : index
    %get3A_14 = arith.constant 0 : index
    %get3A_15 = vector.load %arg2[%get3A_13, %get3A_14] : memref<10000x128xf32, #tpu.memory_space<vmem>>, vector<10000x128xf32>
    %mul3A = arith.mulf %add3A_12, %get3A_15 : vector<10000x128xf32>
    %reduce_sum3A = arith.constant dense<0.000000e+00> : vector<128xf32>
    %reduce_sum3A_16 = vector.multi_reduction <add>, %mul3A, %reduce_sum3A [0] : vector<10000x128xf32> to vector<128xf32>
    %broadcast_in_dim3A = vector.shape_cast %reduce_sum3A_16 : vector<128xf32> to vector<1x128xf32>
    %div3A = arith.constant 1.000000e+04 : f32
    %div3A_17 = vector.broadcast %div3A : f32 to vector<1x128xf32>
    %div3A_18 = arith.divf %broadcast_in_dim3A, %div3A_17 : vector<1x128xf32>
    %sub3A = vector.broadcast %div3A_18 : vector<1x128xf32> to vector<10000x128xf32>
    %sub3A_19 = arith.subf %mul3A, %sub3A : vector<10000x128xf32>
    %mul3A_20 = arith.mulf %sub3A_19, %sub3A_19 : vector<10000x128xf32>
    %reduce_sum3A_21 = arith.constant dense<0.000000e+00> : vector<128xf32>
    %reduce_sum3A_22 = vector.multi_reduction <add>, %mul3A_20, %reduce_sum3A_21 [0] : vector<10000x128xf32> to vector<128xf32>
    %broadcast_in_dim3A_23 = vector.shape_cast %reduce_sum3A_22 : vector<128xf32> to vector<1x128xf32>
    %div3A_24 = arith.constant 1.000000e+04 : f32
    %div3A_25 = vector.broadcast %div3A_24 : f32 to vector<1x128xf32>
    %div3A_26 = arith.divf %broadcast_in_dim3A_23, %div3A_25 : vector<1x128xf32>
    %add3A_27 = arith.constant 9.99999974E-6 : f32
    %add3A_28 = vector.broadcast %add3A_27 : f32 to vector<1x128xf32>
    %add3A_29 = arith.addf %div3A_26, %add3A_28 : vector<1x128xf32>
    %rsqrt3A = math.rsqrt %add3A_29 : vector<1x128xf32>
    %mul3A_30 = vector.broadcast %rsqrt3A : vector<1x128xf32> to vector<10000x128xf32>
    %mul3A_31 = arith.mulf %sub3A_19, %mul3A_30 : vector<10000x128xf32>
    %get3A_32 = arith.constant 0 : index
    %get3A_33 = arith.constant 0 : index
    %get3A_34 = vector.load %arg3[%get3A_32, %get3A_33] : memref<1x128xf32, #tpu.memory_space<vmem>>, vector<1x128xf32>
    %mul3A_35 = vector.broadcast %get3A_34 : vector<1x128xf32> to vector<10000x128xf32>
    %mul3A_36 = arith.mulf %mul3A_31, %mul3A_35 : vector<10000x128xf32>
    %get3A_37 = arith.constant 0 : index
    %get3A_38 = arith.constant 0 : index
    %get3A_39 = vector.load %arg4[%get3A_37, %get3A_38] : memref<1x128xf32, #tpu.memory_space<vmem>>, vector<1x128xf32>
    %add3A_40 = vector.broadcast %get3A_39 : vector<1x128xf32> to vector<10000x128xf32>
    %add3A_41 = arith.addf %mul3A_36, %add3A_40 : vector<10000x128xf32>
    %max3A = arith.constant 0.000000e+00 : f32
    %max3A_42 = vector.broadcast %max3A : f32 to vector<10000x128xf32>
    %max3A_43 = arith.maximumf %add3A_41, %max3A_42 : vector<10000x128xf32>
    %swap3A = arith.constant 0 : index
    %swap3A_44 = arith.constant 0 : index
    %swap3A_45 = vector.load %arg6[%swap3A, %swap3A_44] : memref<10000x128xf32, #tpu.memory_space<vmem>>, vector<10000x128xf32>
    tpu.vector_store %arg6[%swap3A, %swap3A_44], %max3A_43 {strides = array<i32>} : memref<10000x128xf32, #tpu.memory_space<vmem>>, vector<10000x128xf32>,
    %get3A_46 = arith.constant 0 : index
    %get3A_47 = arith.constant 0 : index
    %get3A_48 = vector.load %arg5[%get3A_46, %get3A_47] : memref<128x128xf32, #tpu.memory_space<vmem>>, vector<128x128xf32>
    %dot_general3A = arith.constant dense<0.000000e+00> : vector<10000x128xf32>
    %dot_general3A_49 = tpu.matmul %max3A_43, %get3A_48, %dot_general3A {dimension_numbers = #tpu.dot_dimension_numbers<[1], [0], [0], [1], [0, 0, 1, 1], [], []>, transpose_lhs_hint = false} : vector<10000x128xf32>, vector<128x128xf32>, vector<10000x128xf32> -> vector<10000x128xf32>
    %get3A_50 = arith.constant 0 : index
    %get3A_51 = arith.constant 0 : index
    %get3A_52 = vector.load %arg2[%get3A_50, %get3A_51] : memref<10000x128xf32, #tpu.memory_space<vmem>>, vector<10000x128xf32>
    %mul3A_53 = arith.mulf %dot_general3A_49, %get3A_52 : vector<10000x128xf32>
    %swap3A_54 = arith.constant 0 : index
    %swap3A_55 = arith.constant 0 : index
    %swap3A_56 = vector.load %arg7[%swap3A_54, %swap3A_55] : memref<10016x128xf32, #tpu.memory_space<vmem>>, vector<10000x128xf32>
    tpu.vector_store %arg7[%swap3A_54, %swap3A_55], %mul3A_53 {strides = array<i32>} : memref<10016x128xf32, #tpu.memory_space<vmem>>, vector<10000x128xf32>,
    %broadcast_in_dim3A_57 = arith.constant 0.000000e+00 : f32
    %broadcast_in_dim3A_58 = vector.broadcast %broadcast_in_dim3A_57 : f32 to vector<16x128xf32>
    %swap3A_59 = arith.constant 10000 : index
    %swap3A_60 = arith.constant 0 : index
    %swap3A_61 = vector.load %arg7[%swap3A_59, %swap3A_60] : memref<10016x128xf32, #tpu.memory_space<vmem>>, vector<16x128xf32>
    tpu.vector_store %arg7[%swap3A_59, %swap3A_60], %broadcast_in_dim3A_58 {strides = array<i32>} : memref<10016x128xf32, #tpu.memory_space<vmem>>, vector<16x128xf32>,
    return
  }
}

module attributes {stable_mosaic.version = 14 : i64} {
  func.func @body(%arg0: memref<2x10112x128xf32, #tpu.memory_space<vmem>>, %arg1: memref<10016x128xf32, #tpu.memory_space<vmem>>, %arg2: memref<10000x128xf32, #tpu.memory_space<vmem>>, %arg3: memref<1x128xf32, #tpu.memory_space<vmem>>, %arg4: memref<1x128xf32, #tpu.memory_space<vmem>>, %arg5: memref<10000x128xf32, #tpu.memory_space<vmem>>, %arg6: memref<128x128xf32, #tpu.memory_space<vmem>>, %arg7: memref<1x128xf32, #tpu.memory_space<vmem>>, %arg8: memref<128x128xf32, #tpu.memory_space<vmem>>, %arg9: memref<10016x128xf32, #tpu.memory_space<vmem>>) attributes {dimension_semantics = [], scalar_prefetch = 0 : i64, scratch_operands = 0 : i64, tpu.core_type = #tpu.core_type<tc>} {
    %get3A = arith.constant 0 : index
    %get3A_0 = arith.constant 0 : index
    %get3A_1 = arith.constant 0 : index
    %get3A_2 = vector.load %arg0[%get3A, %get3A_0, %get3A_1] : memref<2x10112x128xf32, #tpu.memory_space<vmem>>, vector<1x10000x128xf32>
    %get3A_3 = vector.shape_cast %get3A_2 : vector<1x10000x128xf32> to vector<10000x128xf32>
    %get3A_4 = arith.constant 1 : index
    %get3A_5 = arith.constant 0 : index
    %get3A_6 = arith.constant 0 : index
    %get3A_7 = vector.load %arg0[%get3A_4, %get3A_5, %get3A_6] : memref<2x10112x128xf32, #tpu.memory_space<vmem>>, vector<1x10000x128xf32>
    %get3A_8 = vector.shape_cast %get3A_7 : vector<1x10000x128xf32> to vector<10000x128xf32>
    %add3A = arith.addf %get3A_3, %get3A_8 : vector<10000x128xf32>
    %get3A_9 = arith.constant 0 : index
    %get3A_10 = arith.constant 0 : index
    %get3A_11 = vector.load %arg1[%get3A_9, %get3A_10] : memref<10016x128xf32, #tpu.memory_space<vmem>>, vector<10000x128xf32>
    %add3A_12 = arith.addf %add3A, %get3A_11 : vector<10000x128xf32>
    %get3A_13 = arith.constant 0 : index
    %get3A_14 = arith.constant 0 : index
    %get3A_15 = vector.load %arg2[%get3A_13, %get3A_14] : memref<10000x128xf32, #tpu.memory_space<vmem>>, vector<10000x128xf32>
    %mul3A = arith.mulf %add3A_12, %get3A_15 : vector<10000x128xf32>
    %reduce_sum3A = arith.constant dense<0.000000e+00> : vector<128xf32>
    %reduce_sum3A_16 = vector.multi_reduction <add>, %mul3A, %reduce_sum3A [0] : vector<10000x128xf32> to vector<128xf32>
    %broadcast_in_dim3A = vector.shape_cast %reduce_sum3A_16 : vector<128xf32> to vector<1x128xf32>
    %div3A = arith.constant 1.000000e+04 : f32
    %div3A_17 = vector.broadcast %div3A : f32 to vector<1x128xf32>
    %div3A_18 = arith.divf %broadcast_in_dim3A, %div3A_17 : vector<1x128xf32>
    %sub3A = vector.broadcast %div3A_18 : vector<1x128xf32> to vector<10000x128xf32>
    %sub3A_19 = arith.subf %mul3A, %sub3A : vector<10000x128xf32>
    %mul3A_20 = arith.mulf %sub3A_19, %sub3A_19 : vector<10000x128xf32>
    %reduce_sum3A_21 = arith.constant dense<0.000000e+00> : vector<128xf32>
    %reduce_sum3A_22 = vector.multi_reduction <add>, %mul3A_20, %reduce_sum3A_21 [0] : vector<10000x128xf32> to vector<128xf32>
    %broadcast_in_dim3A_23 = vector.shape_cast %reduce_sum3A_22 : vector<128xf32> to vector<1x128xf32>
    %div3A_24 = arith.constant 1.000000e+04 : f32
    %div3A_25 = vector.broadcast %div3A_24 : f32 to vector<1x128xf32>
    %div3A_26 = arith.divf %broadcast_in_dim3A_23, %div3A_25 : vector<1x128xf32>
    %add3A_27 = arith.constant 9.99999974E-6 : f32
    %add3A_28 = vector.broadcast %add3A_27 : f32 to vector<1x128xf32>
    %add3A_29 = arith.addf %div3A_26, %add3A_28 : vector<1x128xf32>
    %rsqrt3A = math.rsqrt %add3A_29 : vector<1x128xf32>
    %mul3A_30 = vector.broadcast %rsqrt3A : vector<1x128xf32> to vector<10000x128xf32>
    %mul3A_31 = arith.mulf %sub3A_19, %mul3A_30 : vector<10000x128xf32>
    %get3A_32 = arith.constant 0 : index
    %get3A_33 = arith.constant 0 : index
    %get3A_34 = vector.load %arg3[%get3A_32, %get3A_33] : memref<1x128xf32, #tpu.memory_space<vmem>>, vector<1x128xf32>
    %mul3A_35 = vector.broadcast %get3A_34 : vector<1x128xf32> to vector<10000x128xf32>
    %mul3A_36 = arith.mulf %mul3A_31, %mul3A_35 : vector<10000x128xf32>
    %get3A_37 = arith.constant 0 : index
    %get3A_38 = arith.constant 0 : index
    %get3A_39 = vector.load %arg4[%get3A_37, %get3A_38] : memref<1x128xf32, #tpu.memory_space<vmem>>, vector<1x128xf32>
    %add3A_40 = vector.broadcast %get3A_39 : vector<1x128xf32> to vector<10000x128xf32>
    %add3A_41 = arith.addf %mul3A_36, %add3A_40 : vector<10000x128xf32>
    %get3A_42 = arith.constant 0 : index
    %get3A_43 = arith.constant 0 : index
    %get3A_44 = vector.load %arg5[%get3A_42, %get3A_43] : memref<10000x128xf32, #tpu.memory_space<vmem>>, vector<10000x128xf32>
    %get3A_45 = arith.constant 0 : index
    %get3A_46 = arith.constant 0 : index
    %get3A_47 = vector.load %arg6[%get3A_45, %get3A_46] : memref<128x128xf32, #tpu.memory_space<vmem>>, vector<128x128xf32>
    %dot_general3A = arith.constant dense<0.000000e+00> : vector<10000x128xf32>
    %dot_general3A_48 = tpu.matmul %get3A_44, %get3A_47, %dot_general3A {dimension_numbers = #tpu.dot_dimension_numbers<[1], [0], [0], [1], [0, 0, 1, 1], [], []>, transpose_lhs_hint = false} : vector<10000x128xf32>, vector<128x128xf32>, vector<10000x128xf32> -> vector<10000x128xf32>
    %add3A_49 = arith.addf %add3A_41, %dot_general3A_48 : vector<10000x128xf32>
    %get3A_50 = arith.constant 0 : index
    %get3A_51 = arith.constant 0 : index
    %get3A_52 = vector.load %arg7[%get3A_50, %get3A_51] : memref<1x128xf32, #tpu.memory_space<vmem>>, vector<1x128xf32>
    %add3A_53 = vector.broadcast %get3A_52 : vector<1x128xf32> to vector<10000x128xf32>
    %add3A_54 = arith.addf %add3A_49, %add3A_53 : vector<10000x128xf32>
    %max3A = arith.constant 0.000000e+00 : f32
    %max3A_55 = vector.broadcast %max3A : f32 to vector<10000x128xf32>
    %max3A_56 = arith.maximumf %add3A_54, %max3A_55 : vector<10000x128xf32>
    %get3A_57 = arith.constant 0 : index
    %get3A_58 = arith.constant 0 : index
    %get3A_59 = vector.load %arg8[%get3A_57, %get3A_58] : memref<128x128xf32, #tpu.memory_space<vmem>>, vector<128x128xf32>
    %dot_general3A_60 = arith.constant dense<0.000000e+00> : vector<10000x128xf32>
    %dot_general3A_61 = tpu.matmul %max3A_56, %get3A_59, %dot_general3A_60 {dimension_numbers = #tpu.dot_dimension_numbers<[1], [0], [0], [1], [0, 0, 1, 1], [], []>, transpose_lhs_hint = false} : vector<10000x128xf32>, vector<128x128xf32>, vector<10000x128xf32> -> vector<10000x128xf32>
    %get3A_62 = arith.constant 0 : index
    %get3A_63 = arith.constant 0 : index
    %get3A_64 = vector.load %arg2[%get3A_62, %get3A_63] : memref<10000x128xf32, #tpu.memory_space<vmem>>, vector<10000x128xf32>
    %mul3A_65 = arith.mulf %dot_general3A_61, %get3A_64 : vector<10000x128xf32>
    %swap3A = arith.constant 0 : index
    %swap3A_66 = arith.constant 0 : index
    %swap3A_67 = vector.load %arg9[%swap3A, %swap3A_66] : memref<10016x128xf32, #tpu.memory_space<vmem>>, vector<10000x128xf32>
    tpu.vector_store %arg9[%swap3A, %swap3A_66], %mul3A_65 {strides = array<i32>} : memref<10016x128xf32, #tpu.memory_space<vmem>>, vector<10000x128xf32>,
    %broadcast_in_dim3A_68 = arith.constant 0.000000e+00 : f32
    %broadcast_in_dim3A_69 = vector.broadcast %broadcast_in_dim3A_68 : f32 to vector<16x128xf32>
    %swap3A_70 = arith.constant 10000 : index
    %swap3A_71 = arith.constant 0 : index
    %swap3A_72 = vector.load %arg9[%swap3A_70, %swap3A_71] : memref<10016x128xf32, #tpu.memory_space<vmem>>, vector<16x128xf32>
    tpu.vector_store %arg9[%swap3A_70, %swap3A_71], %broadcast_in_dim3A_69 {strides = array<i32>} : memref<10016x128xf32, #tpu.memory_space<vmem>>, vector<16x128xf32>,
    return
  }
}

module attributes {stable_mosaic.version = 14 : i64} {
  func.func @body(%arg0: memref<2x10112x128xf32, #tpu.memory_space<vmem>>, %arg1: memref<10016x128xf32, #tpu.memory_space<vmem>>, %arg2: memref<10000x128xf32, #tpu.memory_space<vmem>>, %arg3: memref<1x128xf32, #tpu.memory_space<vmem>>, %arg4: memref<1x128xf32, #tpu.memory_space<vmem>>, %arg5: memref<128x128xf32, #tpu.memory_space<vmem>>, %arg6: memref<1x128xf32, #tpu.memory_space<vmem>>, %arg7: memref<128x128xf32, #tpu.memory_space<vmem>>, %arg8: memref<1x128xf32, #tpu.memory_space<vmem>>, %arg9: memref<128x128xf32, #tpu.memory_space<vmem>>, %arg10: memref<1x128xf32, #tpu.memory_space<vmem>>, %arg11: memref<10000x128xf32, #tpu.memory_space<vmem>>) attributes {dimension_semantics = [], scalar_prefetch = 0 : i64, scratch_operands = 0 : i64, tpu.core_type = #tpu.core_type<tc>} {
    %get3A = arith.constant 0 : index
    %get3A_0 = arith.constant 0 : index
    %get3A_1 = arith.constant 0 : index
    %get3A_2 = vector.load %arg0[%get3A, %get3A_0, %get3A_1] : memref<2x10112x128xf32, #tpu.memory_space<vmem>>, vector<1x10000x128xf32>
    %get3A_3 = vector.shape_cast %get3A_2 : vector<1x10000x128xf32> to vector<10000x128xf32>
    %get3A_4 = arith.constant 1 : index
    %get3A_5 = arith.constant 0 : index
    %get3A_6 = arith.constant 0 : index
    %get3A_7 = vector.load %arg0[%get3A_4, %get3A_5, %get3A_6] : memref<2x10112x128xf32, #tpu.memory_space<vmem>>, vector<1x10000x128xf32>
    %get3A_8 = vector.shape_cast %get3A_7 : vector<1x10000x128xf32> to vector<10000x128xf32>
    %add3A = arith.addf %get3A_3, %get3A_8 : vector<10000x128xf32>
    %get3A_9 = arith.constant 0 : index
    %get3A_10 = arith.constant 0 : index
    %get3A_11 = vector.load %arg1[%get3A_9, %get3A_10] : memref<10016x128xf32, #tpu.memory_space<vmem>>, vector<10000x128xf32>
    %add3A_12 = arith.addf %add3A, %get3A_11 : vector<10000x128xf32>
    %get3A_13 = arith.constant 0 : index
    %get3A_14 = arith.constant 0 : index
    %get3A_15 = vector.load %arg2[%get3A_13, %get3A_14] : memref<10000x128xf32, #tpu.memory_space<vmem>>, vector<10000x128xf32>
    %mul3A = arith.mulf %add3A_12, %get3A_15 : vector<10000x128xf32>
    %reduce_sum3A = arith.constant dense<0.000000e+00> : vector<128xf32>
    %reduce_sum3A_16 = vector.multi_reduction <add>, %mul3A, %reduce_sum3A [0] : vector<10000x128xf32> to vector<128xf32>
    %broadcast_in_dim3A = vector.shape_cast %reduce_sum3A_16 : vector<128xf32> to vector<1x128xf32>
    %div3A = arith.constant 1.000000e+04 : f32
    %div3A_17 = vector.broadcast %div3A : f32 to vector<1x128xf32>
    %div3A_18 = arith.divf %broadcast_in_dim3A, %div3A_17 : vector<1x128xf32>
    %sub3A = vector.broadcast %div3A_18 : vector<1x128xf32> to vector<10000x128xf32>
    %sub3A_19 = arith.subf %mul3A, %sub3A : vector<10000x128xf32>
    %mul3A_20 = arith.mulf %sub3A_19, %sub3A_19 : vector<10000x128xf32>
    %reduce_sum3A_21 = arith.constant dense<0.000000e+00> : vector<128xf32>
    %reduce_sum3A_22 = vector.multi_reduction <add>, %mul3A_20, %reduce_sum3A_21 [0] : vector<10000x128xf32> to vector<128xf32>
    %broadcast_in_dim3A_23 = vector.shape_cast %reduce_sum3A_22 : vector<128xf32> to vector<1x128xf32>
    %div3A_24 = arith.constant 1.000000e+04 : f32
    %div3A_25 = vector.broadcast %div3A_24 : f32 to vector<1x128xf32>
    %div3A_26 = arith.divf %broadcast_in_dim3A_23, %div3A_25 : vector<1x128xf32>
    %add3A_27 = arith.constant 9.99999974E-6 : f32
    %add3A_28 = vector.broadcast %add3A_27 : f32 to vector<1x128xf32>
    %add3A_29 = arith.addf %div3A_26, %add3A_28 : vector<1x128xf32>
    %rsqrt3A = math.rsqrt %add3A_29 : vector<1x128xf32>
    %mul3A_30 = vector.broadcast %rsqrt3A : vector<1x128xf32> to vector<10000x128xf32>
    %mul3A_31 = arith.mulf %sub3A_19, %mul3A_30 : vector<10000x128xf32>
    %get3A_32 = arith.constant 0 : index
    %get3A_33 = arith.constant 0 : index
    %get3A_34 = vector.load %arg3[%get3A_32, %get3A_33] : memref<1x128xf32, #tpu.memory_space<vmem>>, vector<1x128xf32>
    %mul3A_35 = vector.broadcast %get3A_34 : vector<1x128xf32> to vector<10000x128xf32>
    %mul3A_36 = arith.mulf %mul3A_31, %mul3A_35 : vector<10000x128xf32>
    %get3A_37 = arith.constant 0 : index
    %get3A_38 = arith.constant 0 : index
    %get3A_39 = vector.load %arg4[%get3A_37, %get3A_38] : memref<1x128xf32, #tpu.memory_space<vmem>>, vector<1x128xf32>
    %add3A_40 = vector.broadcast %get3A_39 : vector<1x128xf32> to vector<10000x128xf32>
    %add3A_41 = arith.addf %mul3A_36, %add3A_40 : vector<10000x128xf32>
    %max3A = arith.constant 0.000000e+00 : f32
    %max3A_42 = vector.broadcast %max3A : f32 to vector<10000x128xf32>
    %max3A_43 = arith.maximumf %add3A_41, %max3A_42 : vector<10000x128xf32>
    %get3A_44 = arith.constant 0 : index
    %get3A_45 = arith.constant 0 : index
    %get3A_46 = vector.load %arg5[%get3A_44, %get3A_45] : memref<128x128xf32, #tpu.memory_space<vmem>>, vector<128x128xf32>
    %dot_general3A = arith.constant dense<0.000000e+00> : vector<10000x128xf32>
    %dot_general3A_47 = tpu.matmul %max3A_43, %get3A_46, %dot_general3A {dimension_numbers = #tpu.dot_dimension_numbers<[1], [0], [0], [1], [0, 0, 1, 1], [], []>, transpose_lhs_hint = false} : vector<10000x128xf32>, vector<128x128xf32>, vector<10000x128xf32> -> vector<10000x128xf32>
    %get3A_48 = arith.constant 0 : index
    %get3A_49 = arith.constant 0 : index
    %get3A_50 = vector.load %arg6[%get3A_48, %get3A_49] : memref<1x128xf32, #tpu.memory_space<vmem>>, vector<1x128xf32>
    %add3A_51 = vector.broadcast %get3A_50 : vector<1x128xf32> to vector<10000x128xf32>
    %add3A_52 = arith.addf %dot_general3A_47, %add3A_51 : vector<10000x128xf32>
    %get3A_53 = arith.constant 0 : index
    %get3A_54 = arith.constant 0 : index
    %get3A_55 = vector.load %arg7[%get3A_53, %get3A_54] : memref<128x128xf32, #tpu.memory_space<vmem>>, vector<128x128xf32>
    %dot_general3A_56 = arith.constant dense<0.000000e+00> : vector<10000x128xf32>
    %dot_general3A_57 = tpu.matmul %add3A_52, %get3A_55, %dot_general3A_56 {dimension_numbers = #tpu.dot_dimension_numbers<[1], [0], [0], [1], [0, 0, 1, 1], [], []>, transpose_lhs_hint = false} : vector<10000x128xf32>, vector<128x128xf32>, vector<10000x128xf32> -> vector<10000x128xf32>
    %get3A_58 = arith.constant 0 : index
    %get3A_59 = arith.constant 0 : index
    %get3A_60 = vector.load %arg8[%get3A_58, %get3A_59] : memref<1x128xf32, #tpu.memory_space<vmem>>, vector<1x128xf32>
    %add3A_61 = vector.broadcast %get3A_60 : vector<1x128xf32> to vector<10000x128xf32>
    %add3A_62 = arith.addf %dot_general3A_57, %add3A_61 : vector<10000x128xf32>
    %get3A_63 = arith.constant 0 : index
    %get3A_64 = arith.constant 0 : index
    %get3A_65 = vector.load %arg9[%get3A_63, %get3A_64] : memref<128x128xf32, #tpu.memory_space<vmem>>, vector<128x128xf32>
    %dot_general3A_66 = arith.constant dense<0.000000e+00> : vector<10000x128xf32>
    %dot_general3A_67 = tpu.matmul %add3A_62, %get3A_65, %dot_general3A_66 {dimension_numbers = #tpu.dot_dimension_numbers<[1], [0], [0], [1], [0, 0, 1, 1], [], []>, transpose_lhs_hint = false} : vector<10000x128xf32>, vector<128x128xf32>, vector<10000x128xf32> -> vector<10000x128xf32>
    %get3A_68 = arith.constant 0 : index
    %get3A_69 = arith.constant 0 : index
    %get3A_70 = vector.load %arg10[%get3A_68, %get3A_69] : memref<1x128xf32, #tpu.memory_space<vmem>>, vector<1x128xf32>
    %add3A_71 = vector.broadcast %get3A_70 : vector<1x128xf32> to vector<10000x128xf32>
    %add3A_72 = arith.addf %dot_general3A_67, %add3A_71 : vector<10000x128xf32>
    %swap3A = arith.constant 0 : index
    %swap3A_73 = arith.constant 0 : index
    %swap3A_74 = vector.load %arg11[%swap3A, %swap3A_73] : memref<10000x128xf32, #tpu.memory_space<vmem>>, vector<10000x128xf32>
    tpu.vector_store %arg11[%swap3A, %swap3A_73], %add3A_72 {strides = array<i32>} : memref<10000x128xf32, #tpu.memory_space<vmem>>, vector<10000x128xf32>,
    return
  }
}

</mosaic_0001>

<sc_bundles>
// kernel: kernel.12.cloned.1.call-start
scs
__scs_entry_jumppad:
0x0: {  	(pc) =	sbr.rel $0x88, $3  }
0x1: {  	(tag) =	ssettag $0x0;
	lr =	simm.s32 $0x1  }
0x2: {  	[smem:$0x3F8B] =	sst lr;
	_ =	strace $0xD0000000  }
0x3: {  	_ = 	snop  }
0x4: {  	_ = 	snop  }
0x5: {  	_ = 	snop  }
0x6: {  	_ = 	snop  }
0x7: {  	_ = 	snop  }
__scs_overlays_trampoline_lowered:
0x8: {  	[smem:$0x3F9A] =	sst s0  }
0x9: {  	[smem:$0x3F9B] =	sst s1  }
0xa: {  	[smem:$0x3F9C] =	sst s2  }
0xb: {  	[smem:$0x3F9D] =	sst s3  }
0xc: {  	[smem:$0x3F9E] =	sst s4  }
0xd: {  	[smem:$0x3F9F] =	sst s5  }
0xe: {  	[smem:$0x3FA0] =	sst s6  }
0xf: {  	[smem:$0x3FA1] =	sst s7  }
0x10: {  	[smem:$0x3FA2] =	sst s8  }
0x11: {  	[smem:$0x3FA3] =	sst s9;
	s0 =	simm.s32 @!p0 $0x0  }
0x12: {  	s1 =	sld [smem:$0x3F89];
	s0 =	simm.s32 @p0 $0x1  }
0x13: {  	[smem:$0x3FA4] =	sst s0;
	s0 =	simm.s32 @!p1 $0x0  }
0x14: {  	s2 =	sld [smem:$0x3F88];
	s0 =	simm.s32 @p1 $0x1  }
0x15: {  	[smem:$0x3FA5] =	sst s0;
	s0 =	simm.s32 @!p2 $0x0  }
0x16: {  	s3 =	sld [smem:$0x3FDB];
	s0 =	simm.s32 @p2 $0x1  }
0x17: {  	s4 =	simm.s32 $0x1BF5;
	[smem:$0x3FA7] =	sst s0  }
0x18: {  	s0 =	sld [smem:$0x3F8A];
	_ =	swait.ge [sflag:s4], $0x0  }
0x19: {  	s7 =	sld [smem:$0x3F8B]  }
0x1a: {  	s8 =	sadd.s32 $0xFFFFE003, lr  }
0x1b: {  	s9 =	sadd.s32 $0xFFFFFEF7, lr;
	s5 =	simm.s32 $0xFFFFFFFF;
	p2 =	slt.u32 s8, $0xFFFFF086  }
0x1c: {  	p1 =	slt.u32 s9, $0xF7A;
	s5 =	simm.s32 @!p2 $0x0  }
0x1d: {  	s5 =	simm.s32 @p1 $0x1;
	p0 =	seq.s32 s7, s2  }
0x1e: {  	s7 =	smul.u32 @!p0 $0xF7A, s2;
	p2 =	seq.s32 @!p0 s5, $0x0  }
0x1f: {  	s9 =	smul.u32 $0xF7A, s1;
	s8 =	simm.s32 @!p0 $0x1BF5;
	p2 =	por !p2, p0  }
0x20: {  	[sflag:s8] =	ssyncset.s32 @!p0 $0xFFFFF086;
	s6 =	sadd.s32 @!p0 s3, s7;
	s7 =	simm.s32 @!p0 $0x108  }
0x21: {  	s3 =	sadd.s32 s3, s9;
	s6 =	sadd.s32 @!p0 $0x88, s6;
	s7 =	simm.s32 @p2 $0x1082  }
0x22: {  	[simem:s7], [sflag:s8] =	dma.local @!p0 [hbm:s6], $0xF7A  }
0x23: {  	s9 =	sor.u32 $0xD0000000, s2;
	s6 =	simm.s32 $0x108;
	_ =	swait.ge @!p0 [sflag:s8], $0x0  }
0x24: {  	s3 =	sadd.s32 $0x88, s3;
	s6 =	simm.s32 @!p1 $0x1082;
	[sflag:s4] =	ssyncset.s32 $0xFFFFF086  }
0x25: {  	[simem:s6], [sflag:s4] =	dma.local [hbm:s3], $0xF7A  }
0x26: {  	[smem:$0x3F8B] =	sst s1;
	(tag) =	ssettag s2;
	_ =	strace s9  }
0x27: {  	s1 =	sld [smem:$0x3F9B]  }
0x28: {  	s2 =	sld [smem:$0x3F9C]  }
0x29: {  	s4 =	sld [smem:$0x3F9E]  }
0x2a: {  	p0 =	seq.s32 s5, $0x0;
	s5 =	sld [smem:$0x3F9F]  }
0x2b: {  	s6 =	sld [smem:$0x3FA0]  }
0x2c: {  	s7 =	sld [smem:$0x3FA1]  }
0x2d: {  	s3 =	simm.s32 $0x108;
	s8 =	sld [smem:$0x3FA2]  }
0x2e: {  	s3 =	simm.s32 @!p0 $0x1082;
	s9 =	sld [smem:$0x3FA3]  }
0x2f: {  	lr =	sadd.s32 s0, s3;
	s0 =	sld [smem:$0x3F9A]  }
0x30: {  	s3 =	sld [smem:$0x3F9D]  }
0x31: {  	[smem:$0x3FA6] =	sst s10  }
0x32: {  	s10 =	sld [smem:$0x3FA4];
	_ =	sdelay $0x3  }
0x33: {  	p0 =	seq.s32 s10, $0x1;
	s10 =	sld [smem:$0x3FA6];
	_ =	sdelay $0x3  }
0x34: {  	[smem:$0x3FA6] =	sst s10  }
0x35: {  	s10 =	sld [smem:$0x3FA5];
	_ =	sdelay $0x3  }
0x36: {  	p1 =	seq.s32 s10, $0x1;
	s10 =	sld [smem:$0x3FA6];
	_ =	sdelay $0x3  }
0x37: {  	[smem:$0x3FA6] =	sst s10  }
0x38: {  	s10 =	sld [smem:$0x3FA7]  }
0x39: {  	_ = 	snop;
	(pc) =	sbr.ind lr, $3  }
0x3a: {  	_ = 	snop  }
0x3b: {  	_ = 	snop  }
0x3c: {  	p2 =	seq.s32 s10, $0x1;
	s10 =	sld [smem:$0x3FA6]  }
0x3d: {  	_ =	shalt  }
0x3e: {  	_ =	shalt  }
0x3f: {  	_ =	shalt  }
0x40: {  	_ =	shalt  }
0x41: {  	_ =	shalt  }
0x42: {  	_ =	shalt  }
0x43: {  	_ =	shalt  }
0x44: {  	_ =	shalt  }
0x45: {  	_ =	shalt  }
0x46: {  	_ =	shalt  }
0x47: {  	_ =	shalt  }
0x48: {  	_ =	shalt  }
0x49: {  	_ =	shalt  }
0x4a: {  	_ =	shalt  }
0x4b: {  	_ =	shalt  }
0x4c: {  	_ =	shalt  }
0x4d: {  	_ =	shalt  }
0x4e: {  	_ =	shalt  }
0x4f: {  	_ =	shalt  }
0x50: {  	_ =	shalt  }
0x51: {  	_ =	shalt  }
0x52: {  	_ =	shalt  }
0x53: {  	_ =	shalt  }
0x54: {  	_ =	shalt  }
0x55: {  	_ =	shalt  }
0x56: {  	_ =	shalt  }
0x57: {  	_ =	shalt  }
0x58: {  	_ =	shalt  }
0x59: {  	_ =	shalt  }
0x5a: {  	_ =	shalt  }
0x5b: {  	_ =	shalt  }
0x5c: {  	_ =	shalt  }
0x5d: {  	_ =	shalt  }
0x5e: {  	_ =	shalt  }
0x5f: {  	_ =	shalt  }
0x60: {  	_ =	shalt  }
0x61: {  	_ =	shalt  }
0x62: {  	_ =	shalt  }
0x63: {  	_ =	shalt  }
0x64: {  	_ =	shalt  }
0x65: {  	_ =	shalt  }
0x66: {  	_ =	shalt  }
0x67: {  	_ =	shalt  }
0x68: {  	_ =	shalt  }
0x69: {  	_ =	shalt  }
0x6a: {  	_ =	shalt  }
0x6b: {  	_ =	shalt  }
0x6c: {  	_ =	shalt  }
0x6d: {  	_ =	shalt  }
0x6e: {  	_ =	shalt  }
0x6f: {  	_ =	shalt  }
0x70: {  	_ =	shalt  }
0x71: {  	_ =	shalt  }
0x72: {  	_ =	shalt  }
0x73: {  	_ =	shalt  }
0x74: {  	_ =	shalt  }
0x75: {  	_ =	shalt  }
0x76: {  	_ =	shalt  }
0x77: {  	_ =	shalt  }
0x78: {  	_ =	shalt  }
0x79: {  	_ =	shalt  }
0x7a: {  	_ =	shalt  }
0x7b: {  	_ =	shalt  }
0x7c: {  	_ =	shalt  }
0x7d: {  	_ =	shalt  }
0x7e: {  	_ =	shalt  }
0x7f: {  	_ =	shalt  }
0x80: {  	_ =	shalt  }
0x81: {  	_ =	shalt  }
0x82: {  	_ =	shalt  }
0x83: {  	_ =	shalt  }
0x84: {  	_ =	shalt  }
0x85: {  	_ =	shalt  }
0x86: {  	_ =	shalt  }
0x87: {  	_ =	shalt  }
.Lfunc_end0:
.L_simem_size_0:
called_computation_lowered:
.L_overlay_start_0:
0x88: {  	s2 =	sld [smem:$0x3FD9]  }
0x89: {  	s3 =	sld [smem:$0x3FFE];
	_ =	sdelay $0x1  }
0x8a: {  	s1 =	srdreg.scid  }
0x8b: {  	s0 =	sand.u32 $0x1, s1  }
0x8c: {  	s17 =	sshll.u32 s0, $0xA;
	s2 =	sadd.s32 s3, s2  }
0x8d: {  	s2 =	sadd.s32 s2, s17  }
0x8e: {  	[smem:$0x3FB2] =	sst s2  }
0x8f: {  	_ = 	snop  }
0x90: {  	s2 =	sld [smem:$0x3FD0];
	(tm) =	ssettm $0x1  }
0x91: {  	s18 =	sld [smem:$0x3FFB];
	_ =	sdelay $0x3  }
0x92: {  	_ =	strace s18  }
0x93: {  	s3 =	sld [smem:$0x3FFC];
	_ =	sdelay $0x3  }
0x94: {  	_ =	strace s3  }
0x95: {  	s3 =	sld [smem:$0x3FFD];
	_ =	sdelay $0x3  }
0x96: {  	_ =	strace s3  }
0x97: {  	_ =	strace $0x8FFFFFFF  }
0x98: {  	s19 =	sld [smem:$0x3FDB];
	_ =	sdelay $0x1  }
0x99: {  	s4 =	simm.s32 $_scs_section_size  }
0x9a: {  	s5 =	simm.s32 $_size__tile_overlayer_lowered;
	s6 =	simm.s32 $_tile_overlayer_lowered  }
0x9b: {  	s22 =	simm.s32 $0x1BFF;
	s21 =	sshll.u32 s6, $0x1;
	s3 =	sadd.s32 s4, s19  }
0x9c: {  	s7 =	simm.s32 $0x0;
	s20 =	sshll.u32 s5, $0x1;
	s5 =	sadd.s32 s21, s3  }
0x9d: {  	[timem:s7], [sflag:s22] =	dma.local [hbm:s5], s20  }
0x9e: {  	_ =	swait.ge [sflag:s22], s20  }
0x9f: {  	s4 =	ssub.s32 $0x0, s20;
	[sflag:s22] =	ssyncset.done $0x0  }
0xa0: {  	[sflag:s22] =	ssyncadd.s32 s4;
	_ =	sdelay $0x1  }
0xa1: {  	s23 =	simm.s32 $0x1B8B  }
0xa2: {  	_ =	swait.ge [sflag:s23], $0x1  }
0xa3: {  	[sflag:s23] =	ssyncset.done $0x0  }
0xa4: {  	s25 =	simm.s32 $0x1B8E;
	s24 =	sld [smem:$0x3FFE];
	[sflag:s23] =	ssyncadd.s32 $0xFFFFFFFF  }
0xa5: {  	s26 =	simm.s32 $execute0_lowered;
	[smem:$0x3FD2] =	sst s25  }
0xa6: {  	s5 =	sshll.u32 s26, $0x1;
	_ =	strace $0x80000046;
	[dreg:$0x1] =	wrdreg $0xFFFFFFFF  }
0xa7: {  	s28 =	simm.s32 $_size_execute0_lowered;
	s3 =	sadd.s32 s3, s5;
	[dreg:$0x0] =	wrdreg $0x0  }
0xa8: {  	s5 =	sshll.u32 s28, $0x1;
	[dreg:$0x2] =	wrdreg s3  }
0xa9: {  	[dreg:$0x3] =	wrdreg s5  }
0xaa: {  	[dreg:$0x4] =	wrdreg $0xC0  }
0xab: {  	_ =	task [dreg:s7], $0x5FFFF  }
0xac: {  	[dreg:$0x1] =	wrdreg $0xFFFFFFFF  }
0xad: {  	[dreg:$0x0] =	wrdreg $0x60  }
0xae: {  	[dreg:$0x2] =	wrdreg s24  }
0xaf: {  	[dreg:$0x3] =	wrdreg s2  }
0xb0: {  	[dreg:$0x4] =	wrdreg $0x77800  }
0xb1: {  	[dreg:$0x5] =	wrdreg $0x9  }
0xb2: {  	_ =	task.clear_ibuf [dreg:s7], $0x6FFFF;
	_ =	strace $0x90000046  }
0xb3: {  	s29 =	simm.s32 $0x9;
	_ =	strace $0x80000048  }
0xb4: {  	_ =	swait.ge [sflag:s29], $0x1  }
0xb5: {  	[sflag:s29] =	ssyncadd.s32 $0xFFFFFFFF  }
0xb6: {  	_ =	strace $0x90000048  }
0xb7: {  	_ =	sfence  }
0xb8: {  	s30 =	sld [smem:$0x0];
	_ =	sdelay $0x2  }
0xb9: {  	s31 =	sshll.u32 s1, $0xD;
	s1 =	sshrl.u32 s1, $0x2  }
0xba: {  	s3 =	sand.u32 $0x4000, s31;
	s1 =	sadd.s32 s1, s30  }
0xbb: {  	s0 =	sor.u32 s3, s0;
	s1 =	sshll.u32 s1, $0x11  }
0xbc: {  	s0 =	sor.u32 s1, s0  }
0xbd: {  	s0 =	sadd.s32 $0x8F2B, s0  }
0xbe: {  	[sflag:s0] =	ssyncadd.remote.s32 $0x1  }
0xbf: {  	_ =	sfence.sel $0xFFFF  }
0xc0: {  	[dreg:$0x0] =	wrdreg $0xFFFFFFFF;
	(pc) =	sbr.abs _section_cstart, $3  }
0xc1: {  	[dreg:$0x1] =	wrdreg $0xFFFFFFFF  }
0xc2: {  	_ =	task.clear_ibuf [dreg:s7], $0x2FFFF;
	_ =	strace $0x9FFFFFFF  }
0xc3: {  	(tm) =	ssettm $0x7FFFFFFF  }
tec
execute0_lowered:
.L_overlay_start_1:
0x0: {  	(tag) =	ssettag $0x1  }
0x1: {  	s4 =	rddreg [dreg:$0x0]  }
0x2: {  	s0 =	srdreg.scid;
	s6 =	rddreg [dreg:$0x1]  }
0x3: {  	s8 =	stileid.u32;
	s1 =	rddreg [dreg:$0x2];
	s2 =	simm.s32 $0x0  }
0x4: {  	s12 =	simm.s32 $0x50;
	s13 =	simm.s32 $0x0;
	s5 =	sand.u32 $0x1, s0  }
0x5: {  	[smem:$0x7FF] =	sst s2;
	p0 =	sne.s32 s8, $0x0;
	s0 =	sshll.u32 s5, $0x4  }
0x6: {  	s9 =	ssub.s32 $0x2, s5;
	s11 =	smul.u32 $0x500, s5;
	s3 =	sor.u32 s8, s0  }
0x7: {  	s0 =	rddreg [dreg:$0x3];
	_ =	strace $0x80000047;
	s10 =	sshrl.u32 s9, $0x1  }
0x8: {  	s8 =	simm.s32 $0x1;
	s3 =	smul.u32 $0x9E0, s3;
	s9 =	ssub.s32 s9, s10  }
0x9: {  	s6 =	sadd.s32 s6, s11;
	s10 =	sshrl.u32 @!p0 s1, $0x3;
	s11 =	simm.s32 $0x4F00  }
0xa: {  	s7 =	sadd.s32 s3, s4;
	s3 =	sadd.s32 $0x1A200, s4;
	s4 =	sadd.s32 $0x1A400, s4  }
0xb: {  	v0 =	vimm.f32 $0.0e+00;
	v1 =	vimm.f32 $1.000000000e+00;
	s5 =	sadd.s32 $0x6600, s7;
	s7 =	smax.u32 s9, $0x1;
	s9 =	simm.s32 $0x7700  }
.LBB2_1:
0xc: {  	[tilespmem:s2], [sflag:$0x1] =	stream.linear.gather [hbm4b:s5+s2], $0x4F00, $0x38;
	[tilespmem:$0x7A00] =	vst v63  }
0xd: {  	_ =	swait.ge [sflag:s8], $0x4F00  }
0xe: {  	[sflag:s8] =	ssyncset.done $0x0  }
0xf: {  	[sflag:s8] =	ssyncadd.s32 $0xFFFFB100  }
0x10: {  	[tilespmem:s9], [sflag:$0x1] =	stream.linear.gather [hbm4b:s3+s2], $0x80, $0x38;
	[tilespmem:$0x7A00] =	vst v63  }
0x11: {  	_ =	swait.ge [sflag:s8], $0x80  }
0x12: {  	[sflag:s8] =	ssyncset.done $0x0  }
0x13: {  	s14 =	simm.s32 @!p0 $0x1C01;
	[sflag:s8] =	ssyncadd.s32 $0xFFFFFF80  }
0x14: {  	[spmem:s10], [sflag:s14] =	dma.local @!p0 [hbm:s4], $0x500  }
0x15: {  	s14 =	simm.s32 @!p0 $0x1  }
0x16: {  	_ =	swait.ge @!p0 [sflag:s14], $0x500  }
0x17: {  	[sflag:s14] =	ssyncset.done @!p0 $0x0  }
0x18: {  	s15 =	simm.s32 $0x200;
	[sflag:s14] =	ssyncadd.s32 @!p0 $0xFFFFFB00;
	s14 =	simm.s32 $0x0  }
.LBB2_2:
0x19: {  	p1 =	sne.s32 s15, $0x9E00;
	[tilespmem:s14+$0x4F70] =	vst v0  }
0x1a: {  	[tilespmem:s14+$0x4F00] =	vst v0  }
0x1b: {  	[tilespmem:s14+$0x4F10] =	vst v0  }
.Ltmp0:
0x1c: {  	[tilespmem:s14+$0x4F20] =	vst v0;
	(pc) =	sbr.rel @p1 .LBB2_2-.Ltmp0, $4  }
0x1d: {  	[tilespmem:s14+$0x4F30] =	vst v0  }
0x1e: {  	[tilespmem:s14+$0x4F40] =	vst v0  }
0x1f: {  	[tilespmem:s14+$0x4F50] =	vst v0  }
0x20: {  	[tilespmem:s14+$0x4F60] =	vst v0;
	s14 =	sshra.s32 s15, $0x2;
	s15 =	sadd.s32 $0x200, s15  }
0x21: {  	[tilespmem:s14+$0x4F70] =	vst v0  }
0x22: {  	[tilespmem:s14+$0x4F00] =	vst v0  }
0x23: {  	[tilespmem:s14+$0x4F10] =	vst v0  }
0x24: {  	[tilespmem:s14+$0x4F20] =	vst v0  }
0x25: {  	[tilespmem:s14+$0x4F30] =	vst v0  }
0x26: {  	[tilespmem:s14+$0x4F40] =	vst v0  }
0x27: {  	[tilespmem:s14+$0x4F50] =	vst v0  }
0x28: {  	[tilespmem:s14+$0x4F60] =	vst v0;
	s14 =	simm.s32 $0x3C0  }
.LBB2_4:
0x29: {  	s15 =	sshra.s32 s14, $0x2  }
0x2a: {  	v2 =	vld [tilespmem:s15+$0xFFFFFF90];
	_ =	sdelay $0x7  }
0x2b: {  	[tilespmem:v2+s11+$0x0] =	vst.idx.add.f32.msk $0xffff, v1  }
0x2c: {  	v2 =	vld [tilespmem:s15+$0xFFFFFFA0];
	_ =	sdelay $0x7  }
0x2d: {  	[tilespmem:v2+s11+$0x0] =	vst.idx.add.f32.msk $0xffff, v1  }
0x2e: {  	v2 =	vld [tilespmem:s15+$0xFFFFFFB0];
	_ =	sdelay $0x7  }
0x2f: {  	[tilespmem:v2+s11+$0x0] =	vst.idx.add.f32.msk $0xffff, v1  }
0x30: {  	v2 =	vld [tilespmem:s15+$0xFFFFFFC0];
	_ =	sdelay $0x7  }
0x31: {  	[tilespmem:v2+s11+$0x0] =	vst.idx.add.f32.msk $0xffff, v1  }
0x32: {  	v2 =	vld [tilespmem:s15+$0xFFFFFFD0];
	_ =	sdelay $0x7  }
0x33: {  	[tilespmem:v2+s11+$0x0] =	vst.idx.add.f32.msk $0xffff, v1  }
0x34: {  	v2 =	vld [tilespmem:s15+$0xFFFFFFE0];
	_ =	sdelay $0x7  }
0x35: {  	[tilespmem:v2+s11+$0x0] =	vst.idx.add.f32.msk $0xffff, v1  }
0x36: {  	v2 =	vld [tilespmem:s15+$0xFFFFFFF0];
	_ =	sdelay $0x7  }
0x37: {  	[tilespmem:v2+s11+$0x0] =	vst.idx.add.f32.msk $0xffff, v1  }
0x38: {  	v2 =	vld [tilespmem:s15+$0x0];
	_ =	sdelay $0x2  }
0x39: {  	p1 =	sne.s32 s14, $0x13BC0  }
.Ltmp1:
0x3a: {  	_ = 	snop;
	(pc) =	sbr.rel @p1 .LBB2_4-.Ltmp1, $2  }
0x3b: {  	_ =	sdelay $0x2  }
0x3c: {  	s14 =	sadd.s32 $0x400, s14;
	[tilespmem:v2+s11+$0x0] =	vst.idx.add.f32.msk $0xffff, v1  }
0x3d: {  	[bflag:$0x0] =	sbarrier.arrive $0xFFFF  }
0x3e: {  	[spmem:s1] =	stream.indirect.scatter.add.f32 [tilespmem:s11], [sflag:$0x1], $0x80, s9, s12, $0xb8;
	[tilespmem:$0x7A00] =	vst v63  }
0x3f: {  	_ =	swait.ge [sflag:s8], $0x2800  }
0x40: {  	[sflag:s8] =	ssyncset.done $0x0  }
0x41: {  	s13 =	sadd.s32 $0x1, s13;
	[sflag:s8] =	ssyncadd.s32 $0xFFFFD800  }
0x42: {  	s14 =	simm.s32 @!p0 $0x1C01;
	p1 =	sne.s32 s13, s7;
	[bflag:$0x0] =	sbarrier.arrive $0xFFFF  }
0x43: {  	[hbm:s6], [sflag:s14] =	dma.local @!p0 [spmem:s10], $0x500  }
.Ltmp2:
0x44: {  	_ = 	snop;
	(pc) =	sbr.rel @p1 .LBB2_1-.Ltmp2, $4  }
0x45: {  	s14 =	simm.s32 @!p0 $0x1  }
0x46: {  	_ =	swait.ge @!p0 [sflag:s14], $0x500  }
0x47: {  	[sflag:s14] =	ssyncset.done @!p0 $0x0  }
0x48: {  	[sflag:s14] =	ssyncadd.s32 @!p0 $0xFFFFFB00  }
0x49: {  	_ =	sfence.sel $0x180000  }
0x4a: {  	[bflag:$0x0] =	sbarrier.arrive $0xFFFF  }
0x4b: {  	_ =	strace $0x90000047  }
0x4c: {  	s0 =	sadd.s32 @!p0 $0x100000, s0;
	[bflag:$0x2] =	sbarrier.arrive $0xFFFF  }
0x4d: {  	[sflag:s0] =	ssyncadd.tile.s32 @!p0 $0x1;
	_ =	shalt  }
.Lfunc_end2:
_tile_overlayer_lowered:
.L_overlay_start_2:
0x4e: {  	(tag) =	ssettag $0x2  }
0x4f: {  	s0 =	rddreg [dreg:$0x0];
	s2 =	stileid.u32  }
0x50: {  	s1 =	rddreg [dreg:$0x1];
	p0 =	sne.s32 s2, $0x0  }
0x51: {  	s3 =	rddreg [dreg:$0x2];
	[bflag:$0x3] =	sbarrier.arrive $0xFFFF;
	s2 =	simm.s32 @!p0 $0x1C01  }
0x52: {  	[timem:s3], [sflag:s2] =	dma.local @!p0 [hbm:s0], s1  }
0x53: {  	s0 =	simm.s32 @!p0 $0x1  }
0x54: {  	_ =	swait.ge @!p0 [sflag:s0], s1  }
0x55: {  	s1 =	ssub.s32 @!p0 $0x0, s1;
	[sflag:s0] =	ssyncset.done @!p0 $0x0  }
0x56: {  	[sflag:s0] =	ssyncadd.s32 @!p0 s1  }
0x57: {  	[bflag:$0x3] =	sbarrier.arrive $0xFFFF  }
0x58: {  	_ =	shalt  }

// kernel: kernel.15.cloned.1.call-start
scs
__scs_entry_jumppad:
0x0: {  	(pc) =	sbr.rel $0x88, $3  }
0x1: {  	(tag) =	ssettag $0x0;
	lr =	simm.s32 $0x1  }
0x2: {  	[smem:$0x3F8B] =	sst lr;
	_ =	strace $0xD0000000  }
0x3: {  	_ = 	snop  }
0x4: {  	_ = 	snop  }
0x5: {  	_ = 	snop  }
0x6: {  	_ = 	snop  }
0x7: {  	_ = 	snop  }
__scs_overlays_trampoline_lowered:
0x8: {  	[smem:$0x3F9A] =	sst s0  }
0x9: {  	[smem:$0x3F9B] =	sst s1  }
0xa: {  	[smem:$0x3F9C] =	sst s2  }
0xb: {  	[smem:$0x3F9D] =	sst s3  }
0xc: {  	[smem:$0x3F9E] =	sst s4  }
0xd: {  	[smem:$0x3F9F] =	sst s5  }
0xe: {  	[smem:$0x3FA0] =	sst s6  }
0xf: {  	[smem:$0x3FA1] =	sst s7  }
0x10: {  	[smem:$0x3FA2] =	sst s8  }
0x11: {  	[smem:$0x3FA3] =	sst s9;
	s0 =	simm.s32 @!p0 $0x0  }
0x12: {  	s1 =	sld [smem:$0x3F89];
	s0 =	simm.s32 @p0 $0x1  }
0x13: {  	[smem:$0x3FA4] =	sst s0;
	s0 =	simm.s32 @!p1 $0x0  }
0x14: {  	s2 =	sld [smem:$0x3F88];
	s0 =	simm.s32 @p1 $0x1  }
0x15: {  	[smem:$0x3FA5] =	sst s0;
	s0 =	simm.s32 @!p2 $0x0  }
0x16: {  	s3 =	sld [smem:$0x3FDB];
	s0 =	simm.s32 @p2 $0x1  }
0x17: {  	s4 =	simm.s32 $0x1BF5;
	[smem:$0x3FA7] =	sst s0  }
0x18: {  	s0 =	sld [smem:$0x3F8A];
	_ =	swait.ge [sflag:s4], $0x0  }
0x19: {  	s7 =	sld [smem:$0x3F8B]  }
0x1a: {  	s8 =	sadd.s32 $0xFFFFE003, lr  }
0x1b: {  	s9 =	sadd.s32 $0xFFFFFEF7, lr;
	s5 =	simm.s32 $0xFFFFFFFF;
	p2 =	slt.u32 s8, $0xFFFFF086  }
0x1c: {  	p1 =	slt.u32 s9, $0xF7A;
	s5 =	simm.s32 @!p2 $0x0  }
0x1d: {  	s5 =	simm.s32 @p1 $0x1;
	p0 =	seq.s32 s7, s2  }
0x1e: {  	s7 =	smul.u32 @!p0 $0xF7A, s2;
	p2 =	seq.s32 @!p0 s5, $0x0  }
0x1f: {  	s9 =	smul.u32 $0xF7A, s1;
	s8 =	simm.s32 @!p0 $0x1BF5;
	p2 =	por !p2, p0  }
0x20: {  	[sflag:s8] =	ssyncset.s32 @!p0 $0xFFFFF086;
	s6 =	sadd.s32 @!p0 s3, s7;
	s7 =	simm.s32 @!p0 $0x108  }
0x21: {  	s3 =	sadd.s32 s3, s9;
	s6 =	sadd.s32 @!p0 $0x88, s6;
	s7 =	simm.s32 @p2 $0x1082  }
0x22: {  	[simem:s7], [sflag:s8] =	dma.local @!p0 [hbm:s6], $0xF7A  }
0x23: {  	s9 =	sor.u32 $0xD0000000, s2;
	s6 =	simm.s32 $0x108;
	_ =	swait.ge @!p0 [sflag:s8], $0x0  }
0x24: {  	s3 =	sadd.s32 $0x88, s3;
	s6 =	simm.s32 @!p1 $0x1082;
	[sflag:s4] =	ssyncset.s32 $0xFFFFF086  }
0x25: {  	[simem:s6], [sflag:s4] =	dma.local [hbm:s3], $0xF7A  }
0x26: {  	[smem:$0x3F8B] =	sst s1;
	(tag) =	ssettag s2;
	_ =	strace s9  }
0x27: {  	s1 =	sld [smem:$0x3F9B]  }
0x28: {  	s2 =	sld [smem:$0x3F9C]  }
0x29: {  	s4 =	sld [smem:$0x3F9E]  }
0x2a: {  	p0 =	seq.s32 s5, $0x0;
	s5 =	sld [smem:$0x3F9F]  }
0x2b: {  	s6 =	sld [smem:$0x3FA0]  }
0x2c: {  	s7 =	sld [smem:$0x3FA1]  }
0x2d: {  	s3 =	simm.s32 $0x108;
	s8 =	sld [smem:$0x3FA2]  }
0x2e: {  	s3 =	simm.s32 @!p0 $0x1082;
	s9 =	sld [smem:$0x3FA3]  }
0x2f: {  	lr =	sadd.s32 s0, s3;
	s0 =	sld [smem:$0x3F9A]  }
0x30: {  	s3 =	sld [smem:$0x3F9D]  }
0x31: {  	[smem:$0x3FA6] =	sst s10  }
0x32: {  	s10 =	sld [smem:$0x3FA4];
	_ =	sdelay $0x3  }
0x33: {  	p0 =	seq.s32 s10, $0x1;
	s10 =	sld [smem:$0x3FA6];
	_ =	sdelay $0x3  }
0x34: {  	[smem:$0x3FA6] =	sst s10  }
0x35: {  	s10 =	sld [smem:$0x3FA5];
	_ =	sdelay $0x3  }
0x36: {  	p1 =	seq.s32 s10, $0x1;
	s10 =	sld [smem:$0x3FA6];
	_ =	sdelay $0x3  }
0x37: {  	[smem:$0x3FA6] =	sst s10  }
0x38: {  	s10 =	sld [smem:$0x3FA7]  }
0x39: {  	_ = 	snop;
	(pc) =	sbr.ind lr, $3  }
0x3a: {  	_ = 	snop  }
0x3b: {  	_ = 	snop  }
0x3c: {  	p2 =	seq.s32 s10, $0x1;
	s10 =	sld [smem:$0x3FA6]  }
0x3d: {  	_ =	shalt  }
0x3e: {  	_ =	shalt  }
0x3f: {  	_ =	shalt  }
0x40: {  	_ =	shalt  }
0x41: {  	_ =	shalt  }
0x42: {  	_ =	shalt  }
0x43: {  	_ =	shalt  }
0x44: {  	_ =	shalt  }
0x45: {  	_ =	shalt  }
0x46: {  	_ =	shalt  }
0x47: {  	_ =	shalt  }
0x48: {  	_ =	shalt  }
0x49: {  	_ =	shalt  }
0x4a: {  	_ =	shalt  }
0x4b: {  	_ =	shalt  }
0x4c: {  	_ =	shalt  }
0x4d: {  	_ =	shalt  }
0x4e: {  	_ =	shalt  }
0x4f: {  	_ =	shalt  }
0x50: {  	_ =	shalt  }
0x51: {  	_ =	shalt  }
0x52: {  	_ =	shalt  }
0x53: {  	_ =	shalt  }
0x54: {  	_ =	shalt  }
0x55: {  	_ =	shalt  }
0x56: {  	_ =	shalt  }
0x57: {  	_ =	shalt  }
0x58: {  	_ =	shalt  }
0x59: {  	_ =	shalt  }
0x5a: {  	_ =	shalt  }
0x5b: {  	_ =	shalt  }
0x5c: {  	_ =	shalt  }
0x5d: {  	_ =	shalt  }
0x5e: {  	_ =	shalt  }
0x5f: {  	_ =	shalt  }
0x60: {  	_ =	shalt  }
0x61: {  	_ =	shalt  }
0x62: {  	_ =	shalt  }
0x63: {  	_ =	shalt  }
0x64: {  	_ =	shalt  }
0x65: {  	_ =	shalt  }
0x66: {  	_ =	shalt  }
0x67: {  	_ =	shalt  }
0x68: {  	_ =	shalt  }
0x69: {  	_ =	shalt  }
0x6a: {  	_ =	shalt  }
0x6b: {  	_ =	shalt  }
0x6c: {  	_ =	shalt  }
0x6d: {  	_ =	shalt  }
0x6e: {  	_ =	shalt  }
0x6f: {  	_ =	shalt  }
0x70: {  	_ =	shalt  }
0x71: {  	_ =	shalt  }
0x72: {  	_ =	shalt  }
0x73: {  	_ =	shalt  }
0x74: {  	_ =	shalt  }
0x75: {  	_ =	shalt  }
0x76: {  	_ =	shalt  }
0x77: {  	_ =	shalt  }
0x78: {  	_ =	shalt  }
0x79: {  	_ =	shalt  }
0x7a: {  	_ =	shalt  }
0x7b: {  	_ =	shalt  }
0x7c: {  	_ =	shalt  }
0x7d: {  	_ =	shalt  }
0x7e: {  	_ =	shalt  }
0x7f: {  	_ =	shalt  }
0x80: {  	_ =	shalt  }
0x81: {  	_ =	shalt  }
0x82: {  	_ =	shalt  }
0x83: {  	_ =	shalt  }
0x84: {  	_ =	shalt  }
0x85: {  	_ =	shalt  }
0x86: {  	_ =	shalt  }
0x87: {  	_ =	shalt  }
.Lfunc_end0:
.L_simem_size_0:
called_computation.1_lowered:
.L_overlay_start_0:
0x88: {  	s2 =	sld [smem:$0x3FD9]  }
0x89: {  	s3 =	sld [smem:$0x3FFE];
	_ =	sdelay $0x1  }
0x8a: {  	s1 =	srdreg.scid  }
0x8b: {  	s0 =	sand.u32 $0x1, s1  }
0x8c: {  	s16 =	sshll.u32 s0, $0xA;
	s2 =	sadd.s32 s3, s2  }
0x8d: {  	s2 =	sadd.s32 s2, s16  }
0x8e: {  	[smem:$0x3FB2] =	sst s2  }
0x8f: {  	_ = 	snop  }
0x90: {  	(tm) =	ssettm $0x1  }
0x91: {  	s17 =	sld [smem:$0x3FFB];
	_ =	sdelay $0x3  }
0x92: {  	_ =	strace s17  }
0x93: {  	s2 =	sld [smem:$0x3FFC];
	_ =	sdelay $0x3  }
0x94: {  	_ =	strace s2  }
0x95: {  	s2 =	sld [smem:$0x3FFD];
	_ =	sdelay $0x3  }
0x96: {  	_ =	strace s2  }
0x97: {  	_ =	strace $0x8FFFFFFF  }
0x98: {  	s18 =	sld [smem:$0x3FDB];
	_ =	sdelay $0x1  }
0x99: {  	s19 =	simm.s32 $_scs_section_size  }
0x9a: {  	s4 =	simm.s32 $_size__tile_overlayer_lowered;
	s5 =	simm.s32 $_tile_overlayer_lowered  }
0x9b: {  	s22 =	simm.s32 $0x1BFF;
	s21 =	sshll.u32 s5, $0x1;
	s2 =	sadd.s32 s19, s18  }
0x9c: {  	s6 =	simm.s32 $0x0;
	s20 =	sshll.u32 s4, $0x1;
	s4 =	sadd.s32 s21, s2  }
0x9d: {  	[timem:s6], [sflag:s22] =	dma.local [hbm:s4], s20  }
0x9e: {  	_ =	swait.ge [sflag:s22], s20  }
0x9f: {  	s3 =	ssub.s32 $0x0, s20;
	[sflag:s22] =	ssyncset.done $0x0  }
0xa0: {  	[sflag:s22] =	ssyncadd.s32 s3;
	_ =	sdelay $0x1  }
0xa1: {  	s23 =	simm.s32 $0x1B8B  }
0xa2: {  	_ =	swait.ge [sflag:s23], $0x1  }
0xa3: {  	[sflag:s23] =	ssyncset.done $0x0  }
0xa4: {  	s25 =	simm.s32 $0x1B8E;
	s24 =	sld [smem:$0x3FFE];
	[sflag:s23] =	ssyncadd.s32 $0xFFFFFFFF  }
0xa5: {  	s26 =	simm.s32 $execute0_lowered;
	[smem:$0x3FD2] =	sst s25  }
0xa6: {  	s4 =	sshll.u32 s26, $0x1;
	_ =	strace $0x80000049;
	[dreg:$0x1] =	wrdreg $0xFFFFFFFF  }
0xa7: {  	s28 =	simm.s32 $_size_execute0_lowered;
	s2 =	sadd.s32 s2, s4;
	[dreg:$0x0] =	wrdreg $0x0  }
0xa8: {  	s4 =	sshll.u32 s28, $0x1;
	[dreg:$0x2] =	wrdreg s2  }
0xa9: {  	[dreg:$0x3] =	wrdreg s4  }
0xaa: {  	[dreg:$0x4] =	wrdreg $0xC0  }
0xab: {  	_ =	task [dreg:s6], $0x5FFFF  }
0xac: {  	[dreg:$0x1] =	wrdreg $0xFFFFFFFF  }
0xad: {  	[dreg:$0x0] =	wrdreg $0x60  }
0xae: {  	[dreg:$0x2] =	wrdreg s24  }
0xaf: {  	[dreg:$0x3] =	wrdreg $0x82000  }
0xb0: {  	[dreg:$0x4] =	wrdreg $0x9  }
0xb1: {  	_ =	task.clear_ibuf [dreg:s6], $0x5FFFF;
	_ =	strace $0x90000049  }
0xb2: {  	s29 =	simm.s32 $0x9;
	_ =	strace $0x8000004B  }
0xb3: {  	_ =	swait.ge [sflag:s29], $0x1  }
0xb4: {  	[sflag:s29] =	ssyncadd.s32 $0xFFFFFFFF  }
0xb5: {  	_ =	strace $0x9000004B  }
0xb6: {  	_ =	sfence  }
0xb7: {  	s30 =	sld [smem:$0x0];
	_ =	sdelay $0x2  }
0xb8: {  	s31 =	sshll.u32 s1, $0xD;
	s1 =	sshrl.u32 s1, $0x2  }
0xb9: {  	s3 =	sand.u32 $0x4000, s31;
	s1 =	sadd.s32 s1, s30  }
0xba: {  	s0 =	sor.u32 s3, s0;
	s1 =	sshll.u32 s1, $0x11  }
0xbb: {  	s0 =	sor.u32 s1, s0  }
0xbc: {  	s0 =	sadd.s32 $0x8F2B, s0  }
0xbd: {  	[sflag:s0] =	ssyncadd.remote.s32 $0x1  }
0xbe: {  	_ =	sfence.sel $0xFFFF  }
0xbf: {  	[dreg:$0x0] =	wrdreg $0xFFFFFFFF;
	(pc) =	sbr.abs _section_cstart, $3  }
0xc0: {  	[dreg:$0x1] =	wrdreg $0xFFFFFFFF  }
0xc1: {  	_ =	task.clear_ibuf [dreg:s6], $0x2FFFF;
	_ =	strace $0x9FFFFFFF  }
0xc2: {  	(tm) =	ssettm $0x7FFFFFFF  }
0xc3: {  	_ =	shalt  }
tec
execute0_lowered:
.L_overlay_start_1:
0x0: {  	(tag) =	ssettag $0x1  }
0x1: {  	s6 =	rddreg [dreg:$0x0]  }
0x2: {  	s2 =	rddreg [dreg:$0x1];
	s0 =	stileid.u32;
	s3 =	simm.s32 $0x0  }
0x3: {  	s4 =	srdreg.scid;
	s15 =	simm.s32 $0x100;
	s16 =	simm.s32 $0x1  }
0x4: {  	s17 =	simm.s32 $0x80;
	s19 =	simm.s32 $0x4200;
	s5 =	smul.u32 $0x26, s0  }
0x5: {  	s20 =	simm.s32 $0x5;
	s7 =	sand.u32 $0x1, s4;
	s4 =	smul.u32 $0x78, s0  }
0x6: {  	s21 =	simm.s32 $0x6;
	s22 =	simm.s32 $0x0;
	s9 =	smul.u32 $0x13C00, s0  }
0x7: {  	[smem:$0x7FF] =	sst s3;
	s10 =	smul.u32 $0x4F000, s0;
	s31 =	sshll.u32 s0, $0x6  }
0x8: {  	p0 =	seq.s32 s7, $0x0;
	s8 =	smul.u32 $0x13C000, s7;
	s7 =	ssub.s32 $0x2, s7  }
0x9: {  	_ =	strace $0x8000004A;
	s5 =	sadd.s32 $0x780, s5;
	s29 =	sshrl.u32 s7, $0x1  }
0xa: {  	s30 =	sshrl.u32 s10, $0x2;
	s5 =	smov.u32 @p0 s4;
	s4 =	sadd.s32 $0x1CC00, s6  }
0xb: {  	s28 =	sadd.s32 s9, s8;
	s13 =	ssub.s32 s7, s29;
	s5 =	sshll.u32 s5, $0x5  }
0xc: {  	s14 =	sadd.s32 s30, s2;
	s8 =	sshrl.u32 s28, $0x3;
	s12 =	sadd.s32 s5, s6  }
0xd: {  	s5 =	sadd.s32 $0x1A400, s6;
	s11 =	sadd.s32 s8, s6;
	s6 =	simm.s32 $0x78  }
0xe: {  	s7 =	sor.u32 $0x1C07, s31;
	s6 =	simm.s32 @!p0 $0x26;
	s8 =	sadd.s32 $0x6600, s12  }
0xf: {  	s9 =	sadd.s32 $0x6620, s12;
	s10 =	sadd.s32 $0x43E00, s11;
	s11 =	smax.u32 s13, $0x1  }
0x10: {  	s12 =	sadd.s32 $0x6640, s12;
	s13 =	sshrl.u32 s14, $0x3;
	s14 =	simm.s32 $0x7  }
.LBB2_1:
0x11: {  	[spmem:s13], [sflag:s7] =	dma.local [hbm:s5], $0x2780  }
0x12: {  	_ =	swait.ge [sflag:s14], $0x2780  }
0x13: {  	[sflag:s14] =	ssyncset.done $0x0  }
0x14: {  	[sflag:s14] =	ssyncadd.s32 $0xFFFFD880  }
0x15: {  	[tilespmem:s3], [sflag:$0x1] =	stream.linear.gather [hbm4b:s8+s3], $0x100, $0x38;
	[tilespmem:$0x1BE00] =	vst v63  }
0x16: {  	_ = 	snop  }
0x17: {  	[tilespmem:s15], [sflag:$0x2] =	stream.linear.gather [hbm4b:s9+s3], $0x100, $0x38;
	[tilespmem:$0x1BE00] =	vst v63  }
0x18: {  	[bflag:$0x0] =	sbarrier.arrive $0xFFFF  }
0x19: {  	_ =	swait.ge [sflag:s16], $0x100  }
0x1a: {  	[sflag:s16] =	ssyncset.done $0x0  }
0x1b: {  	s0 =	simm.s32 $0x200;
	s23 =	simm.s32 $0x2;
	[sflag:s16] =	ssyncadd.s32 $0xFFFFFF00  }
0x1c: {  	[tilespmem:s0], [sflag:$0x3] =	stream.indirect.gather [hbm4b:s4+s17], $0x80, s3, s17, $0xb8;
	[tilespmem:$0x1BE00] =	vst v63  }
0x1d: {  	_ =	swait.ge [sflag:s23], $0x100  }
0x1e: {  	p1 =	sle.u32 s6, $0x0;
	[sflag:s23] =	ssyncset.done $0x0  }
0x1f: {  	[sflag:s23] =	ssyncadd.s32 $0xFFFFFF00;
	s23 =	simm.s32 @!p1 $0x3  }
0x20: {  	[tilespmem:s19], [sflag:$0x4] =	stream.indirect.gather [hbm4b:s4+s17], $0x80, s15, s17, $0xb8;
	[tilespmem:$0x1BE00] =	vst v63  }
0x21: {  	_ =	swait.ge @!p1 [sflag:s23], $0x4000  }
0x22: {  	s24 =	simm.s32 @!p1 $0x4;
	[sflag:s23] =	ssyncset.done @!p1 $0x0  }
0x23: {  	s25 =	simm.s32 @!p1 $0x80;
	s26 =	simm.s32 @!p1 $0x200;
	[sflag:s23] =	ssyncadd.s32 @!p1 $0xFFFFC000  }
0x24: {  	[spmem:s2] =	stream.indirect.scatter.add.f32 @!p1 [tilespmem:s26], [sflag:$0x5], $0x80, s25, s25, $0xb8;
	[tilespmem:$0x1BE00] =	vst v63  }
0x25: {  	p0 =	sle.u32 @!p1 s6, $0x2;
	_ =	swait.ge @!p1 [sflag:s24], $0x4000  }
0x26: {  	p0 =	por p0, p1;
	s23 =	simm.s32 @!p1 $0x4200;
	[sflag:s24] =	ssyncset.done @!p1 $0x0  }
0x27: {  	s26 =	simm.s32 @!p1 $0x180;
	[sflag:s24] =	ssyncadd.s32 @!p1 $0xFFFFC000;
	s24 =	simm.s32 @!p0 $0x5  }
0x28: {  	[spmem:s2] =	stream.indirect.scatter.add.f32 @!p1 [tilespmem:s23], [sflag:$0x6], $0x80, s26, s25, $0xb8;
	[tilespmem:$0x1BE00] =	vst v63  }
0x29: {  	_ =	swait.ge @!p0 [sflag:s24], $0x4000  }
0x2a: {  	[sflag:s24] =	ssyncset.done @!p0 $0x0  }
0x2b: {  	s23 =	simm.s32 @!p0 $0x0;
	[sflag:s24] =	ssyncadd.s32 @!p0 $0xFFFFC000;
	s24 =	simm.s32 @!p0 $0x6  }
0x2c: {  	[tilespmem:s23], [sflag:$0x1] =	stream.linear.gather @!p0 [hbm4b:s12+s23], $0x100, $0x38;
	[tilespmem:$0x1BE00] =	vst v63  }
0x2d: {  	_ =	swait.ge @!p0 [sflag:s24], $0x4000  }
0x2e: {  	s28 =	simm.s32 @!p0 $0x100;
	[sflag:s24] =	ssyncset.done @!p0 $0x0  }
0x2f: {  	s25 =	sadd.s32 @!p0 $0x20, s12;
	s26 =	simm.s32 @!p0 $0x1;
	[sflag:s24] =	ssyncadd.s32 @!p0 $0xFFFFC000  }
0x30: {  	[tilespmem:s28], [sflag:$0x2] =	stream.linear.gather @!p0 [hbm4b:s25+s23], $0x100, $0x38;
	[tilespmem:$0x1BE00] =	vst v63  }
0x31: {  	p2 =	sle.u32 s6, $0x2;
	s29 =	simm.s32 @!p0 $0x80;
	_ =	swait.ge @!p0 [sflag:s26], $0x100  }
0x32: {  	s30 =	simm.s32 @!p0 $0x2;
	s24 =	simm.s32 $0x4;
	[sflag:s26] =	ssyncset.done @!p0 $0x0  }
0x33: {  	s25 =	simm.s32 @!p0 $0x200;
	[sflag:s26] =	ssyncadd.s32 @!p0 $0xFFFFFF00;
	s26 =	simm.s32 @!p0 $0x4200  }
0x34: {  	[tilespmem:s25], [sflag:$0x3] =	stream.indirect.gather @!p0 [hbm4b:s4+s29], $0x80, s23, s29, $0xb8;
	[tilespmem:$0x1BE00] =	vst v63  }
0x35: {  	s25 =	simm.s32 $0x6;
	s23 =	sadd.s32 $0x40, s12;
	_ =	swait.ge @!p0 [sflag:s30], $0x100  }
.LBB2_2:
0x36: {  	s31 =	simm.s32 @!p2 $0x3  }
0x37: {  	[sflag:s30] =	ssyncset.done @!p0 $0x0;
	s0 =	smov.u32 s25;
	s25 =	sadd.s32 $0x2, s25  }
0x38: {  	p1 =	sne.s32 s25, $0x7A;
	[sflag:s30] =	ssyncadd.s32 @!p0 $0xFFFFFF00  }
0x39: {  	[tilespmem:s26], [sflag:$0x4] =	stream.indirect.gather @!p0 [hbm4b:s4+s29], $0x80, s28, s29, $0xb8;
	[tilespmem:$0x1BE00] =	vst v63  }
0x3a: {  	s26 =	simm.s32 @!p2 $0x4;
	_ =	swait.ge @!p2 [sflag:s31], $0x4000  }
0x3b: {  	s28 =	simm.s32 @!p2 $0x80;
	s29 =	simm.s32 @!p2 $0x200;
	[sflag:s31] =	ssyncset.done @!p2 $0x0  }
0x3c: {  	[sflag:s31] =	ssyncadd.s32 @!p2 $0xFFFFC000  }
0x3d: {  	[spmem:s2] =	stream.indirect.scatter.add.f32 @!p2 [tilespmem:s29], [sflag:$0x5], $0x80, s28, s28, $0xb8;
	[tilespmem:$0x1BE00] =	vst v63  }
0x3e: {  	p0 =	sge.u32 @!p2 s24, s6;
	s29 =	simm.s32 @!p2 $0x4200;
	_ =	swait.ge @!p2 [sflag:s26], $0x4000  }
0x3f: {  	s24 =	simm.s32 @!p2 $0x180;
	p0 =	por p0, p2;
	[sflag:s26] =	ssyncset.done @!p2 $0x0  }
0x40: {  	s30 =	simm.s32 @!p0 $0x5;
	[sflag:s26] =	ssyncadd.s32 @!p2 $0xFFFFC000;
	s26 =	simm.s32 @!p0 $0x4200  }
0x41: {  	[spmem:s2] =	stream.indirect.scatter.add.f32 @!p2 [tilespmem:s29], [sflag:$0x6], $0x80, s24, s28, $0xb8;
	[tilespmem:$0x1BE00] =	vst v63  }
0x42: {  	s24 =	smov.u32 s0;
	_ =	swait.ge @!p0 [sflag:s30], $0x4000  }
0x43: {  	s0 =	simm.s32 @!p0 $0x0;
	[sflag:s30] =	ssyncset.done @!p0 $0x0  }
0x44: {  	s29 =	simm.s32 @!p0 $0x6;
	[sflag:s30] =	ssyncadd.s32 @!p0 $0xFFFFC000  }
0x45: {  	[tilespmem:s0], [sflag:$0x1] =	stream.linear.gather @!p0 [hbm4b:s23+s0], $0x100, $0x38;
	[tilespmem:$0x1BE00] =	vst v63  }
0x46: {  	_ =	swait.ge @!p0 [sflag:s29], $0x4000  }
0x47: {  	s28 =	simm.s32 @!p0 $0x100;
	s30 =	sadd.s32 @!p0 $0x20, s23;
	[sflag:s29] =	ssyncset.done @!p0 $0x0  }
0x48: {  	s31 =	simm.s32 @!p0 $0x1;
	[sflag:s29] =	ssyncadd.s32 @!p0 $0xFFFFC000  }
0x49: {  	[tilespmem:s28], [sflag:$0x2] =	stream.linear.gather @!p0 [hbm4b:s30+s0], $0x100, $0x38;
	[tilespmem:$0x1BE00] =	vst v63  }
.Ltmp0:
0x4a: {  	_ =	swait.ge @!p0 [sflag:s31], $0x100;
	(pc) =	sbr.rel @p1 .LBB2_2-.Ltmp0, $4  }
0x4b: {  	s1 =	simm.s32 @!p0 $0x200;
	s29 =	simm.s32 @!p0 $0x80;
	[sflag:s31] =	ssyncset.done @!p0 $0x0  }
0x4c: {  	s18 =	sadd.s32 $0xFFFFFFFE, s24;
	s30 =	simm.s32 @!p0 $0x2;
	[sflag:s31] =	ssyncadd.s32 @!p0 $0xFFFFFF00  }
0x4d: {  	[tilespmem:s1], [sflag:$0x3] =	stream.indirect.gather @!p0 [hbm4b:s4+s29], $0x80, s0, s29, $0xb8;
	[tilespmem:$0x1BE00] =	vst v63  }
0x4e: {  	p2 =	sge.u32 s18, s6;
	s23 =	sadd.s32 $0x40, s23;
	_ =	swait.ge @!p0 [sflag:s30], $0x100  }
0x4f: {  	[sflag:s30] =	ssyncset.done @!p0 $0x0  }
0x50: {  	s0 =	simm.s32 @!p2 $0x3;
	[sflag:s30] =	ssyncadd.s32 @!p0 $0xFFFFFF00  }
0x51: {  	[tilespmem:s26], [sflag:$0x4] =	stream.indirect.gather @!p0 [hbm4b:s4+s29], $0x80, s28, s29, $0xb8;
	[tilespmem:$0x1BE00] =	vst v63  }
0x52: {  	_ =	swait.ge @!p2 [sflag:s0], $0x4000  }
0x53: {  	s1 =	simm.s32 @!p2 $0x4;
	[sflag:s0] =	ssyncset.done @!p2 $0x0  }
0x54: {  	s18 =	simm.s32 @!p2 $0x80;
	s25 =	simm.s32 @!p2 $0x200;
	[sflag:s0] =	ssyncadd.s32 @!p2 $0xFFFFC000  }
0x55: {  	[spmem:s2] =	stream.indirect.scatter.add.f32 @!p2 [tilespmem:s25], [sflag:$0x5], $0x80, s18, s18, $0xb8;
	[tilespmem:$0x1BE00] =	vst v63  }
0x56: {  	p0 =	sge.u32 @!p2 s24, s6;
	_ =	swait.ge @!p2 [sflag:s1], $0x4000  }
0x57: {  	s24 =	simm.s32 @!p2 $0x180;
	p0 =	por p0, p2;
	[sflag:s1] =	ssyncset.done @!p2 $0x0  }
0x58: {  	s0 =	simm.s32 @!p2 $0x4200;
	[sflag:s1] =	ssyncadd.s32 @!p2 $0xFFFFC000;
	s1 =	simm.s32 @!p0 $0x5  }
0x59: {  	[spmem:s2] =	stream.indirect.scatter.add.f32 @!p2 [tilespmem:s0], [sflag:$0x6], $0x80, s24, s18, $0xb8;
	[tilespmem:$0x1BE00] =	vst v63  }
0x5a: {  	_ =	swait.ge @!p0 [sflag:s1], $0x4000  }
0x5b: {  	[sflag:s1] =	ssyncset.done @!p0 $0x0  }
0x5c: {  	s0 =	simm.s32 @!p0 $0x0;
	[sflag:s1] =	ssyncadd.s32 @!p0 $0xFFFFC000;
	s1 =	simm.s32 @!p0 $0x6  }
0x5d: {  	[tilespmem:s0], [sflag:$0x1] =	stream.linear.gather @!p0 [hbm4b:s23+s0], $0x100, $0x38;
	[tilespmem:$0x1BE00] =	vst v63  }
0x5e: {  	_ =	swait.ge @!p0 [sflag:s1], $0x4000  }
0x5f: {  	s18 =	sadd.s32 @!p0 $0x20, s23;
	[sflag:s1] =	ssyncset.done @!p0 $0x0  }
0x60: {  	s23 =	simm.s32 @!p0 $0x100;
	[sflag:s1] =	ssyncadd.s32 @!p0 $0xFFFFC000;
	s1 =	simm.s32 @!p0 $0x1  }
0x61: {  	[tilespmem:s23], [sflag:$0x2] =	stream.linear.gather @!p0 [hbm4b:s18+s0], $0x100, $0x38;
	[tilespmem:$0x1BE00] =	vst v63  }
0x62: {  	_ =	swait.ge @!p0 [sflag:s1], $0x100  }
0x63: {  	s24 =	simm.s32 @!p0 $0x200;
	[sflag:s1] =	ssyncset.done @!p0 $0x0  }
0x64: {  	s18 =	simm.s32 @!p0 $0x80;
	[sflag:s1] =	ssyncadd.s32 @!p0 $0xFFFFFF00;
	s1 =	simm.s32 @!p0 $0x2  }
0x65: {  	[tilespmem:s24], [sflag:$0x3] =	stream.indirect.gather @!p0 [hbm4b:s4+s18], $0x80, s0, s18, $0xb8;
	[tilespmem:$0x1BE00] =	vst v63  }
0x66: {  	_ =	swait.ge @!p0 [sflag:s1], $0x100  }
0x67: {  	[sflag:s1] =	ssyncset.done @!p0 $0x0  }
0x68: {  	s0 =	simm.s32 @!p0 $0x4200;
	[sflag:s1] =	ssyncadd.s32 @!p0 $0xFFFFFF00  }
0x69: {  	[tilespmem:s0], [sflag:$0x4] =	stream.indirect.gather @!p0 [hbm4b:s4+s18], $0x80, s23, s18, $0xb8;
	[tilespmem:$0x1BE00] =	vst v63  }
0x6a: {  	_ =	swait.ge [sflag:s20], $0x4000  }
0x6b: {  	[sflag:s20] =	ssyncset.done $0x0  }
0x6c: {  	[sflag:s20] =	ssyncadd.s32 $0xFFFFC000  }
0x6d: {  	_ =	swait.ge [sflag:s21], $0x4000  }
0x6e: {  	s22 =	sadd.s32 $0x1, s22;
	[sflag:s21] =	ssyncset.done $0x0  }
0x6f: {  	p0 =	sne.s32 s22, s11;
	[sflag:s21] =	ssyncadd.s32 $0xFFFFC000  }
.Ltmp1:
0x70: {  	[bflag:$0x0] =	sbarrier.arrive $0xFFFF;
	(pc) =	sbr.rel @p0 .LBB2_1-.Ltmp1, $4  }
0x71: {  	[hbm:s10], [sflag:s7] =	dma.local [spmem:s13], $0x2780  }
0x72: {  	_ =	swait.ge [sflag:s14], $0x2780  }
0x73: {  	[sflag:s14] =	ssyncset.done $0x0  }
0x74: {  	[sflag:s14] =	ssyncadd.s32 $0xFFFFD880  }
0x75: {  	_ =	sfence.sel $0x180000  }
0x76: {  	[bflag:$0x0] =	sbarrier.arrive $0xFFFF  }
0x77: {  	_ =	strace $0x9000004A  }
0x78: {  	s0 =	stileid.u32;
	[bflag:$0x2] =	sbarrier.arrive $0xFFFF  }
0x79: {  	p0 =	sne.s32 s0, $0x0;
	s0 =	rddreg [dreg:$0x2]  }
0x7a: {  	s0 =	sadd.s32 @!p0 $0x100000, s0  }
0x7b: {  	[sflag:s0] =	ssyncadd.tile.s32 @!p0 $0x1;
	_ =	shalt  }
.Lfunc_end2:
_tile_overlayer_lowered:
.L_overlay_start_2:
0x7c: {  	(tag) =	ssettag $0x2  }
0x7d: {  	s0 =	rddreg [dreg:$0x0];
	s2 =	stileid.u32  }
0x7e: {  	s1 =	rddreg [dreg:$0x1];
	p0 =	sne.s32 s2, $0x0  }
0x7f: {  	s3 =	rddreg [dreg:$0x2];
	[bflag:$0x3] =	sbarrier.arrive $0xFFFF;
	s2 =	simm.s32 @!p0 $0x1C07  }
0x80: {  	[timem:s3], [sflag:s2] =	dma.local @!p0 [hbm:s0], s1  }
0x81: {  	s0 =	simm.s32 @!p0 $0x7  }
0x82: {  	_ =	swait.ge @!p0 [sflag:s0], s1  }
0x83: {  	s1 =	ssub.s32 @!p0 $0x0, s1;
	[sflag:s0] =	ssyncset.done @!p0 $0x0  }
0x84: {  	[sflag:s0] =	ssyncadd.s32 @!p0 s1  }
0x85: {  	[bflag:$0x3] =	sbarrier.arrive $0xFFFF  }
0x86: {  	_ =	shalt  }

// kernel: kernel.18.cloned.1.call-start
scs
__scs_entry_jumppad:
0x0: {  	(pc) =	sbr.rel $0x88, $3  }
0x1: {  	(tag) =	ssettag $0x0;
	lr =	simm.s32 $0x1  }
0x2: {  	[smem:$0x3F8B] =	sst lr;
	_ =	strace $0xD0000000  }
0x3: {  	_ = 	snop  }
0x4: {  	_ = 	snop  }
0x5: {  	_ = 	snop  }
0x6: {  	_ = 	snop  }
0x7: {  	_ = 	snop  }
__scs_overlays_trampoline_lowered:
0x8: {  	[smem:$0x3F9A] =	sst s0  }
0x9: {  	[smem:$0x3F9B] =	sst s1  }
0xa: {  	[smem:$0x3F9C] =	sst s2  }
0xb: {  	[smem:$0x3F9D] =	sst s3  }
0xc: {  	[smem:$0x3F9E] =	sst s4  }
0xd: {  	[smem:$0x3F9F] =	sst s5  }
0xe: {  	[smem:$0x3FA0] =	sst s6  }
0xf: {  	[smem:$0x3FA1] =	sst s7  }
0x10: {  	[smem:$0x3FA2] =	sst s8  }
0x11: {  	[smem:$0x3FA3] =	sst s9;
	s0 =	simm.s32 @!p0 $0x0  }
0x12: {  	s1 =	sld [smem:$0x3F89];
	s0 =	simm.s32 @p0 $0x1  }
0x13: {  	[smem:$0x3FA4] =	sst s0;
	s0 =	simm.s32 @!p1 $0x0  }
0x14: {  	s2 =	sld [smem:$0x3F88];
	s0 =	simm.s32 @p1 $0x1  }
0x15: {  	[smem:$0x3FA5] =	sst s0;
	s0 =	simm.s32 @!p2 $0x0  }
0x16: {  	s3 =	sld [smem:$0x3FDB];
	s0 =	simm.s32 @p2 $0x1  }
0x17: {  	s4 =	simm.s32 $0x1BF5;
	[smem:$0x3FA7] =	sst s0  }
0x18: {  	s0 =	sld [smem:$0x3F8A];
	_ =	swait.ge [sflag:s4], $0x0  }
0x19: {  	s7 =	sld [smem:$0x3F8B]  }
0x1a: {  	s8 =	sadd.s32 $0xFFFFE003, lr  }
0x1b: {  	s9 =	sadd.s32 $0xFFFFFEF7, lr;
	s5 =	simm.s32 $0xFFFFFFFF;
	p2 =	slt.u32 s8, $0xFFFFF086  }
0x1c: {  	p1 =	slt.u32 s9, $0xF7A;
	s5 =	simm.s32 @!p2 $0x0  }
0x1d: {  	s5 =	simm.s32 @p1 $0x1;
	p0 =	seq.s32 s7, s2  }
0x1e: {  	s7 =	smul.u32 @!p0 $0xF7A, s2;
	p2 =	seq.s32 @!p0 s5, $0x0  }
0x1f: {  	s9 =	smul.u32 $0xF7A, s1;
	s8 =	simm.s32 @!p0 $0x1BF5;
	p2 =	por !p2, p0  }
0x20: {  	[sflag:s8] =	ssyncset.s32 @!p0 $0xFFFFF086;
	s6 =	sadd.s32 @!p0 s3, s7;
	s7 =	simm.s32 @!p0 $0x108  }
0x21: {  	s3 =	sadd.s32 s3, s9;
	s6 =	sadd.s32 @!p0 $0x88, s6;
	s7 =	simm.s32 @p2 $0x1082  }
0x22: {  	[simem:s7], [sflag:s8] =	dma.local @!p0 [hbm:s6], $0xF7A  }
0x23: {  	s9 =	sor.u32 $0xD0000000, s2;
	s6 =	simm.s32 $0x108;
	_ =	swait.ge @!p0 [sflag:s8], $0x0  }
0x24: {  	s3 =	sadd.s32 $0x88, s3;
	s6 =	simm.s32 @!p1 $0x1082;
	[sflag:s4] =	ssyncset.s32 $0xFFFFF086  }
0x25: {  	[simem:s6], [sflag:s4] =	dma.local [hbm:s3], $0xF7A  }
0x26: {  	[smem:$0x3F8B] =	sst s1;
	(tag) =	ssettag s2;
	_ =	strace s9  }
0x27: {  	s1 =	sld [smem:$0x3F9B]  }
0x28: {  	s2 =	sld [smem:$0x3F9C]  }
0x29: {  	s4 =	sld [smem:$0x3F9E]  }
0x2a: {  	p0 =	seq.s32 s5, $0x0;
	s5 =	sld [smem:$0x3F9F]  }
0x2b: {  	s6 =	sld [smem:$0x3FA0]  }
0x2c: {  	s7 =	sld [smem:$0x3FA1]  }
0x2d: {  	s3 =	simm.s32 $0x108;
	s8 =	sld [smem:$0x3FA2]  }
0x2e: {  	s3 =	simm.s32 @!p0 $0x1082;
	s9 =	sld [smem:$0x3FA3]  }
0x2f: {  	lr =	sadd.s32 s0, s3;
	s0 =	sld [smem:$0x3F9A]  }
0x30: {  	s3 =	sld [smem:$0x3F9D]  }
0x31: {  	[smem:$0x3FA6] =	sst s10  }
0x32: {  	s10 =	sld [smem:$0x3FA4];
	_ =	sdelay $0x3  }
0x33: {  	p0 =	seq.s32 s10, $0x1;
	s10 =	sld [smem:$0x3FA6];
	_ =	sdelay $0x3  }
0x34: {  	[smem:$0x3FA6] =	sst s10  }
0x35: {  	s10 =	sld [smem:$0x3FA5];
	_ =	sdelay $0x3  }
0x36: {  	p1 =	seq.s32 s10, $0x1;
	s10 =	sld [smem:$0x3FA6];
	_ =	sdelay $0x3  }
0x37: {  	[smem:$0x3FA6] =	sst s10  }
0x38: {  	s10 =	sld [smem:$0x3FA7]  }
0x39: {  	_ = 	snop;
	(pc) =	sbr.ind lr, $3  }
0x3a: {  	_ = 	snop  }
0x3b: {  	_ = 	snop  }
0x3c: {  	p2 =	seq.s32 s10, $0x1;
	s10 =	sld [smem:$0x3FA6]  }
0x3d: {  	_ =	shalt  }
0x3e: {  	_ =	shalt  }
0x3f: {  	_ =	shalt  }
0x40: {  	_ =	shalt  }
0x41: {  	_ =	shalt  }
0x42: {  	_ =	shalt  }
0x43: {  	_ =	shalt  }
0x44: {  	_ =	shalt  }
0x45: {  	_ =	shalt  }
0x46: {  	_ =	shalt  }
0x47: {  	_ =	shalt  }
0x48: {  	_ =	shalt  }
0x49: {  	_ =	shalt  }
0x4a: {  	_ =	shalt  }
0x4b: {  	_ =	shalt  }
0x4c: {  	_ =	shalt  }
0x4d: {  	_ =	shalt  }
0x4e: {  	_ =	shalt  }
0x4f: {  	_ =	shalt  }
0x50: {  	_ =	shalt  }
0x51: {  	_ =	shalt  }
0x52: {  	_ =	shalt  }
0x53: {  	_ =	shalt  }
0x54: {  	_ =	shalt  }
0x55: {  	_ =	shalt  }
0x56: {  	_ =	shalt  }
0x57: {  	_ =	shalt  }
0x58: {  	_ =	shalt  }
0x59: {  	_ =	shalt  }
0x5a: {  	_ =	shalt  }
0x5b: {  	_ =	shalt  }
0x5c: {  	_ =	shalt  }
0x5d: {  	_ =	shalt  }
0x5e: {  	_ =	shalt  }
0x5f: {  	_ =	shalt  }
0x60: {  	_ =	shalt  }
0x61: {  	_ =	shalt  }
0x62: {  	_ =	shalt  }
0x63: {  	_ =	shalt  }
0x64: {  	_ =	shalt  }
0x65: {  	_ =	shalt  }
0x66: {  	_ =	shalt  }
0x67: {  	_ =	shalt  }
0x68: {  	_ =	shalt  }
0x69: {  	_ =	shalt  }
0x6a: {  	_ =	shalt  }
0x6b: {  	_ =	shalt  }
0x6c: {  	_ =	shalt  }
0x6d: {  	_ =	shalt  }
0x6e: {  	_ =	shalt  }
0x6f: {  	_ =	shalt  }
0x70: {  	_ =	shalt  }
0x71: {  	_ =	shalt  }
0x72: {  	_ =	shalt  }
0x73: {  	_ =	shalt  }
0x74: {  	_ =	shalt  }
0x75: {  	_ =	shalt  }
0x76: {  	_ =	shalt  }
0x77: {  	_ =	shalt  }
0x78: {  	_ =	shalt  }
0x79: {  	_ =	shalt  }
0x7a: {  	_ =	shalt  }
0x7b: {  	_ =	shalt  }
0x7c: {  	_ =	shalt  }
0x7d: {  	_ =	shalt  }
0x7e: {  	_ =	shalt  }
0x7f: {  	_ =	shalt  }
0x80: {  	_ =	shalt  }
0x81: {  	_ =	shalt  }
0x82: {  	_ =	shalt  }
0x83: {  	_ =	shalt  }
0x84: {  	_ =	shalt  }
0x85: {  	_ =	shalt  }
0x86: {  	_ =	shalt  }
0x87: {  	_ =	shalt  }
.Lfunc_end0:
.L_simem_size_0:
called_computation.2_lowered:
.L_overlay_start_0:
0x88: {  	s2 =	sld [smem:$0x3FD9]  }
0x89: {  	s3 =	sld [smem:$0x3FFE];
	_ =	sdelay $0x1  }
0x8a: {  	s1 =	srdreg.scid  }
0x8b: {  	s0 =	sand.u32 $0x1, s1  }
0x8c: {  	s16 =	sshll.u32 s0, $0xA;
	s2 =	sadd.s32 s3, s2  }
0x8d: {  	s2 =	sadd.s32 s2, s16  }
0x8e: {  	[smem:$0x3FB2] =	sst s2  }
0x8f: {  	_ = 	snop  }
0x90: {  	(tm) =	ssettm $0x1  }
0x91: {  	s17 =	sld [smem:$0x3FFB];
	_ =	sdelay $0x3  }
0x92: {  	_ =	strace s17  }
0x93: {  	s2 =	sld [smem:$0x3FFC];
	_ =	sdelay $0x3  }
0x94: {  	_ =	strace s2  }
0x95: {  	s2 =	sld [smem:$0x3FFD];
	_ =	sdelay $0x3  }
0x96: {  	_ =	strace s2  }
0x97: {  	_ =	strace $0x8FFFFFFF  }
0x98: {  	s18 =	sld [smem:$0x3FDB];
	_ =	sdelay $0x1  }
0x99: {  	s19 =	simm.s32 $_scs_section_size  }
0x9a: {  	s4 =	simm.s32 $_size__tile_overlayer_lowered;
	s5 =	simm.s32 $_tile_overlayer_lowered  }
0x9b: {  	s22 =	simm.s32 $0x1BFF;
	s21 =	sshll.u32 s5, $0x1;
	s2 =	sadd.s32 s19, s18  }
0x9c: {  	s6 =	simm.s32 $0x0;
	s20 =	sshll.u32 s4, $0x1;
	s4 =	sadd.s32 s21, s2  }
0x9d: {  	[timem:s6], [sflag:s22] =	dma.local [hbm:s4], s20  }
0x9e: {  	_ =	swait.ge [sflag:s22], s20  }
0x9f: {  	s3 =	ssub.s32 $0x0, s20;
	[sflag:s22] =	ssyncset.done $0x0  }
0xa0: {  	[sflag:s22] =	ssyncadd.s32 s3;
	_ =	sdelay $0x1  }
0xa1: {  	s23 =	simm.s32 $0x1B8B  }
0xa2: {  	_ =	swait.ge [sflag:s23], $0x1  }
0xa3: {  	[sflag:s23] =	ssyncset.done $0x0  }
0xa4: {  	s25 =	simm.s32 $0x1B8E;
	s24 =	sld [smem:$0x3FFE];
	[sflag:s23] =	ssyncadd.s32 $0xFFFFFFFF  }
0xa5: {  	s26 =	simm.s32 $execute0_lowered;
	[smem:$0x3FD2] =	sst s25  }
0xa6: {  	s4 =	sshll.u32 s26, $0x1;
	_ =	strace $0x8000004C;
	[dreg:$0x1] =	wrdreg $0xFFFFFFFF  }
0xa7: {  	s28 =	simm.s32 $_size_execute0_lowered;
	s2 =	sadd.s32 s2, s4;
	[dreg:$0x0] =	wrdreg $0x0  }
0xa8: {  	s4 =	sshll.u32 s28, $0x1;
	[dreg:$0x2] =	wrdreg s2  }
0xa9: {  	[dreg:$0x3] =	wrdreg s4  }
0xaa: {  	[dreg:$0x4] =	wrdreg $0xC0  }
0xab: {  	_ =	task [dreg:s6], $0x5FFFF  }
0xac: {  	[dreg:$0x1] =	wrdreg $0xFFFFFFFF  }
0xad: {  	[dreg:$0x0] =	wrdreg $0x60  }
0xae: {  	[dreg:$0x2] =	wrdreg s24  }
0xaf: {  	[dreg:$0x3] =	wrdreg $0x82000  }
0xb0: {  	[dreg:$0x4] =	wrdreg $0x9  }
0xb1: {  	_ =	task.clear_ibuf [dreg:s6], $0x5FFFF;
	_ =	strace $0x9000004C  }
0xb2: {  	s29 =	simm.s32 $0x9;
	_ =	strace $0x8000004E  }
0xb3: {  	_ =	swait.ge [sflag:s29], $0x1  }
0xb4: {  	[sflag:s29] =	ssyncadd.s32 $0xFFFFFFFF  }
0xb5: {  	_ =	strace $0x9000004E  }
0xb6: {  	_ =	sfence  }
0xb7: {  	s30 =	sld [smem:$0x0];
	_ =	sdelay $0x2  }
0xb8: {  	s31 =	sshll.u32 s1, $0xD;
	s1 =	sshrl.u32 s1, $0x2  }
0xb9: {  	s3 =	sand.u32 $0x4000, s31;
	s1 =	sadd.s32 s1, s30  }
0xba: {  	s0 =	sor.u32 s3, s0;
	s1 =	sshll.u32 s1, $0x11  }
0xbb: {  	s0 =	sor.u32 s1, s0  }
0xbc: {  	s0 =	sadd.s32 $0x8F2B, s0  }
0xbd: {  	[sflag:s0] =	ssyncadd.remote.s32 $0x1  }
0xbe: {  	_ =	sfence.sel $0xFFFF  }
0xbf: {  	[dreg:$0x0] =	wrdreg $0xFFFFFFFF;
	(pc) =	sbr.abs _section_cstart, $3  }
0xc0: {  	[dreg:$0x1] =	wrdreg $0xFFFFFFFF  }
0xc1: {  	_ =	task.clear_ibuf [dreg:s6], $0x2FFFF;
	_ =	strace $0x9FFFFFFF  }
0xc2: {  	(tm) =	ssettm $0x7FFFFFFF  }
0xc3: {  	_ =	shalt  }
tec
execute0_lowered:
.L_overlay_start_1:
0x0: {  	(tag) =	ssettag $0x1  }
0x1: {  	s6 =	rddreg [dreg:$0x0]  }
0x2: {  	s2 =	rddreg [dreg:$0x1];
	s0 =	stileid.u32;
	s3 =	simm.s32 $0x0  }
0x3: {  	s4 =	srdreg.scid;
	s15 =	simm.s32 $0x100;
	s16 =	simm.s32 $0x1  }
0x4: {  	s17 =	simm.s32 $0x80;
	s19 =	simm.s32 $0x4200;
	s5 =	smul.u32 $0x26, s0  }
0x5: {  	s20 =	simm.s32 $0x5;
	s7 =	sand.u32 $0x1, s4;
	s4 =	smul.u32 $0x78, s0  }
0x6: {  	s21 =	simm.s32 $0x6;
	s22 =	simm.s32 $0x0;
	s9 =	smul.u32 $0x13C00, s0  }
0x7: {  	[smem:$0x7FF] =	sst s3;
	s10 =	smul.u32 $0x4F000, s0;
	s31 =	sshll.u32 s0, $0x6  }
0x8: {  	p0 =	seq.s32 s7, $0x0;
	s8 =	smul.u32 $0x13C000, s7;
	s7 =	ssub.s32 $0x2, s7  }
0x9: {  	_ =	strace $0x8000004D;
	s5 =	sadd.s32 $0x780, s5;
	s29 =	sshrl.u32 s7, $0x1  }
0xa: {  	s30 =	sshrl.u32 s10, $0x2;
	s5 =	smov.u32 @p0 s4;
	s4 =	sadd.s32 $0x1CC00, s6  }
0xb: {  	s28 =	sadd.s32 s9, s8;
	s13 =	ssub.s32 s7, s29;
	s5 =	sshll.u32 s5, $0x5  }
0xc: {  	s14 =	sadd.s32 s30, s2;
	s8 =	sshrl.u32 s28, $0x3;
	s12 =	sadd.s32 s5, s6  }
0xd: {  	s5 =	sadd.s32 $0x1A400, s6;
	s11 =	sadd.s32 s8, s6;
	s6 =	simm.s32 $0x78  }
0xe: {  	s7 =	sor.u32 $0x1C07, s31;
	s6 =	simm.s32 @!p0 $0x26;
	s8 =	sadd.s32 $0x6600, s12  }
0xf: {  	s9 =	sadd.s32 $0x6620, s12;
	s10 =	sadd.s32 $0x43E00, s11;
	s11 =	smax.u32 s13, $0x1  }
0x10: {  	s12 =	sadd.s32 $0x6640, s12;
	s13 =	sshrl.u32 s14, $0x3;
	s14 =	simm.s32 $0x7  }
.LBB2_1:
0x11: {  	[spmem:s13], [sflag:s7] =	dma.local [hbm:s5], $0x2780  }
0x12: {  	_ =	swait.ge [sflag:s14], $0x2780  }
0x13: {  	[sflag:s14] =	ssyncset.done $0x0  }
0x14: {  	[sflag:s14] =	ssyncadd.s32 $0xFFFFD880  }
0x15: {  	[tilespmem:s3], [sflag:$0x1] =	stream.linear.gather [hbm4b:s8+s3], $0x100, $0x38;
	[tilespmem:$0x1BE00] =	vst v63  }
0x16: {  	_ = 	snop  }
0x17: {  	[tilespmem:s15], [sflag:$0x2] =	stream.linear.gather [hbm4b:s9+s3], $0x100, $0x38;
	[tilespmem:$0x1BE00] =	vst v63  }
0x18: {  	[bflag:$0x0] =	sbarrier.arrive $0xFFFF  }
0x19: {  	_ =	swait.ge [sflag:s16], $0x100  }
0x1a: {  	[sflag:s16] =	ssyncset.done $0x0  }
0x1b: {  	s0 =	simm.s32 $0x200;
	s23 =	simm.s32 $0x2;
	[sflag:s16] =	ssyncadd.s32 $0xFFFFFF00  }
0x1c: {  	[tilespmem:s0], [sflag:$0x3] =	stream.indirect.gather [hbm4b:s4+s17], $0x80, s3, s17, $0xb8;
	[tilespmem:$0x1BE00] =	vst v63  }
0x1d: {  	_ =	swait.ge [sflag:s23], $0x100  }
0x1e: {  	p1 =	sle.u32 s6, $0x0;
	[sflag:s23] =	ssyncset.done $0x0  }
0x1f: {  	[sflag:s23] =	ssyncadd.s32 $0xFFFFFF00;
	s23 =	simm.s32 @!p1 $0x3  }
0x20: {  	[tilespmem:s19], [sflag:$0x4] =	stream.indirect.gather [hbm4b:s4+s17], $0x80, s15, s17, $0xb8;
	[tilespmem:$0x1BE00] =	vst v63  }
0x21: {  	_ =	swait.ge @!p1 [sflag:s23], $0x4000  }
0x22: {  	s24 =	simm.s32 @!p1 $0x4;
	[sflag:s23] =	ssyncset.done @!p1 $0x0  }
0x23: {  	s25 =	simm.s32 @!p1 $0x80;
	s26 =	simm.s32 @!p1 $0x200;
	[sflag:s23] =	ssyncadd.s32 @!p1 $0xFFFFC000  }
0x24: {  	[spmem:s2] =	stream.indirect.scatter.add.f32 @!p1 [tilespmem:s26], [sflag:$0x5], $0x80, s25, s25, $0xb8;
	[tilespmem:$0x1BE00] =	vst v63  }
0x25: {  	p0 =	sle.u32 @!p1 s6, $0x2;
	_ =	swait.ge @!p1 [sflag:s24], $0x4000  }
0x26: {  	p0 =	por p0, p1;
	s23 =	simm.s32 @!p1 $0x4200;
	[sflag:s24] =	ssyncset.done @!p1 $0x0  }
0x27: {  	s26 =	simm.s32 @!p1 $0x180;
	[sflag:s24] =	ssyncadd.s32 @!p1 $0xFFFFC000;
	s24 =	simm.s32 @!p0 $0x5  }
0x28: {  	[spmem:s2] =	stream.indirect.scatter.add.f32 @!p1 [tilespmem:s23], [sflag:$0x6], $0x80, s26, s25, $0xb8;
	[tilespmem:$0x1BE00] =	vst v63  }
0x29: {  	_ =	swait.ge @!p0 [sflag:s24], $0x4000  }
0x2a: {  	[sflag:s24] =	ssyncset.done @!p0 $0x0  }
0x2b: {  	s23 =	simm.s32 @!p0 $0x0;
	[sflag:s24] =	ssyncadd.s32 @!p0 $0xFFFFC000;
	s24 =	simm.s32 @!p0 $0x6  }
0x2c: {  	[tilespmem:s23], [sflag:$0x1] =	stream.linear.gather @!p0 [hbm4b:s12+s23], $0x100, $0x38;
	[tilespmem:$0x1BE00] =	vst v63  }
0x2d: {  	_ =	swait.ge @!p0 [sflag:s24], $0x4000  }
0x2e: {  	s28 =	simm.s32 @!p0 $0x100;
	[sflag:s24] =	ssyncset.done @!p0 $0x0  }
0x2f: {  	s25 =	sadd.s32 @!p0 $0x20, s12;
	s26 =	simm.s32 @!p0 $0x1;
	[sflag:s24] =	ssyncadd.s32 @!p0 $0xFFFFC000  }
0x30: {  	[tilespmem:s28], [sflag:$0x2] =	stream.linear.gather @!p0 [hbm4b:s25+s23], $0x100, $0x38;
	[tilespmem:$0x1BE00] =	vst v63  }
0x31: {  	p2 =	sle.u32 s6, $0x2;
	s29 =	simm.s32 @!p0 $0x80;
	_ =	swait.ge @!p0 [sflag:s26], $0x100  }
0x32: {  	s30 =	simm.s32 @!p0 $0x2;
	s24 =	simm.s32 $0x4;
	[sflag:s26] =	ssyncset.done @!p0 $0x0  }
0x33: {  	s25 =	simm.s32 @!p0 $0x200;
	[sflag:s26] =	ssyncadd.s32 @!p0 $0xFFFFFF00;
	s26 =	simm.s32 @!p0 $0x4200  }
0x34: {  	[tilespmem:s25], [sflag:$0x3] =	stream.indirect.gather @!p0 [hbm4b:s4+s29], $0x80, s23, s29, $0xb8;
	[tilespmem:$0x1BE00] =	vst v63  }
0x35: {  	s25 =	simm.s32 $0x6;
	s23 =	sadd.s32 $0x40, s12;
	_ =	swait.ge @!p0 [sflag:s30], $0x100  }
.LBB2_2:
0x36: {  	s31 =	simm.s32 @!p2 $0x3  }
0x37: {  	[sflag:s30] =	ssyncset.done @!p0 $0x0;
	s0 =	smov.u32 s25;
	s25 =	sadd.s32 $0x2, s25  }
0x38: {  	p1 =	sne.s32 s25, $0x7A;
	[sflag:s30] =	ssyncadd.s32 @!p0 $0xFFFFFF00  }
0x39: {  	[tilespmem:s26], [sflag:$0x4] =	stream.indirect.gather @!p0 [hbm4b:s4+s29], $0x80, s28, s29, $0xb8;
	[tilespmem:$0x1BE00] =	vst v63  }
0x3a: {  	s26 =	simm.s32 @!p2 $0x4;
	_ =	swait.ge @!p2 [sflag:s31], $0x4000  }
0x3b: {  	s28 =	simm.s32 @!p2 $0x80;
	s29 =	simm.s32 @!p2 $0x200;
	[sflag:s31] =	ssyncset.done @!p2 $0x0  }
0x3c: {  	[sflag:s31] =	ssyncadd.s32 @!p2 $0xFFFFC000  }
0x3d: {  	[spmem:s2] =	stream.indirect.scatter.add.f32 @!p2 [tilespmem:s29], [sflag:$0x5], $0x80, s28, s28, $0xb8;
	[tilespmem:$0x1BE00] =	vst v63  }
0x3e: {  	p0 =	sge.u32 @!p2 s24, s6;
	s29 =	simm.s32 @!p2 $0x4200;
	_ =	swait.ge @!p2 [sflag:s26], $0x4000  }
0x3f: {  	s24 =	simm.s32 @!p2 $0x180;
	p0 =	por p0, p2;
	[sflag:s26] =	ssyncset.done @!p2 $0x0  }
0x40: {  	s30 =	simm.s32 @!p0 $0x5;
	[sflag:s26] =	ssyncadd.s32 @!p2 $0xFFFFC000;
	s26 =	simm.s32 @!p0 $0x4200  }
0x41: {  	[spmem:s2] =	stream.indirect.scatter.add.f32 @!p2 [tilespmem:s29], [sflag:$0x6], $0x80, s24, s28, $0xb8;
	[tilespmem:$0x1BE00] =	vst v63  }
0x42: {  	s24 =	smov.u32 s0;
	_ =	swait.ge @!p0 [sflag:s30], $0x4000  }
0x43: {  	s0 =	simm.s32 @!p0 $0x0;
	[sflag:s30] =	ssyncset.done @!p0 $0x0  }
0x44: {  	s29 =	simm.s32 @!p0 $0x6;
	[sflag:s30] =	ssyncadd.s32 @!p0 $0xFFFFC000  }
0x45: {  	[tilespmem:s0], [sflag:$0x1] =	stream.linear.gather @!p0 [hbm4b:s23+s0], $0x100, $0x38;
	[tilespmem:$0x1BE00] =	vst v63  }
0x46: {  	_ =	swait.ge @!p0 [sflag:s29], $0x4000  }
0x47: {  	s28 =	simm.s32 @!p0 $0x100;
	s30 =	sadd.s32 @!p0 $0x20, s23;
	[sflag:s29] =	ssyncset.done @!p0 $0x0  }
0x48: {  	s31 =	simm.s32 @!p0 $0x1;
	[sflag:s29] =	ssyncadd.s32 @!p0 $0xFFFFC000  }
0x49: {  	[tilespmem:s28], [sflag:$0x2] =	stream.linear.gather @!p0 [hbm4b:s30+s0], $0x100, $0x38;
	[tilespmem:$0x1BE00] =	vst v63  }
.Ltmp0:
0x4a: {  	_ =	swait.ge @!p0 [sflag:s31], $0x100;
	(pc) =	sbr.rel @p1 .LBB2_2-.Ltmp0, $4  }
0x4b: {  	s1 =	simm.s32 @!p0 $0x200;
	s29 =	simm.s32 @!p0 $0x80;
	[sflag:s31] =	ssyncset.done @!p0 $0x0  }
0x4c: {  	s18 =	sadd.s32 $0xFFFFFFFE, s24;
	s30 =	simm.s32 @!p0 $0x2;
	[sflag:s31] =	ssyncadd.s32 @!p0 $0xFFFFFF00  }
0x4d: {  	[tilespmem:s1], [sflag:$0x3] =	stream.indirect.gather @!p0 [hbm4b:s4+s29], $0x80, s0, s29, $0xb8;
	[tilespmem:$0x1BE00] =	vst v63  }
0x4e: {  	p2 =	sge.u32 s18, s6;
	s23 =	sadd.s32 $0x40, s23;
	_ =	swait.ge @!p0 [sflag:s30], $0x100  }
0x4f: {  	[sflag:s30] =	ssyncset.done @!p0 $0x0  }
0x50: {  	s0 =	simm.s32 @!p2 $0x3;
	[sflag:s30] =	ssyncadd.s32 @!p0 $0xFFFFFF00  }
0x51: {  	[tilespmem:s26], [sflag:$0x4] =	stream.indirect.gather @!p0 [hbm4b:s4+s29], $0x80, s28, s29, $0xb8;
	[tilespmem:$0x1BE00] =	vst v63  }
0x52: {  	_ =	swait.ge @!p2 [sflag:s0], $0x4000  }
0x53: {  	s1 =	simm.s32 @!p2 $0x4;
	[sflag:s0] =	ssyncset.done @!p2 $0x0  }
0x54: {  	s18 =	simm.s32 @!p2 $0x80;
	s25 =	simm.s32 @!p2 $0x200;
	[sflag:s0] =	ssyncadd.s32 @!p2 $0xFFFFC000  }
0x55: {  	[spmem:s2] =	stream.indirect.scatter.add.f32 @!p2 [tilespmem:s25], [sflag:$0x5], $0x80, s18, s18, $0xb8;
	[tilespmem:$0x1BE00] =	vst v63  }
0x56: {  	p0 =	sge.u32 @!p2 s24, s6;
	_ =	swait.ge @!p2 [sflag:s1], $0x4000  }
0x57: {  	s24 =	simm.s32 @!p2 $0x180;
	p0 =	por p0, p2;
	[sflag:s1] =	ssyncset.done @!p2 $0x0  }
0x58: {  	s0 =	simm.s32 @!p2 $0x4200;
	[sflag:s1] =	ssyncadd.s32 @!p2 $0xFFFFC000;
	s1 =	simm.s32 @!p0 $0x5  }
0x59: {  	[spmem:s2] =	stream.indirect.scatter.add.f32 @!p2 [tilespmem:s0], [sflag:$0x6], $0x80, s24, s18, $0xb8;
	[tilespmem:$0x1BE00] =	vst v63  }
0x5a: {  	_ =	swait.ge @!p0 [sflag:s1], $0x4000  }
0x5b: {  	[sflag:s1] =	ssyncset.done @!p0 $0x0  }
0x5c: {  	s0 =	simm.s32 @!p0 $0x0;
	[sflag:s1] =	ssyncadd.s32 @!p0 $0xFFFFC000;
	s1 =	simm.s32 @!p0 $0x6  }
0x5d: {  	[tilespmem:s0], [sflag:$0x1] =	stream.linear.gather @!p0 [hbm4b:s23+s0], $0x100, $0x38;
	[tilespmem:$0x1BE00] =	vst v63  }
0x5e: {  	_ =	swait.ge @!p0 [sflag:s1], $0x4000  }
0x5f: {  	s18 =	sadd.s32 @!p0 $0x20, s23;
	[sflag:s1] =	ssyncset.done @!p0 $0x0  }
0x60: {  	s23 =	simm.s32 @!p0 $0x100;
	[sflag:s1] =	ssyncadd.s32 @!p0 $0xFFFFC000;
	s1 =	simm.s32 @!p0 $0x1  }
0x61: {  	[tilespmem:s23], [sflag:$0x2] =	stream.linear.gather @!p0 [hbm4b:s18+s0], $0x100, $0x38;
	[tilespmem:$0x1BE00] =	vst v63  }
0x62: {  	_ =	swait.ge @!p0 [sflag:s1], $0x100  }
0x63: {  	s24 =	simm.s32 @!p0 $0x200;
	[sflag:s1] =	ssyncset.done @!p0 $0x0  }
0x64: {  	s18 =	simm.s32 @!p0 $0x80;
	[sflag:s1] =	ssyncadd.s32 @!p0 $0xFFFFFF00;
	s1 =	simm.s32 @!p0 $0x2  }
0x65: {  	[tilespmem:s24], [sflag:$0x3] =	stream.indirect.gather @!p0 [hbm4b:s4+s18], $0x80, s0, s18, $0xb8;
	[tilespmem:$0x1BE00] =	vst v63  }
0x66: {  	_ =	swait.ge @!p0 [sflag:s1], $0x100  }
0x67: {  	[sflag:s1] =	ssyncset.done @!p0 $0x0  }
0x68: {  	s0 =	simm.s32 @!p0 $0x4200;
	[sflag:s1] =	ssyncadd.s32 @!p0 $0xFFFFFF00  }
0x69: {  	[tilespmem:s0], [sflag:$0x4] =	stream.indirect.gather @!p0 [hbm4b:s4+s18], $0x80, s23, s18, $0xb8;
	[tilespmem:$0x1BE00] =	vst v63  }
0x6a: {  	_ =	swait.ge [sflag:s20], $0x4000  }
0x6b: {  	[sflag:s20] =	ssyncset.done $0x0  }
0x6c: {  	[sflag:s20] =	ssyncadd.s32 $0xFFFFC000  }
0x6d: {  	_ =	swait.ge [sflag:s21], $0x4000  }
0x6e: {  	s22 =	sadd.s32 $0x1, s22;
	[sflag:s21] =	ssyncset.done $0x0  }
0x6f: {  	p0 =	sne.s32 s22, s11;
	[sflag:s21] =	ssyncadd.s32 $0xFFFFC000  }
.Ltmp1:
0x70: {  	[bflag:$0x0] =	sbarrier.arrive $0xFFFF;
	(pc) =	sbr.rel @p0 .LBB2_1-.Ltmp1, $4  }
0x71: {  	[hbm:s10], [sflag:s7] =	dma.local [spmem:s13], $0x2780  }
0x72: {  	_ =	swait.ge [sflag:s14], $0x2780  }
0x73: {  	[sflag:s14] =	ssyncset.done $0x0  }
0x74: {  	[sflag:s14] =	ssyncadd.s32 $0xFFFFD880  }
0x75: {  	_ =	sfence.sel $0x180000  }
0x76: {  	[bflag:$0x0] =	sbarrier.arrive $0xFFFF  }
0x77: {  	_ =	strace $0x9000004D  }
0x78: {  	s0 =	stileid.u32;
	[bflag:$0x2] =	sbarrier.arrive $0xFFFF  }
0x79: {  	p0 =	sne.s32 s0, $0x0;
	s0 =	rddreg [dreg:$0x2]  }
0x7a: {  	s0 =	sadd.s32 @!p0 $0x100000, s0  }
0x7b: {  	[sflag:s0] =	ssyncadd.tile.s32 @!p0 $0x1;
	_ =	shalt  }
.Lfunc_end2:
_tile_overlayer_lowered:
.L_overlay_start_2:
0x7c: {  	(tag) =	ssettag $0x2  }
0x7d: {  	s0 =	rddreg [dreg:$0x0];
	s2 =	stileid.u32  }
0x7e: {  	s1 =	rddreg [dreg:$0x1];
	p0 =	sne.s32 s2, $0x0  }
0x7f: {  	s3 =	rddreg [dreg:$0x2];
	[bflag:$0x3] =	sbarrier.arrive $0xFFFF;
	s2 =	simm.s32 @!p0 $0x1C07  }
0x80: {  	[timem:s3], [sflag:s2] =	dma.local @!p0 [hbm:s0], s1  }
0x81: {  	s0 =	simm.s32 @!p0 $0x7  }
0x82: {  	_ =	swait.ge @!p0 [sflag:s0], s1  }
0x83: {  	s1 =	ssub.s32 @!p0 $0x0, s1;
	[sflag:s0] =	ssyncset.done @!p0 $0x0  }
0x84: {  	[sflag:s0] =	ssyncadd.s32 @!p0 s1  }
0x85: {  	[bflag:$0x3] =	sbarrier.arrive $0xFFFF  }
0x86: {  	_ =	shalt  }

// kernel: kernel.21.cloned.1.call-start
scs
__scs_entry_jumppad:
0x0: {  	(pc) =	sbr.rel $0x88, $3  }
0x1: {  	(tag) =	ssettag $0x0;
	lr =	simm.s32 $0x1  }
0x2: {  	[smem:$0x3F8B] =	sst lr;
	_ =	strace $0xD0000000  }
0x3: {  	_ = 	snop  }
0x4: {  	_ = 	snop  }
0x5: {  	_ = 	snop  }
0x6: {  	_ = 	snop  }
0x7: {  	_ = 	snop  }
__scs_overlays_trampoline_lowered:
0x8: {  	[smem:$0x3F9A] =	sst s0  }
0x9: {  	[smem:$0x3F9B] =	sst s1  }
0xa: {  	[smem:$0x3F9C] =	sst s2  }
0xb: {  	[smem:$0x3F9D] =	sst s3  }
0xc: {  	[smem:$0x3F9E] =	sst s4  }
0xd: {  	[smem:$0x3F9F] =	sst s5  }
0xe: {  	[smem:$0x3FA0] =	sst s6  }
0xf: {  	[smem:$0x3FA1] =	sst s7  }
0x10: {  	[smem:$0x3FA2] =	sst s8  }
0x11: {  	[smem:$0x3FA3] =	sst s9;
	s0 =	simm.s32 @!p0 $0x0  }
0x12: {  	s1 =	sld [smem:$0x3F89];
	s0 =	simm.s32 @p0 $0x1  }
0x13: {  	[smem:$0x3FA4] =	sst s0;
	s0 =	simm.s32 @!p1 $0x0  }
0x14: {  	s2 =	sld [smem:$0x3F88];
	s0 =	simm.s32 @p1 $0x1  }
0x15: {  	[smem:$0x3FA5] =	sst s0;
	s0 =	simm.s32 @!p2 $0x0  }
0x16: {  	s3 =	sld [smem:$0x3FDB];
	s0 =	simm.s32 @p2 $0x1  }
0x17: {  	s4 =	simm.s32 $0x1BF5;
	[smem:$0x3FA7] =	sst s0  }
0x18: {  	s0 =	sld [smem:$0x3F8A];
	_ =	swait.ge [sflag:s4], $0x0  }
0x19: {  	s7 =	sld [smem:$0x3F8B]  }
0x1a: {  	s8 =	sadd.s32 $0xFFFFE003, lr  }
0x1b: {  	s9 =	sadd.s32 $0xFFFFFEF7, lr;
	s5 =	simm.s32 $0xFFFFFFFF;
	p2 =	slt.u32 s8, $0xFFFFF086  }
0x1c: {  	p1 =	slt.u32 s9, $0xF7A;
	s5 =	simm.s32 @!p2 $0x0  }
0x1d: {  	s5 =	simm.s32 @p1 $0x1;
	p0 =	seq.s32 s7, s2  }
0x1e: {  	s7 =	smul.u32 @!p0 $0xF7A, s2;
	p2 =	seq.s32 @!p0 s5, $0x0  }
0x1f: {  	s9 =	smul.u32 $0xF7A, s1;
	s8 =	simm.s32 @!p0 $0x1BF5;
	p2 =	por !p2, p0  }
0x20: {  	[sflag:s8] =	ssyncset.s32 @!p0 $0xFFFFF086;
	s6 =	sadd.s32 @!p0 s3, s7;
	s7 =	simm.s32 @!p0 $0x108  }
0x21: {  	s3 =	sadd.s32 s3, s9;
	s6 =	sadd.s32 @!p0 $0x88, s6;
	s7 =	simm.s32 @p2 $0x1082  }
0x22: {  	[simem:s7], [sflag:s8] =	dma.local @!p0 [hbm:s6], $0xF7A  }
0x23: {  	s9 =	sor.u32 $0xD0000000, s2;
	s6 =	simm.s32 $0x108;
	_ =	swait.ge @!p0 [sflag:s8], $0x0  }
0x24: {  	s3 =	sadd.s32 $0x88, s3;
	s6 =	simm.s32 @!p1 $0x1082;
	[sflag:s4] =	ssyncset.s32 $0xFFFFF086  }
0x25: {  	[simem:s6], [sflag:s4] =	dma.local [hbm:s3], $0xF7A  }
0x26: {  	[smem:$0x3F8B] =	sst s1;
	(tag) =	ssettag s2;
	_ =	strace s9  }
0x27: {  	s1 =	sld [smem:$0x3F9B]  }
0x28: {  	s2 =	sld [smem:$0x3F9C]  }
0x29: {  	s4 =	sld [smem:$0x3F9E]  }
0x2a: {  	p0 =	seq.s32 s5, $0x0;
	s5 =	sld [smem:$0x3F9F]  }
0x2b: {  	s6 =	sld [smem:$0x3FA0]  }
0x2c: {  	s7 =	sld [smem:$0x3FA1]  }
0x2d: {  	s3 =	simm.s32 $0x108;
	s8 =	sld [smem:$0x3FA2]  }
0x2e: {  	s3 =	simm.s32 @!p0 $0x1082;
	s9 =	sld [smem:$0x3FA3]  }
0x2f: {  	lr =	sadd.s32 s0, s3;
	s0 =	sld [smem:$0x3F9A]  }
0x30: {  	s3 =	sld [smem:$0x3F9D]  }
0x31: {  	[smem:$0x3FA6] =	sst s10  }
0x32: {  	s10 =	sld [smem:$0x3FA4];
	_ =	sdelay $0x3  }
0x33: {  	p0 =	seq.s32 s10, $0x1;
	s10 =	sld [smem:$0x3FA6];
	_ =	sdelay $0x3  }
0x34: {  	[smem:$0x3FA6] =	sst s10  }
0x35: {  	s10 =	sld [smem:$0x3FA5];
	_ =	sdelay $0x3  }
0x36: {  	p1 =	seq.s32 s10, $0x1;
	s10 =	sld [smem:$0x3FA6];
	_ =	sdelay $0x3  }
0x37: {  	[smem:$0x3FA6] =	sst s10  }
0x38: {  	s10 =	sld [smem:$0x3FA7]  }
0x39: {  	_ = 	snop;
	(pc) =	sbr.ind lr, $3  }
0x3a: {  	_ = 	snop  }
0x3b: {  	_ = 	snop  }
0x3c: {  	p2 =	seq.s32 s10, $0x1;
	s10 =	sld [smem:$0x3FA6]  }
0x3d: {  	_ =	shalt  }
0x3e: {  	_ =	shalt  }
0x3f: {  	_ =	shalt  }
0x40: {  	_ =	shalt  }
0x41: {  	_ =	shalt  }
0x42: {  	_ =	shalt  }
0x43: {  	_ =	shalt  }
0x44: {  	_ =	shalt  }
0x45: {  	_ =	shalt  }
0x46: {  	_ =	shalt  }
0x47: {  	_ =	shalt  }
0x48: {  	_ =	shalt  }
0x49: {  	_ =	shalt  }
0x4a: {  	_ =	shalt  }
0x4b: {  	_ =	shalt  }
0x4c: {  	_ =	shalt  }
0x4d: {  	_ =	shalt  }
0x4e: {  	_ =	shalt  }
0x4f: {  	_ =	shalt  }
0x50: {  	_ =	shalt  }
0x51: {  	_ =	shalt  }
0x52: {  	_ =	shalt  }
0x53: {  	_ =	shalt  }
0x54: {  	_ =	shalt  }
0x55: {  	_ =	shalt  }
0x56: {  	_ =	shalt  }
0x57: {  	_ =	shalt  }
0x58: {  	_ =	shalt  }
0x59: {  	_ =	shalt  }
0x5a: {  	_ =	shalt  }
0x5b: {  	_ =	shalt  }
0x5c: {  	_ =	shalt  }
0x5d: {  	_ =	shalt  }
0x5e: {  	_ =	shalt  }
0x5f: {  	_ =	shalt  }
0x60: {  	_ =	shalt  }
0x61: {  	_ =	shalt  }
0x62: {  	_ =	shalt  }
0x63: {  	_ =	shalt  }
0x64: {  	_ =	shalt  }
0x65: {  	_ =	shalt  }
0x66: {  	_ =	shalt  }
0x67: {  	_ =	shalt  }
0x68: {  	_ =	shalt  }
0x69: {  	_ =	shalt  }
0x6a: {  	_ =	shalt  }
0x6b: {  	_ =	shalt  }
0x6c: {  	_ =	shalt  }
0x6d: {  	_ =	shalt  }
0x6e: {  	_ =	shalt  }
0x6f: {  	_ =	shalt  }
0x70: {  	_ =	shalt  }
0x71: {  	_ =	shalt  }
0x72: {  	_ =	shalt  }
0x73: {  	_ =	shalt  }
0x74: {  	_ =	shalt  }
0x75: {  	_ =	shalt  }
0x76: {  	_ =	shalt  }
0x77: {  	_ =	shalt  }
0x78: {  	_ =	shalt  }
0x79: {  	_ =	shalt  }
0x7a: {  	_ =	shalt  }
0x7b: {  	_ =	shalt  }
0x7c: {  	_ =	shalt  }
0x7d: {  	_ =	shalt  }
0x7e: {  	_ =	shalt  }
0x7f: {  	_ =	shalt  }
0x80: {  	_ =	shalt  }
0x81: {  	_ =	shalt  }
0x82: {  	_ =	shalt  }
0x83: {  	_ =	shalt  }
0x84: {  	_ =	shalt  }
0x85: {  	_ =	shalt  }
0x86: {  	_ =	shalt  }
0x87: {  	_ =	shalt  }
.Lfunc_end0:
.L_simem_size_0:
called_computation.3_lowered:
.L_overlay_start_0:
0x88: {  	s2 =	sld [smem:$0x3FD9]  }
0x89: {  	s3 =	sld [smem:$0x3FFE];
	_ =	sdelay $0x1  }
0x8a: {  	s1 =	srdreg.scid  }
0x8b: {  	s0 =	sand.u32 $0x1, s1  }
0x8c: {  	s16 =	sshll.u32 s0, $0xA;
	s2 =	sadd.s32 s3, s2  }
0x8d: {  	s2 =	sadd.s32 s2, s16  }
0x8e: {  	[smem:$0x3FB2] =	sst s2  }
0x8f: {  	_ = 	snop  }
0x90: {  	(tm) =	ssettm $0x1  }
0x91: {  	s17 =	sld [smem:$0x3FFB];
	_ =	sdelay $0x3  }
0x92: {  	_ =	strace s17  }
0x93: {  	s2 =	sld [smem:$0x3FFC];
	_ =	sdelay $0x3  }
0x94: {  	_ =	strace s2  }
0x95: {  	s2 =	sld [smem:$0x3FFD];
	_ =	sdelay $0x3  }
0x96: {  	_ =	strace s2  }
0x97: {  	_ =	strace $0x8FFFFFFF  }
0x98: {  	s18 =	sld [smem:$0x3FDB];
	_ =	sdelay $0x1  }
0x99: {  	s19 =	simm.s32 $_scs_section_size  }
0x9a: {  	s4 =	simm.s32 $_size__tile_overlayer_lowered;
	s5 =	simm.s32 $_tile_overlayer_lowered  }
0x9b: {  	s22 =	simm.s32 $0x1BFF;
	s21 =	sshll.u32 s5, $0x1;
	s2 =	sadd.s32 s19, s18  }
0x9c: {  	s6 =	simm.s32 $0x0;
	s20 =	sshll.u32 s4, $0x1;
	s4 =	sadd.s32 s21, s2  }
0x9d: {  	[timem:s6], [sflag:s22] =	dma.local [hbm:s4], s20  }
0x9e: {  	_ =	swait.ge [sflag:s22], s20  }
0x9f: {  	s3 =	ssub.s32 $0x0, s20;
	[sflag:s22] =	ssyncset.done $0x0  }
0xa0: {  	[sflag:s22] =	ssyncadd.s32 s3;
	_ =	sdelay $0x1  }
0xa1: {  	s23 =	simm.s32 $0x1B8B  }
0xa2: {  	_ =	swait.ge [sflag:s23], $0x1  }
0xa3: {  	[sflag:s23] =	ssyncset.done $0x0  }
0xa4: {  	s25 =	simm.s32 $0x1B8E;
	s24 =	sld [smem:$0x3FFE];
	[sflag:s23] =	ssyncadd.s32 $0xFFFFFFFF  }
0xa5: {  	s26 =	simm.s32 $execute0_lowered;
	[smem:$0x3FD2] =	sst s25  }
0xa6: {  	s4 =	sshll.u32 s26, $0x1;
	_ =	strace $0x8000004F;
	[dreg:$0x1] =	wrdreg $0xFFFFFFFF  }
0xa7: {  	s28 =	simm.s32 $_size_execute0_lowered;
	s2 =	sadd.s32 s2, s4;
	[dreg:$0x0] =	wrdreg $0x0  }
0xa8: {  	s4 =	sshll.u32 s28, $0x1;
	[dreg:$0x2] =	wrdreg s2  }
0xa9: {  	[dreg:$0x3] =	wrdreg s4  }
0xaa: {  	[dreg:$0x4] =	wrdreg $0xC0  }
0xab: {  	_ =	task [dreg:s6], $0x5FFFF  }
0xac: {  	[dreg:$0x1] =	wrdreg $0xFFFFFFFF  }
0xad: {  	[dreg:$0x0] =	wrdreg $0x60  }
0xae: {  	[dreg:$0x2] =	wrdreg s24  }
0xaf: {  	[dreg:$0x3] =	wrdreg $0x82000  }
0xb0: {  	[dreg:$0x4] =	wrdreg $0x9  }
0xb1: {  	_ =	task.clear_ibuf [dreg:s6], $0x5FFFF;
	_ =	strace $0x9000004F  }
0xb2: {  	s29 =	simm.s32 $0x9;
	_ =	strace $0x80000051  }
0xb3: {  	_ =	swait.ge [sflag:s29], $0x1  }
0xb4: {  	[sflag:s29] =	ssyncadd.s32 $0xFFFFFFFF  }
0xb5: {  	_ =	strace $0x90000051  }
0xb6: {  	_ =	sfence  }
0xb7: {  	s30 =	sld [smem:$0x0];
	_ =	sdelay $0x2  }
0xb8: {  	s31 =	sshll.u32 s1, $0xD;
	s1 =	sshrl.u32 s1, $0x2  }
0xb9: {  	s3 =	sand.u32 $0x4000, s31;
	s1 =	sadd.s32 s1, s30  }
0xba: {  	s0 =	sor.u32 s3, s0;
	s1 =	sshll.u32 s1, $0x11  }
0xbb: {  	s0 =	sor.u32 s1, s0  }
0xbc: {  	s0 =	sadd.s32 $0x8F2B, s0  }
0xbd: {  	[sflag:s0] =	ssyncadd.remote.s32 $0x1  }
0xbe: {  	_ =	sfence.sel $0xFFFF  }
0xbf: {  	[dreg:$0x0] =	wrdreg $0xFFFFFFFF;
	(pc) =	sbr.abs _section_cstart, $3  }
0xc0: {  	[dreg:$0x1] =	wrdreg $0xFFFFFFFF  }
0xc1: {  	_ =	task.clear_ibuf [dreg:s6], $0x2FFFF;
	_ =	strace $0x9FFFFFFF  }
0xc2: {  	(tm) =	ssettm $0x7FFFFFFF  }
0xc3: {  	_ =	shalt  }
tec
execute0_lowered:
.L_overlay_start_1:
0x0: {  	(tag) =	ssettag $0x1  }
0x1: {  	s6 =	rddreg [dreg:$0x0]  }
0x2: {  	s2 =	rddreg [dreg:$0x1];
	s0 =	stileid.u32;
	s3 =	simm.s32 $0x0  }
0x3: {  	s4 =	srdreg.scid;
	s15 =	simm.s32 $0x100;
	s16 =	simm.s32 $0x1  }
0x4: {  	s17 =	simm.s32 $0x80;
	s19 =	simm.s32 $0x4200;
	s5 =	smul.u32 $0x26, s0  }
0x5: {  	s20 =	simm.s32 $0x5;
	s7 =	sand.u32 $0x1, s4;
	s4 =	smul.u32 $0x78, s0  }
0x6: {  	s21 =	simm.s32 $0x6;
	s22 =	simm.s32 $0x0;
	s9 =	smul.u32 $0x13C00, s0  }
0x7: {  	[smem:$0x7FF] =	sst s3;
	s10 =	smul.u32 $0x4F000, s0;
	s31 =	sshll.u32 s0, $0x6  }
0x8: {  	p0 =	seq.s32 s7, $0x0;
	s8 =	smul.u32 $0x13C000, s7;
	s7 =	ssub.s32 $0x2, s7  }
0x9: {  	_ =	strace $0x80000050;
	s5 =	sadd.s32 $0x780, s5;
	s29 =	sshrl.u32 s7, $0x1  }
0xa: {  	s30 =	sshrl.u32 s10, $0x2;
	s5 =	smov.u32 @p0 s4;
	s4 =	sadd.s32 $0x1CC00, s6  }
0xb: {  	s28 =	sadd.s32 s9, s8;
	s13 =	ssub.s32 s7, s29;
	s5 =	sshll.u32 s5, $0x5  }
0xc: {  	s14 =	sadd.s32 s30, s2;
	s8 =	sshrl.u32 s28, $0x3;
	s12 =	sadd.s32 s5, s6  }
0xd: {  	s5 =	sadd.s32 $0x1A400, s6;
	s11 =	sadd.s32 s8, s6;
	s6 =	simm.s32 $0x78  }
0xe: {  	s7 =	sor.u32 $0x1C07, s31;
	s6 =	simm.s32 @!p0 $0x26;
	s8 =	sadd.s32 $0x6600, s12  }
0xf: {  	s9 =	sadd.s32 $0x6620, s12;
	s10 =	sadd.s32 $0x43E00, s11;
	s11 =	smax.u32 s13, $0x1  }
0x10: {  	s12 =	sadd.s32 $0x6640, s12;
	s13 =	sshrl.u32 s14, $0x3;
	s14 =	simm.s32 $0x7  }
.LBB2_1:
0x11: {  	[spmem:s13], [sflag:s7] =	dma.local [hbm:s5], $0x2780  }
0x12: {  	_ =	swait.ge [sflag:s14], $0x2780  }
0x13: {  	[sflag:s14] =	ssyncset.done $0x0  }
0x14: {  	[sflag:s14] =	ssyncadd.s32 $0xFFFFD880  }
0x15: {  	[tilespmem:s3], [sflag:$0x1] =	stream.linear.gather [hbm4b:s8+s3], $0x100, $0x38;
	[tilespmem:$0x1BE00] =	vst v63  }
0x16: {  	_ = 	snop  }
0x17: {  	[tilespmem:s15], [sflag:$0x2] =	stream.linear.gather [hbm4b:s9+s3], $0x100, $0x38;
	[tilespmem:$0x1BE00] =	vst v63  }
0x18: {  	[bflag:$0x0] =	sbarrier.arrive $0xFFFF  }
0x19: {  	_ =	swait.ge [sflag:s16], $0x100  }
0x1a: {  	[sflag:s16] =	ssyncset.done $0x0  }
0x1b: {  	s0 =	simm.s32 $0x200;
	s23 =	simm.s32 $0x2;
	[sflag:s16] =	ssyncadd.s32 $0xFFFFFF00  }
0x1c: {  	[tilespmem:s0], [sflag:$0x3] =	stream.indirect.gather [hbm4b:s4+s17], $0x80, s3, s17, $0xb8;
	[tilespmem:$0x1BE00] =	vst v63  }
0x1d: {  	_ =	swait.ge [sflag:s23], $0x100  }
0x1e: {  	p1 =	sle.u32 s6, $0x0;
	[sflag:s23] =	ssyncset.done $0x0  }
0x1f: {  	[sflag:s23] =	ssyncadd.s32 $0xFFFFFF00;
	s23 =	simm.s32 @!p1 $0x3  }
0x20: {  	[tilespmem:s19], [sflag:$0x4] =	stream.indirect.gather [hbm4b:s4+s17], $0x80, s15, s17, $0xb8;
	[tilespmem:$0x1BE00] =	vst v63  }
0x21: {  	_ =	swait.ge @!p1 [sflag:s23], $0x4000  }
0x22: {  	s24 =	simm.s32 @!p1 $0x4;
	[sflag:s23] =	ssyncset.done @!p1 $0x0  }
0x23: {  	s25 =	simm.s32 @!p1 $0x80;
	s26 =	simm.s32 @!p1 $0x200;
	[sflag:s23] =	ssyncadd.s32 @!p1 $0xFFFFC000  }
0x24: {  	[spmem:s2] =	stream.indirect.scatter.add.f32 @!p1 [tilespmem:s26], [sflag:$0x5], $0x80, s25, s25, $0xb8;
	[tilespmem:$0x1BE00] =	vst v63  }
0x25: {  	p0 =	sle.u32 @!p1 s6, $0x2;
	_ =	swait.ge @!p1 [sflag:s24], $0x4000  }
0x26: {  	p0 =	por p0, p1;
	s23 =	simm.s32 @!p1 $0x4200;
	[sflag:s24] =	ssyncset.done @!p1 $0x0  }
0x27: {  	s26 =	simm.s32 @!p1 $0x180;
	[sflag:s24] =	ssyncadd.s32 @!p1 $0xFFFFC000;
	s24 =	simm.s32 @!p0 $0x5  }
0x28: {  	[spmem:s2] =	stream.indirect.scatter.add.f32 @!p1 [tilespmem:s23], [sflag:$0x6], $0x80, s26, s25, $0xb8;
	[tilespmem:$0x1BE00] =	vst v63  }
0x29: {  	_ =	swait.ge @!p0 [sflag:s24], $0x4000  }
0x2a: {  	[sflag:s24] =	ssyncset.done @!p0 $0x0  }
0x2b: {  	s23 =	simm.s32 @!p0 $0x0;
	[sflag:s24] =	ssyncadd.s32 @!p0 $0xFFFFC000;
	s24 =	simm.s32 @!p0 $0x6  }
0x2c: {  	[tilespmem:s23], [sflag:$0x1] =	stream.linear.gather @!p0 [hbm4b:s12+s23], $0x100, $0x38;
	[tilespmem:$0x1BE00] =	vst v63  }
0x2d: {  	_ =	swait.ge @!p0 [sflag:s24], $0x4000  }
0x2e: {  	s28 =	simm.s32 @!p0 $0x100;
	[sflag:s24] =	ssyncset.done @!p0 $0x0  }
0x2f: {  	s25 =	sadd.s32 @!p0 $0x20, s12;
	s26 =	simm.s32 @!p0 $0x1;
	[sflag:s24] =	ssyncadd.s32 @!p0 $0xFFFFC000  }
0x30: {  	[tilespmem:s28], [sflag:$0x2] =	stream.linear.gather @!p0 [hbm4b:s25+s23], $0x100, $0x38;
	[tilespmem:$0x1BE00] =	vst v63  }
0x31: {  	p2 =	sle.u32 s6, $0x2;
	s29 =	simm.s32 @!p0 $0x80;
	_ =	swait.ge @!p0 [sflag:s26], $0x100  }
0x32: {  	s30 =	simm.s32 @!p0 $0x2;
	s24 =	simm.s32 $0x4;
	[sflag:s26] =	ssyncset.done @!p0 $0x0  }
0x33: {  	s25 =	simm.s32 @!p0 $0x200;
	[sflag:s26] =	ssyncadd.s32 @!p0 $0xFFFFFF00;
	s26 =	simm.s32 @!p0 $0x4200  }
0x34: {  	[tilespmem:s25], [sflag:$0x3] =	stream.indirect.gather @!p0 [hbm4b:s4+s29], $0x80, s23, s29, $0xb8;
	[tilespmem:$0x1BE00] =	vst v63  }
0x35: {  	s25 =	simm.s32 $0x6;
	s23 =	sadd.s32 $0x40, s12;
	_ =	swait.ge @!p0 [sflag:s30], $0x100  }
.LBB2_2:
0x36: {  	s31 =	simm.s32 @!p2 $0x3  }
0x37: {  	[sflag:s30] =	ssyncset.done @!p0 $0x0;
	s0 =	smov.u32 s25;
	s25 =	sadd.s32 $0x2, s25  }
0x38: {  	p1 =	sne.s32 s25, $0x7A;
	[sflag:s30] =	ssyncadd.s32 @!p0 $0xFFFFFF00  }
0x39: {  	[tilespmem:s26], [sflag:$0x4] =	stream.indirect.gather @!p0 [hbm4b:s4+s29], $0x80, s28, s29, $0xb8;
	[tilespmem:$0x1BE00] =	vst v63  }
0x3a: {  	s26 =	simm.s32 @!p2 $0x4;
	_ =	swait.ge @!p2 [sflag:s31], $0x4000  }
0x3b: {  	s28 =	simm.s32 @!p2 $0x80;
	s29 =	simm.s32 @!p2 $0x200;
	[sflag:s31] =	ssyncset.done @!p2 $0x0  }
0x3c: {  	[sflag:s31] =	ssyncadd.s32 @!p2 $0xFFFFC000  }
0x3d: {  	[spmem:s2] =	stream.indirect.scatter.add.f32 @!p2 [tilespmem:s29], [sflag:$0x5], $0x80, s28, s28, $0xb8;
	[tilespmem:$0x1BE00] =	vst v63  }
0x3e: {  	p0 =	sge.u32 @!p2 s24, s6;
	s29 =	simm.s32 @!p2 $0x4200;
	_ =	swait.ge @!p2 [sflag:s26], $0x4000  }
0x3f: {  	s24 =	simm.s32 @!p2 $0x180;
	p0 =	por p0, p2;
	[sflag:s26] =	ssyncset.done @!p2 $0x0  }
0x40: {  	s30 =	simm.s32 @!p0 $0x5;
	[sflag:s26] =	ssyncadd.s32 @!p2 $0xFFFFC000;
	s26 =	simm.s32 @!p0 $0x4200  }
0x41: {  	[spmem:s2] =	stream.indirect.scatter.add.f32 @!p2 [tilespmem:s29], [sflag:$0x6], $0x80, s24, s28, $0xb8;
	[tilespmem:$0x1BE00] =	vst v63  }
0x42: {  	s24 =	smov.u32 s0;
	_ =	swait.ge @!p0 [sflag:s30], $0x4000  }
0x43: {  	s0 =	simm.s32 @!p0 $0x0;
	[sflag:s30] =	ssyncset.done @!p0 $0x0  }
0x44: {  	s29 =	simm.s32 @!p0 $0x6;
	[sflag:s30] =	ssyncadd.s32 @!p0 $0xFFFFC000  }
0x45: {  	[tilespmem:s0], [sflag:$0x1] =	stream.linear.gather @!p0 [hbm4b:s23+s0], $0x100, $0x38;
	[tilespmem:$0x1BE00] =	vst v63  }
0x46: {  	_ =	swait.ge @!p0 [sflag:s29], $0x4000  }
0x47: {  	s28 =	simm.s32 @!p0 $0x100;
	s30 =	sadd.s32 @!p0 $0x20, s23;
	[sflag:s29] =	ssyncset.done @!p0 $0x0  }
0x48: {  	s31 =	simm.s32 @!p0 $0x1;
	[sflag:s29] =	ssyncadd.s32 @!p0 $0xFFFFC000  }
0x49: {  	[tilespmem:s28], [sflag:$0x2] =	stream.linear.gather @!p0 [hbm4b:s30+s0], $0x100, $0x38;
	[tilespmem:$0x1BE00] =	vst v63  }
.Ltmp0:
0x4a: {  	_ =	swait.ge @!p0 [sflag:s31], $0x100;
	(pc) =	sbr.rel @p1 .LBB2_2-.Ltmp0, $4  }
0x4b: {  	s1 =	simm.s32 @!p0 $0x200;
	s29 =	simm.s32 @!p0 $0x80;
	[sflag:s31] =	ssyncset.done @!p0 $0x0  }
0x4c: {  	s18 =	sadd.s32 $0xFFFFFFFE, s24;
	s30 =	simm.s32 @!p0 $0x2;
	[sflag:s31] =	ssyncadd.s32 @!p0 $0xFFFFFF00  }
0x4d: {  	[tilespmem:s1], [sflag:$0x3] =	stream.indirect.gather @!p0 [hbm4b:s4+s29], $0x80, s0, s29, $0xb8;
	[tilespmem:$0x1BE00] =	vst v63  }
0x4e: {  	p2 =	sge.u32 s18, s6;
	s23 =	sadd.s32 $0x40, s23;
	_ =	swait.ge @!p0 [sflag:s30], $0x100  }
0x4f: {  	[sflag:s30] =	ssyncset.done @!p0 $0x0  }
0x50: {  	s0 =	simm.s32 @!p2 $0x3;
	[sflag:s30] =	ssyncadd.s32 @!p0 $0xFFFFFF00  }
0x51: {  	[tilespmem:s26], [sflag:$0x4] =	stream.indirect.gather @!p0 [hbm4b:s4+s29], $0x80, s28, s29, $0xb8;
	[tilespmem:$0x1BE00] =	vst v63  }
0x52: {  	_ =	swait.ge @!p2 [sflag:s0], $0x4000  }
0x53: {  	s1 =	simm.s32 @!p2 $0x4;
	[sflag:s0] =	ssyncset.done @!p2 $0x0  }
0x54: {  	s18 =	simm.s32 @!p2 $0x80;
	s25 =	simm.s32 @!p2 $0x200;
	[sflag:s0] =	ssyncadd.s32 @!p2 $0xFFFFC000  }
0x55: {  	[spmem:s2] =	stream.indirect.scatter.add.f32 @!p2 [tilespmem:s25], [sflag:$0x5], $0x80, s18, s18, $0xb8;
	[tilespmem:$0x1BE00] =	vst v63  }
0x56: {  	p0 =	sge.u32 @!p2 s24, s6;
	_ =	swait.ge @!p2 [sflag:s1], $0x4000  }
0x57: {  	s24 =	simm.s32 @!p2 $0x180;
	p0 =	por p0, p2;
	[sflag:s1] =	ssyncset.done @!p2 $0x0  }
0x58: {  	s0 =	simm.s32 @!p2 $0x4200;
	[sflag:s1] =	ssyncadd.s32 @!p2 $0xFFFFC000;
	s1 =	simm.s32 @!p0 $0x5  }
0x59: {  	[spmem:s2] =	stream.indirect.scatter.add.f32 @!p2 [tilespmem:s0], [sflag:$0x6], $0x80, s24, s18, $0xb8;
	[tilespmem:$0x1BE00] =	vst v63  }
0x5a: {  	_ =	swait.ge @!p0 [sflag:s1], $0x4000  }
0x5b: {  	[sflag:s1] =	ssyncset.done @!p0 $0x0  }
0x5c: {  	s0 =	simm.s32 @!p0 $0x0;
	[sflag:s1] =	ssyncadd.s32 @!p0 $0xFFFFC000;
	s1 =	simm.s32 @!p0 $0x6  }
0x5d: {  	[tilespmem:s0], [sflag:$0x1] =	stream.linear.gather @!p0 [hbm4b:s23+s0], $0x100, $0x38;
	[tilespmem:$0x1BE00] =	vst v63  }
0x5e: {  	_ =	swait.ge @!p0 [sflag:s1], $0x4000  }
0x5f: {  	s18 =	sadd.s32 @!p0 $0x20, s23;
	[sflag:s1] =	ssyncset.done @!p0 $0x0  }
0x60: {  	s23 =	simm.s32 @!p0 $0x100;
	[sflag:s1] =	ssyncadd.s32 @!p0 $0xFFFFC000;
	s1 =	simm.s32 @!p0 $0x1  }
0x61: {  	[tilespmem:s23], [sflag:$0x2] =	stream.linear.gather @!p0 [hbm4b:s18+s0], $0x100, $0x38;
	[tilespmem:$0x1BE00] =	vst v63  }
0x62: {  	_ =	swait.ge @!p0 [sflag:s1], $0x100  }
0x63: {  	s24 =	simm.s32 @!p0 $0x200;
	[sflag:s1] =	ssyncset.done @!p0 $0x0  }
0x64: {  	s18 =	simm.s32 @!p0 $0x80;
	[sflag:s1] =	ssyncadd.s32 @!p0 $0xFFFFFF00;
	s1 =	simm.s32 @!p0 $0x2  }
0x65: {  	[tilespmem:s24], [sflag:$0x3] =	stream.indirect.gather @!p0 [hbm4b:s4+s18], $0x80, s0, s18, $0xb8;
	[tilespmem:$0x1BE00] =	vst v63  }
0x66: {  	_ =	swait.ge @!p0 [sflag:s1], $0x100  }
0x67: {  	[sflag:s1] =	ssyncset.done @!p0 $0x0  }
0x68: {  	s0 =	simm.s32 @!p0 $0x4200;
	[sflag:s1] =	ssyncadd.s32 @!p0 $0xFFFFFF00  }
0x69: {  	[tilespmem:s0], [sflag:$0x4] =	stream.indirect.gather @!p0 [hbm4b:s4+s18], $0x80, s23, s18, $0xb8;
	[tilespmem:$0x1BE00] =	vst v63  }
0x6a: {  	_ =	swait.ge [sflag:s20], $0x4000  }
0x6b: {  	[sflag:s20] =	ssyncset.done $0x0  }
0x6c: {  	[sflag:s20] =	ssyncadd.s32 $0xFFFFC000  }
0x6d: {  	_ =	swait.ge [sflag:s21], $0x4000  }
0x6e: {  	s22 =	sadd.s32 $0x1, s22;
	[sflag:s21] =	ssyncset.done $0x0  }
0x6f: {  	p0 =	sne.s32 s22, s11;
	[sflag:s21] =	ssyncadd.s32 $0xFFFFC000  }
.Ltmp1:
0x70: {  	[bflag:$0x0] =	sbarrier.arrive $0xFFFF;
	(pc) =	sbr.rel @p0 .LBB2_1-.Ltmp1, $4  }
0x71: {  	[hbm:s10], [sflag:s7] =	dma.local [spmem:s13], $0x2780  }
0x72: {  	_ =	swait.ge [sflag:s14], $0x2780  }
0x73: {  	[sflag:s14] =	ssyncset.done $0x0  }
0x74: {  	[sflag:s14] =	ssyncadd.s32 $0xFFFFD880  }
0x75: {  	_ =	sfence.sel $0x180000  }
0x76: {  	[bflag:$0x0] =	sbarrier.arrive $0xFFFF  }
0x77: {  	_ =	strace $0x90000050  }
0x78: {  	s0 =	stileid.u32;
	[bflag:$0x2] =	sbarrier.arrive $0xFFFF  }
0x79: {  	p0 =	sne.s32 s0, $0x0;
	s0 =	rddreg [dreg:$0x2]  }
0x7a: {  	s0 =	sadd.s32 @!p0 $0x100000, s0  }
0x7b: {  	[sflag:s0] =	ssyncadd.tile.s32 @!p0 $0x1;
	_ =	shalt  }
.Lfunc_end2:
_tile_overlayer_lowered:
.L_overlay_start_2:
0x7c: {  	(tag) =	ssettag $0x2  }
0x7d: {  	s0 =	rddreg [dreg:$0x0];
	s2 =	stileid.u32  }
0x7e: {  	s1 =	rddreg [dreg:$0x1];
	p0 =	sne.s32 s2, $0x0  }
0x7f: {  	s3 =	rddreg [dreg:$0x2];
	[bflag:$0x3] =	sbarrier.arrive $0xFFFF;
	s2 =	simm.s32 @!p0 $0x1C07  }
0x80: {  	[timem:s3], [sflag:s2] =	dma.local @!p0 [hbm:s0], s1  }
0x81: {  	s0 =	simm.s32 @!p0 $0x7  }
0x82: {  	_ =	swait.ge @!p0 [sflag:s0], s1  }
0x83: {  	s1 =	ssub.s32 @!p0 $0x0, s1;
	[sflag:s0] =	ssyncset.done @!p0 $0x0  }
0x84: {  	[sflag:s0] =	ssyncadd.s32 @!p0 s1  }
0x85: {  	[bflag:$0x3] =	sbarrier.arrive $0xFFFF  }
0x86: {  	_ =	shalt  }

// kernel: kernel.24.cloned.1.call-start
scs
__scs_entry_jumppad:
0x0: {  	(pc) =	sbr.rel $0x88, $3  }
0x1: {  	(tag) =	ssettag $0x0;
	lr =	simm.s32 $0x1  }
0x2: {  	[smem:$0x3F8B] =	sst lr;
	_ =	strace $0xD0000000  }
0x3: {  	_ = 	snop  }
0x4: {  	_ = 	snop  }
0x5: {  	_ = 	snop  }
0x6: {  	_ = 	snop  }
0x7: {  	_ = 	snop  }
__scs_overlays_trampoline_lowered:
0x8: {  	[smem:$0x3F9A] =	sst s0  }
0x9: {  	[smem:$0x3F9B] =	sst s1  }
0xa: {  	[smem:$0x3F9C] =	sst s2  }
0xb: {  	[smem:$0x3F9D] =	sst s3  }
0xc: {  	[smem:$0x3F9E] =	sst s4  }
0xd: {  	[smem:$0x3F9F] =	sst s5  }
0xe: {  	[smem:$0x3FA0] =	sst s6  }
0xf: {  	[smem:$0x3FA1] =	sst s7  }
0x10: {  	[smem:$0x3FA2] =	sst s8  }
0x11: {  	[smem:$0x3FA3] =	sst s9;
	s0 =	simm.s32 @!p0 $0x0  }
0x12: {  	s1 =	sld [smem:$0x3F89];
	s0 =	simm.s32 @p0 $0x1  }
0x13: {  	[smem:$0x3FA4] =	sst s0;
	s0 =	simm.s32 @!p1 $0x0  }
0x14: {  	s2 =	sld [smem:$0x3F88];
	s0 =	simm.s32 @p1 $0x1  }
0x15: {  	[smem:$0x3FA5] =	sst s0;
	s0 =	simm.s32 @!p2 $0x0  }
0x16: {  	s3 =	sld [smem:$0x3FDB];
	s0 =	simm.s32 @p2 $0x1  }
0x17: {  	s4 =	simm.s32 $0x1BF5;
	[smem:$0x3FA7] =	sst s0  }
0x18: {  	s0 =	sld [smem:$0x3F8A];
	_ =	swait.ge [sflag:s4], $0x0  }
0x19: {  	s7 =	sld [smem:$0x3F8B]  }
0x1a: {  	s8 =	sadd.s32 $0xFFFFE003, lr  }
0x1b: {  	s9 =	sadd.s32 $0xFFFFFEF7, lr;
	s5 =	simm.s32 $0xFFFFFFFF;
	p2 =	slt.u32 s8, $0xFFFFF086  }
0x1c: {  	p1 =	slt.u32 s9, $0xF7A;
	s5 =	simm.s32 @!p2 $0x0  }
0x1d: {  	s5 =	simm.s32 @p1 $0x1;
	p0 =	seq.s32 s7, s2  }
0x1e: {  	s7 =	smul.u32 @!p0 $0xF7A, s2;
	p2 =	seq.s32 @!p0 s5, $0x0  }
0x1f: {  	s9 =	smul.u32 $0xF7A, s1;
	s8 =	simm.s32 @!p0 $0x1BF5;
	p2 =	por !p2, p0  }
0x20: {  	[sflag:s8] =	ssyncset.s32 @!p0 $0xFFFFF086;
	s6 =	sadd.s32 @!p0 s3, s7;
	s7 =	simm.s32 @!p0 $0x108  }
0x21: {  	s3 =	sadd.s32 s3, s9;
	s6 =	sadd.s32 @!p0 $0x88, s6;
	s7 =	simm.s32 @p2 $0x1082  }
0x22: {  	[simem:s7], [sflag:s8] =	dma.local @!p0 [hbm:s6], $0xF7A  }
0x23: {  	s9 =	sor.u32 $0xD0000000, s2;
	s6 =	simm.s32 $0x108;
	_ =	swait.ge @!p0 [sflag:s8], $0x0  }
0x24: {  	s3 =	sadd.s32 $0x88, s3;
	s6 =	simm.s32 @!p1 $0x1082;
	[sflag:s4] =	ssyncset.s32 $0xFFFFF086  }
0x25: {  	[simem:s6], [sflag:s4] =	dma.local [hbm:s3], $0xF7A  }
0x26: {  	[smem:$0x3F8B] =	sst s1;
	(tag) =	ssettag s2;
	_ =	strace s9  }
0x27: {  	s1 =	sld [smem:$0x3F9B]  }
0x28: {  	s2 =	sld [smem:$0x3F9C]  }
0x29: {  	s4 =	sld [smem:$0x3F9E]  }
0x2a: {  	p0 =	seq.s32 s5, $0x0;
	s5 =	sld [smem:$0x3F9F]  }
0x2b: {  	s6 =	sld [smem:$0x3FA0]  }
0x2c: {  	s7 =	sld [smem:$0x3FA1]  }
0x2d: {  	s3 =	simm.s32 $0x108;
	s8 =	sld [smem:$0x3FA2]  }
0x2e: {  	s3 =	simm.s32 @!p0 $0x1082;
	s9 =	sld [smem:$0x3FA3]  }
0x2f: {  	lr =	sadd.s32 s0, s3;
	s0 =	sld [smem:$0x3F9A]  }
0x30: {  	s3 =	sld [smem:$0x3F9D]  }
0x31: {  	[smem:$0x3FA6] =	sst s10  }
0x32: {  	s10 =	sld [smem:$0x3FA4];
	_ =	sdelay $0x3  }
0x33: {  	p0 =	seq.s32 s10, $0x1;
	s10 =	sld [smem:$0x3FA6];
	_ =	sdelay $0x3  }
0x34: {  	[smem:$0x3FA6] =	sst s10  }
0x35: {  	s10 =	sld [smem:$0x3FA5];
	_ =	sdelay $0x3  }
0x36: {  	p1 =	seq.s32 s10, $0x1;
	s10 =	sld [smem:$0x3FA6];
	_ =	sdelay $0x3  }
0x37: {  	[smem:$0x3FA6] =	sst s10  }
0x38: {  	s10 =	sld [smem:$0x3FA7]  }
0x39: {  	_ = 	snop;
	(pc) =	sbr.ind lr, $3  }
0x3a: {  	_ = 	snop  }
0x3b: {  	_ = 	snop  }
0x3c: {  	p2 =	seq.s32 s10, $0x1;
	s10 =	sld [smem:$0x3FA6]  }
0x3d: {  	_ =	shalt  }
0x3e: {  	_ =	shalt  }
0x3f: {  	_ =	shalt  }
0x40: {  	_ =	shalt  }
0x41: {  	_ =	shalt  }
0x42: {  	_ =	shalt  }
0x43: {  	_ =	shalt  }
0x44: {  	_ =	shalt  }
0x45: {  	_ =	shalt  }
0x46: {  	_ =	shalt  }
0x47: {  	_ =	shalt  }
0x48: {  	_ =	shalt  }
0x49: {  	_ =	shalt  }
0x4a: {  	_ =	shalt  }
0x4b: {  	_ =	shalt  }
0x4c: {  	_ =	shalt  }
0x4d: {  	_ =	shalt  }
0x4e: {  	_ =	shalt  }
0x4f: {  	_ =	shalt  }
0x50: {  	_ =	shalt  }
0x51: {  	_ =	shalt  }
0x52: {  	_ =	shalt  }
0x53: {  	_ =	shalt  }
0x54: {  	_ =	shalt  }
0x55: {  	_ =	shalt  }
0x56: {  	_ =	shalt  }
0x57: {  	_ =	shalt  }
0x58: {  	_ =	shalt  }
0x59: {  	_ =	shalt  }
0x5a: {  	_ =	shalt  }
0x5b: {  	_ =	shalt  }
0x5c: {  	_ =	shalt  }
0x5d: {  	_ =	shalt  }
0x5e: {  	_ =	shalt  }
0x5f: {  	_ =	shalt  }
0x60: {  	_ =	shalt  }
0x61: {  	_ =	shalt  }
0x62: {  	_ =	shalt  }
0x63: {  	_ =	shalt  }
0x64: {  	_ =	shalt  }
0x65: {  	_ =	shalt  }
0x66: {  	_ =	shalt  }
0x67: {  	_ =	shalt  }
0x68: {  	_ =	shalt  }
0x69: {  	_ =	shalt  }
0x6a: {  	_ =	shalt  }
0x6b: {  	_ =	shalt  }
0x6c: {  	_ =	shalt  }
0x6d: {  	_ =	shalt  }
0x6e: {  	_ =	shalt  }
0x6f: {  	_ =	shalt  }
0x70: {  	_ =	shalt  }
0x71: {  	_ =	shalt  }
0x72: {  	_ =	shalt  }
0x73: {  	_ =	shalt  }
0x74: {  	_ =	shalt  }
0x75: {  	_ =	shalt  }
0x76: {  	_ =	shalt  }
0x77: {  	_ =	shalt  }
0x78: {  	_ =	shalt  }
0x79: {  	_ =	shalt  }
0x7a: {  	_ =	shalt  }
0x7b: {  	_ =	shalt  }
0x7c: {  	_ =	shalt  }
0x7d: {  	_ =	shalt  }
0x7e: {  	_ =	shalt  }
0x7f: {  	_ =	shalt  }
0x80: {  	_ =	shalt  }
0x81: {  	_ =	shalt  }
0x82: {  	_ =	shalt  }
0x83: {  	_ =	shalt  }
0x84: {  	_ =	shalt  }
0x85: {  	_ =	shalt  }
0x86: {  	_ =	shalt  }
0x87: {  	_ =	shalt  }
.Lfunc_end0:
.L_simem_size_0:
called_computation.4_lowered:
.L_overlay_start_0:
0x88: {  	s2 =	sld [smem:$0x3FD9]  }
0x89: {  	s3 =	sld [smem:$0x3FFE];
	_ =	sdelay $0x1  }
0x8a: {  	s1 =	srdreg.scid  }
0x8b: {  	s0 =	sand.u32 $0x1, s1  }
0x8c: {  	s16 =	sshll.u32 s0, $0xA;
	s2 =	sadd.s32 s3, s2  }
0x8d: {  	s2 =	sadd.s32 s2, s16  }
0x8e: {  	[smem:$0x3FB2] =	sst s2  }
0x8f: {  	_ = 	snop  }
0x90: {  	(tm) =	ssettm $0x1  }
0x91: {  	s17 =	sld [smem:$0x3FFB];
	_ =	sdelay $0x3  }
0x92: {  	_ =	strace s17  }
0x93: {  	s2 =	sld [smem:$0x3FFC];
	_ =	sdelay $0x3  }
0x94: {  	_ =	strace s2  }
0x95: {  	s2 =	sld [smem:$0x3FFD];
	_ =	sdelay $0x3  }
0x96: {  	_ =	strace s2  }
0x97: {  	_ =	strace $0x8FFFFFFF  }
0x98: {  	s18 =	sld [smem:$0x3FDB];
	_ =	sdelay $0x1  }
0x99: {  	s19 =	simm.s32 $_scs_section_size  }
0x9a: {  	s4 =	simm.s32 $_size__tile_overlayer_lowered;
	s5 =	simm.s32 $_tile_overlayer_lowered  }
0x9b: {  	s22 =	simm.s32 $0x1BFF;
	s21 =	sshll.u32 s5, $0x1;
	s2 =	sadd.s32 s19, s18  }
0x9c: {  	s6 =	simm.s32 $0x0;
	s20 =	sshll.u32 s4, $0x1;
	s4 =	sadd.s32 s21, s2  }
0x9d: {  	[timem:s6], [sflag:s22] =	dma.local [hbm:s4], s20  }
0x9e: {  	_ =	swait.ge [sflag:s22], s20  }
0x9f: {  	s3 =	ssub.s32 $0x0, s20;
	[sflag:s22] =	ssyncset.done $0x0  }
0xa0: {  	[sflag:s22] =	ssyncadd.s32 s3;
	_ =	sdelay $0x1  }
0xa1: {  	s23 =	simm.s32 $0x1B8B  }
0xa2: {  	_ =	swait.ge [sflag:s23], $0x1  }
0xa3: {  	[sflag:s23] =	ssyncset.done $0x0  }
0xa4: {  	s25 =	simm.s32 $0x1B8E;
	s24 =	sld [smem:$0x3FFE];
	[sflag:s23] =	ssyncadd.s32 $0xFFFFFFFF  }
0xa5: {  	s26 =	simm.s32 $execute0_lowered;
	[smem:$0x3FD2] =	sst s25  }
0xa6: {  	s4 =	sshll.u32 s26, $0x1;
	_ =	strace $0x80000052;
	[dreg:$0x1] =	wrdreg $0xFFFFFFFF  }
0xa7: {  	s28 =	simm.s32 $_size_execute0_lowered;
	s2 =	sadd.s32 s2, s4;
	[dreg:$0x0] =	wrdreg $0x0  }
0xa8: {  	s4 =	sshll.u32 s28, $0x1;
	[dreg:$0x2] =	wrdreg s2  }
0xa9: {  	[dreg:$0x3] =	wrdreg s4  }
0xaa: {  	[dreg:$0x4] =	wrdreg $0xC0  }
0xab: {  	_ =	task [dreg:s6], $0x5FFFF  }
0xac: {  	[dreg:$0x1] =	wrdreg $0xFFFFFFFF  }
0xad: {  	[dreg:$0x0] =	wrdreg $0x60  }
0xae: {  	[dreg:$0x2] =	wrdreg s24  }
0xaf: {  	[dreg:$0x3] =	wrdreg $0x82000  }
0xb0: {  	[dreg:$0x4] =	wrdreg $0x9  }
0xb1: {  	_ =	task.clear_ibuf [dreg:s6], $0x5FFFF;
	_ =	strace $0x90000052  }
0xb2: {  	s29 =	simm.s32 $0x9;
	_ =	strace $0x80000054  }
0xb3: {  	_ =	swait.ge [sflag:s29], $0x1  }
0xb4: {  	[sflag:s29] =	ssyncadd.s32 $0xFFFFFFFF  }
0xb5: {  	_ =	strace $0x90000054  }
0xb6: {  	_ =	sfence  }
0xb7: {  	s30 =	sld [smem:$0x0];
	_ =	sdelay $0x2  }
0xb8: {  	s31 =	sshll.u32 s1, $0xD;
	s1 =	sshrl.u32 s1, $0x2  }
0xb9: {  	s3 =	sand.u32 $0x4000, s31;
	s1 =	sadd.s32 s1, s30  }
0xba: {  	s0 =	sor.u32 s3, s0;
	s1 =	sshll.u32 s1, $0x11  }
0xbb: {  	s0 =	sor.u32 s1, s0  }
0xbc: {  	s0 =	sadd.s32 $0x8F2B, s0  }
0xbd: {  	[sflag:s0] =	ssyncadd.remote.s32 $0x1  }
0xbe: {  	_ =	sfence.sel $0xFFFF  }
0xbf: {  	[dreg:$0x0] =	wrdreg $0xFFFFFFFF;
	(pc) =	sbr.abs _section_cstart, $3  }
0xc0: {  	[dreg:$0x1] =	wrdreg $0xFFFFFFFF  }
0xc1: {  	_ =	task.clear_ibuf [dreg:s6], $0x2FFFF;
	_ =	strace $0x9FFFFFFF  }
0xc2: {  	(tm) =	ssettm $0x7FFFFFFF  }
0xc3: {  	_ =	shalt  }
tec
execute0_lowered:
.L_overlay_start_1:
0x0: {  	(tag) =	ssettag $0x1  }
0x1: {  	s6 =	rddreg [dreg:$0x0]  }
0x2: {  	s2 =	rddreg [dreg:$0x1];
	s0 =	stileid.u32;
	s3 =	simm.s32 $0x0  }
0x3: {  	s4 =	srdreg.scid;
	s15 =	simm.s32 $0x100;
	s16 =	simm.s32 $0x1  }
0x4: {  	s17 =	simm.s32 $0x80;
	s19 =	simm.s32 $0x4200;
	s5 =	smul.u32 $0x26, s0  }
0x5: {  	s20 =	simm.s32 $0x5;
	s7 =	sand.u32 $0x1, s4;
	s4 =	smul.u32 $0x78, s0  }
0x6: {  	s21 =	simm.s32 $0x6;
	s22 =	simm.s32 $0x0;
	s9 =	smul.u32 $0x13C00, s0  }
0x7: {  	[smem:$0x7FF] =	sst s3;
	s10 =	smul.u32 $0x4F000, s0;
	s31 =	sshll.u32 s0, $0x6  }
0x8: {  	p0 =	seq.s32 s7, $0x0;
	s8 =	smul.u32 $0x13C000, s7;
	s7 =	ssub.s32 $0x2, s7  }
0x9: {  	_ =	strace $0x80000053;
	s5 =	sadd.s32 $0x780, s5;
	s29 =	sshrl.u32 s7, $0x1  }
0xa: {  	s30 =	sshrl.u32 s10, $0x2;
	s5 =	smov.u32 @p0 s4;
	s4 =	sadd.s32 $0x1CC00, s6  }
0xb: {  	s28 =	sadd.s32 s9, s8;
	s13 =	ssub.s32 s7, s29;
	s5 =	sshll.u32 s5, $0x5  }
0xc: {  	s14 =	sadd.s32 s30, s2;
	s8 =	sshrl.u32 s28, $0x3;
	s12 =	sadd.s32 s5, s6  }
0xd: {  	s5 =	sadd.s32 $0x1A400, s6;
	s11 =	sadd.s32 s8, s6;
	s6 =	simm.s32 $0x78  }
0xe: {  	s7 =	sor.u32 $0x1C07, s31;
	s6 =	simm.s32 @!p0 $0x26;
	s8 =	sadd.s32 $0x6600, s12  }
0xf: {  	s9 =	sadd.s32 $0x6620, s12;
	s10 =	sadd.s32 $0x43E00, s11;
	s11 =	smax.u32 s13, $0x1  }
0x10: {  	s12 =	sadd.s32 $0x6640, s12;
	s13 =	sshrl.u32 s14, $0x3;
	s14 =	simm.s32 $0x7  }
.LBB2_1:
0x11: {  	[spmem:s13], [sflag:s7] =	dma.local [hbm:s5], $0x2780  }
0x12: {  	_ =	swait.ge [sflag:s14], $0x2780  }
0x13: {  	[sflag:s14] =	ssyncset.done $0x0  }
0x14: {  	[sflag:s14] =	ssyncadd.s32 $0xFFFFD880  }
0x15: {  	[tilespmem:s3], [sflag:$0x1] =	stream.linear.gather [hbm4b:s8+s3], $0x100, $0x38;
	[tilespmem:$0x1BE00] =	vst v63  }
0x16: {  	_ = 	snop  }
0x17: {  	[tilespmem:s15], [sflag:$0x2] =	stream.linear.gather [hbm4b:s9+s3], $0x100, $0x38;
	[tilespmem:$0x1BE00] =	vst v63  }
0x18: {  	[bflag:$0x0] =	sbarrier.arrive $0xFFFF  }
0x19: {  	_ =	swait.ge [sflag:s16], $0x100  }
0x1a: {  	[sflag:s16] =	ssyncset.done $0x0  }
0x1b: {  	s0 =	simm.s32 $0x200;
	s23 =	simm.s32 $0x2;
	[sflag:s16] =	ssyncadd.s32 $0xFFFFFF00  }
0x1c: {  	[tilespmem:s0], [sflag:$0x3] =	stream.indirect.gather [hbm4b:s4+s17], $0x80, s3, s17, $0xb8;
	[tilespmem:$0x1BE00] =	vst v63  }
0x1d: {  	_ =	swait.ge [sflag:s23], $0x100  }
0x1e: {  	p1 =	sle.u32 s6, $0x0;
	[sflag:s23] =	ssyncset.done $0x0  }
0x1f: {  	[sflag:s23] =	ssyncadd.s32 $0xFFFFFF00;
	s23 =	simm.s32 @!p1 $0x3  }
0x20: {  	[tilespmem:s19], [sflag:$0x4] =	stream.indirect.gather [hbm4b:s4+s17], $0x80, s15, s17, $0xb8;
	[tilespmem:$0x1BE00] =	vst v63  }
0x21: {  	_ =	swait.ge @!p1 [sflag:s23], $0x4000  }
0x22: {  	s24 =	simm.s32 @!p1 $0x4;
	[sflag:s23] =	ssyncset.done @!p1 $0x0  }
0x23: {  	s25 =	simm.s32 @!p1 $0x80;
	s26 =	simm.s32 @!p1 $0x200;
	[sflag:s23] =	ssyncadd.s32 @!p1 $0xFFFFC000  }
0x24: {  	[spmem:s2] =	stream.indirect.scatter.add.f32 @!p1 [tilespmem:s26], [sflag:$0x5], $0x80, s25, s25, $0xb8;
	[tilespmem:$0x1BE00] =	vst v63  }
0x25: {  	p0 =	sle.u32 @!p1 s6, $0x2;
	_ =	swait.ge @!p1 [sflag:s24], $0x4000  }
0x26: {  	p0 =	por p0, p1;
	s23 =	simm.s32 @!p1 $0x4200;
	[sflag:s24] =	ssyncset.done @!p1 $0x0  }
0x27: {  	s26 =	simm.s32 @!p1 $0x180;
	[sflag:s24] =	ssyncadd.s32 @!p1 $0xFFFFC000;
	s24 =	simm.s32 @!p0 $0x5  }
0x28: {  	[spmem:s2] =	stream.indirect.scatter.add.f32 @!p1 [tilespmem:s23], [sflag:$0x6], $0x80, s26, s25, $0xb8;
	[tilespmem:$0x1BE00] =	vst v63  }
0x29: {  	_ =	swait.ge @!p0 [sflag:s24], $0x4000  }
0x2a: {  	[sflag:s24] =	ssyncset.done @!p0 $0x0  }
0x2b: {  	s23 =	simm.s32 @!p0 $0x0;
	[sflag:s24] =	ssyncadd.s32 @!p0 $0xFFFFC000;
	s24 =	simm.s32 @!p0 $0x6  }
0x2c: {  	[tilespmem:s23], [sflag:$0x1] =	stream.linear.gather @!p0 [hbm4b:s12+s23], $0x100, $0x38;
	[tilespmem:$0x1BE00] =	vst v63  }
0x2d: {  	_ =	swait.ge @!p0 [sflag:s24], $0x4000  }
0x2e: {  	s28 =	simm.s32 @!p0 $0x100;
	[sflag:s24] =	ssyncset.done @!p0 $0x0  }
0x2f: {  	s25 =	sadd.s32 @!p0 $0x20, s12;
	s26 =	simm.s32 @!p0 $0x1;
	[sflag:s24] =	ssyncadd.s32 @!p0 $0xFFFFC000  }
0x30: {  	[tilespmem:s28], [sflag:$0x2] =	stream.linear.gather @!p0 [hbm4b:s25+s23], $0x100, $0x38;
	[tilespmem:$0x1BE00] =	vst v63  }
0x31: {  	p2 =	sle.u32 s6, $0x2;
	s29 =	simm.s32 @!p0 $0x80;
	_ =	swait.ge @!p0 [sflag:s26], $0x100  }
0x32: {  	s30 =	simm.s32 @!p0 $0x2;
	s24 =	simm.s32 $0x4;
	[sflag:s26] =	ssyncset.done @!p0 $0x0  }
0x33: {  	s25 =	simm.s32 @!p0 $0x200;
	[sflag:s26] =	ssyncadd.s32 @!p0 $0xFFFFFF00;
	s26 =	simm.s32 @!p0 $0x4200  }
0x34: {  	[tilespmem:s25], [sflag:$0x3] =	stream.indirect.gather @!p0 [hbm4b:s4+s29], $0x80, s23, s29, $0xb8;
	[tilespmem:$0x1BE00] =	vst v63  }
0x35: {  	s25 =	simm.s32 $0x6;
	s23 =	sadd.s32 $0x40, s12;
	_ =	swait.ge @!p0 [sflag:s30], $0x100  }
.LBB2_2:
0x36: {  	s31 =	simm.s32 @!p2 $0x3  }
0x37: {  	[sflag:s30] =	ssyncset.done @!p0 $0x0;
	s0 =	smov.u32 s25;
	s25 =	sadd.s32 $0x2, s25  }
0x38: {  	p1 =	sne.s32 s25, $0x7A;
	[sflag:s30] =	ssyncadd.s32 @!p0 $0xFFFFFF00  }
0x39: {  	[tilespmem:s26], [sflag:$0x4] =	stream.indirect.gather @!p0 [hbm4b:s4+s29], $0x80, s28, s29, $0xb8;
	[tilespmem:$0x1BE00] =	vst v63  }
0x3a: {  	s26 =	simm.s32 @!p2 $0x4;
	_ =	swait.ge @!p2 [sflag:s31], $0x4000  }
0x3b: {  	s28 =	simm.s32 @!p2 $0x80;
	s29 =	simm.s32 @!p2 $0x200;
	[sflag:s31] =	ssyncset.done @!p2 $0x0  }
0x3c: {  	[sflag:s31] =	ssyncadd.s32 @!p2 $0xFFFFC000  }
0x3d: {  	[spmem:s2] =	stream.indirect.scatter.add.f32 @!p2 [tilespmem:s29], [sflag:$0x5], $0x80, s28, s28, $0xb8;
	[tilespmem:$0x1BE00] =	vst v63  }
0x3e: {  	p0 =	sge.u32 @!p2 s24, s6;
	s29 =	simm.s32 @!p2 $0x4200;
	_ =	swait.ge @!p2 [sflag:s26], $0x4000  }
0x3f: {  	s24 =	simm.s32 @!p2 $0x180;
	p0 =	por p0, p2;
	[sflag:s26] =	ssyncset.done @!p2 $0x0  }
0x40: {  	s30 =	simm.s32 @!p0 $0x5;
	[sflag:s26] =	ssyncadd.s32 @!p2 $0xFFFFC000;
	s26 =	simm.s32 @!p0 $0x4200  }
0x41: {  	[spmem:s2] =	stream.indirect.scatter.add.f32 @!p2 [tilespmem:s29], [sflag:$0x6], $0x80, s24, s28, $0xb8;
	[tilespmem:$0x1BE00] =	vst v63  }
0x42: {  	s24 =	smov.u32 s0;
	_ =	swait.ge @!p0 [sflag:s30], $0x4000  }
0x43: {  	s0 =	simm.s32 @!p0 $0x0;
	[sflag:s30] =	ssyncset.done @!p0 $0x0  }
0x44: {  	s29 =	simm.s32 @!p0 $0x6;
	[sflag:s30] =	ssyncadd.s32 @!p0 $0xFFFFC000  }
0x45: {  	[tilespmem:s0], [sflag:$0x1] =	stream.linear.gather @!p0 [hbm4b:s23+s0], $0x100, $0x38;
	[tilespmem:$0x1BE00] =	vst v63  }
0x46: {  	_ =	swait.ge @!p0 [sflag:s29], $0x4000  }
0x47: {  	s28 =	simm.s32 @!p0 $0x100;
	s30 =	sadd.s32 @!p0 $0x20, s23;
	[sflag:s29] =	ssyncset.done @!p0 $0x0  }
0x48: {  	s31 =	simm.s32 @!p0 $0x1;
	[sflag:s29] =	ssyncadd.s32 @!p0 $0xFFFFC000  }
0x49: {  	[tilespmem:s28], [sflag:$0x2] =	stream.linear.gather @!p0 [hbm4b:s30+s0], $0x100, $0x38;
	[tilespmem:$0x1BE00] =	vst v63  }
.Ltmp0:
0x4a: {  	_ =	swait.ge @!p0 [sflag:s31], $0x100;
	(pc) =	sbr.rel @p1 .LBB2_2-.Ltmp0, $4  }
0x4b: {  	s1 =	simm.s32 @!p0 $0x200;
	s29 =	simm.s32 @!p0 $0x80;
	[sflag:s31] =	ssyncset.done @!p0 $0x0  }
0x4c: {  	s18 =	sadd.s32 $0xFFFFFFFE, s24;
	s30 =	simm.s32 @!p0 $0x2;
	[sflag:s31] =	ssyncadd.s32 @!p0 $0xFFFFFF00  }
0x4d: {  	[tilespmem:s1], [sflag:$0x3] =	stream.indirect.gather @!p0 [hbm4b:s4+s29], $0x80, s0, s29, $0xb8;
	[tilespmem:$0x1BE00] =	vst v63  }
0x4e: {  	p2 =	sge.u32 s18, s6;
	s23 =	sadd.s32 $0x40, s23;
	_ =	swait.ge @!p0 [sflag:s30], $0x100  }
0x4f: {  	[sflag:s30] =	ssyncset.done @!p0 $0x0  }
0x50: {  	s0 =	simm.s32 @!p2 $0x3;
	[sflag:s30] =	ssyncadd.s32 @!p0 $0xFFFFFF00  }
0x51: {  	[tilespmem:s26], [sflag:$0x4] =	stream.indirect.gather @!p0 [hbm4b:s4+s29], $0x80, s28, s29, $0xb8;
	[tilespmem:$0x1BE00] =	vst v63  }
0x52: {  	_ =	swait.ge @!p2 [sflag:s0], $0x4000  }
0x53: {  	s1 =	simm.s32 @!p2 $0x4;
	[sflag:s0] =	ssyncset.done @!p2 $0x0  }
0x54: {  	s18 =	simm.s32 @!p2 $0x80;
	s25 =	simm.s32 @!p2 $0x200;
	[sflag:s0] =	ssyncadd.s32 @!p2 $0xFFFFC000  }
0x55: {  	[spmem:s2] =	stream.indirect.scatter.add.f32 @!p2 [tilespmem:s25], [sflag:$0x5], $0x80, s18, s18, $0xb8;
	[tilespmem:$0x1BE00] =	vst v63  }
0x56: {  	p0 =	sge.u32 @!p2 s24, s6;
	_ =	swait.ge @!p2 [sflag:s1], $0x4000  }
0x57: {  	s24 =	simm.s32 @!p2 $0x180;
	p0 =	por p0, p2;
	[sflag:s1] =	ssyncset.done @!p2 $0x0  }
0x58: {  	s0 =	simm.s32 @!p2 $0x4200;
	[sflag:s1] =	ssyncadd.s32 @!p2 $0xFFFFC000;
	s1 =	simm.s32 @!p0 $0x5  }
0x59: {  	[spmem:s2] =	stream.indirect.scatter.add.f32 @!p2 [tilespmem:s0], [sflag:$0x6], $0x80, s24, s18, $0xb8;
	[tilespmem:$0x1BE00] =	vst v63  }
0x5a: {  	_ =	swait.ge @!p0 [sflag:s1], $0x4000  }
0x5b: {  	[sflag:s1] =	ssyncset.done @!p0 $0x0  }
0x5c: {  	s0 =	simm.s32 @!p0 $0x0;
	[sflag:s1] =	ssyncadd.s32 @!p0 $0xFFFFC000;
	s1 =	simm.s32 @!p0 $0x6  }
0x5d: {  	[tilespmem:s0], [sflag:$0x1] =	stream.linear.gather @!p0 [hbm4b:s23+s0], $0x100, $0x38;
	[tilespmem:$0x1BE00] =	vst v63  }
0x5e: {  	_ =	swait.ge @!p0 [sflag:s1], $0x4000  }
0x5f: {  	s18 =	sadd.s32 @!p0 $0x20, s23;
	[sflag:s1] =	ssyncset.done @!p0 $0x0  }
0x60: {  	s23 =	simm.s32 @!p0 $0x100;
	[sflag:s1] =	ssyncadd.s32 @!p0 $0xFFFFC000;
	s1 =	simm.s32 @!p0 $0x1  }
0x61: {  	[tilespmem:s23], [sflag:$0x2] =	stream.linear.gather @!p0 [hbm4b:s18+s0], $0x100, $0x38;
	[tilespmem:$0x1BE00] =	vst v63  }
0x62: {  	_ =	swait.ge @!p0 [sflag:s1], $0x100  }
0x63: {  	s24 =	simm.s32 @!p0 $0x200;
	[sflag:s1] =	ssyncset.done @!p0 $0x0  }
0x64: {  	s18 =	simm.s32 @!p0 $0x80;
	[sflag:s1] =	ssyncadd.s32 @!p0 $0xFFFFFF00;
	s1 =	simm.s32 @!p0 $0x2  }
0x65: {  	[tilespmem:s24], [sflag:$0x3] =	stream.indirect.gather @!p0 [hbm4b:s4+s18], $0x80, s0, s18, $0xb8;
	[tilespmem:$0x1BE00] =	vst v63  }
0x66: {  	_ =	swait.ge @!p0 [sflag:s1], $0x100  }
0x67: {  	[sflag:s1] =	ssyncset.done @!p0 $0x0  }
0x68: {  	s0 =	simm.s32 @!p0 $0x4200;
	[sflag:s1] =	ssyncadd.s32 @!p0 $0xFFFFFF00  }
0x69: {  	[tilespmem:s0], [sflag:$0x4] =	stream.indirect.gather @!p0 [hbm4b:s4+s18], $0x80, s23, s18, $0xb8;
	[tilespmem:$0x1BE00] =	vst v63  }
0x6a: {  	_ =	swait.ge [sflag:s20], $0x4000  }
0x6b: {  	[sflag:s20] =	ssyncset.done $0x0  }
0x6c: {  	[sflag:s20] =	ssyncadd.s32 $0xFFFFC000  }
0x6d: {  	_ =	swait.ge [sflag:s21], $0x4000  }
0x6e: {  	s22 =	sadd.s32 $0x1, s22;
	[sflag:s21] =	ssyncset.done $0x0  }
0x6f: {  	p0 =	sne.s32 s22, s11;
	[sflag:s21] =	ssyncadd.s32 $0xFFFFC000  }
.Ltmp1:
0x70: {  	[bflag:$0x0] =	sbarrier.arrive $0xFFFF;
	(pc) =	sbr.rel @p0 .LBB2_1-.Ltmp1, $4  }
0x71: {  	[hbm:s10], [sflag:s7] =	dma.local [spmem:s13], $0x2780  }
0x72: {  	_ =	swait.ge [sflag:s14], $0x2780  }
0x73: {  	[sflag:s14] =	ssyncset.done $0x0  }
0x74: {  	[sflag:s14] =	ssyncadd.s32 $0xFFFFD880  }
0x75: {  	_ =	sfence.sel $0x180000  }
0x76: {  	[bflag:$0x0] =	sbarrier.arrive $0xFFFF  }
0x77: {  	_ =	strace $0x90000053  }
0x78: {  	s0 =	stileid.u32;
	[bflag:$0x2] =	sbarrier.arrive $0xFFFF  }
0x79: {  	p0 =	sne.s32 s0, $0x0;
	s0 =	rddreg [dreg:$0x2]  }
0x7a: {  	s0 =	sadd.s32 @!p0 $0x100000, s0  }
0x7b: {  	[sflag:s0] =	ssyncadd.tile.s32 @!p0 $0x1;
	_ =	shalt  }
.Lfunc_end2:
_tile_overlayer_lowered:
.L_overlay_start_2:
0x7c: {  	(tag) =	ssettag $0x2  }
0x7d: {  	s0 =	rddreg [dreg:$0x0];
	s2 =	stileid.u32  }
0x7e: {  	s1 =	rddreg [dreg:$0x1];
	p0 =	sne.s32 s2, $0x0  }
0x7f: {  	s3 =	rddreg [dreg:$0x2];
	[bflag:$0x3] =	sbarrier.arrive $0xFFFF;
	s2 =	simm.s32 @!p0 $0x1C07  }
0x80: {  	[timem:s3], [sflag:s2] =	dma.local @!p0 [hbm:s0], s1  }
0x81: {  	s0 =	simm.s32 @!p0 $0x7  }
0x82: {  	_ =	swait.ge @!p0 [sflag:s0], s1  }
0x83: {  	s1 =	ssub.s32 @!p0 $0x0, s1;
	[sflag:s0] =	ssyncset.done @!p0 $0x0  }
0x84: {  	[sflag:s0] =	ssyncadd.s32 @!p0 s1  }
0x85: {  	[bflag:$0x3] =	sbarrier.arrive $0xFFFF  }
0x86: {  	_ =	shalt  }

</sc_bundles>
